<compile_context>
chip_gen: v7x
topology: tpu7x:2x2x1
jax: 0.10.2.dev20260603
libtpu: 0.0.44.dev20260713+nightly
codegen_flags: <defaults>
</compile_context>

<pallas_src>
import functools

import jax
import jax.numpy as jnp
from jax import lax
from jax.experimental import pallas as pl
from jax.experimental.pallas import tpu as pltpu
from jax.experimental.pallas import tpu_sc as plsc

B = 16384
D = 64

_info = plsc.get_sparse_core_info()
NC, NS = _info.num_cores, _info.num_subcores
NW = NC * NS
BPW = B // NW
CHUNK = 128
NCHUNK = BPW // CHUNK

_mesh = plsc.VectorSubcoreMesh(core_axis_name="c", subcore_axis_name="s")


@functools.partial(
    pl.kernel,
    mesh=_mesh,
    out_type=jax.ShapeDtypeStruct((B, 4 * D), jnp.float32),
    scratch_types=[
        pltpu.VMEM((2, 3, CHUNK), jnp.int32),
        pltpu.VMEM((2, CHUNK, 4 * D), jnp.float32),
        pltpu.VMEM((2, CHUNK, 2 * D), jnp.float32),
        pltpu.SemaphoreType.DMA((2,)),
        pltpu.SemaphoreType.DMA((2,)),
        pltpu.SemaphoreType.DMA((2,)),
    ],
)
def _emb_fused(iga_hbm, io_hbm, iz_hbm, wga_hbm, wo2_hbm, wz2_hbm,
               out_hbm, idx_v, stg_v, zb_v, si, sg, so):
    wid = lax.axis_index("s") * NC + lax.axis_index("c")

    def idx_copies(c):
        p = c % 2
        gc = wid * NCHUNK + c
        return [
            pltpu.async_copy(iga_hbm.at[gc], idx_v.at[p, 0], si.at[p]),
            pltpu.async_copy(io_hbm.at[gc], idx_v.at[p, 1], si.at[p]),
            pltpu.async_copy(iz_hbm.at[gc], idx_v.at[p, 2], si.at[p]),
        ]

    def gather_copies(c):
        p = c % 2
        stg = stg_v.at[p]
        return [
            pltpu.async_copy(wga_hbm.at[idx_v.at[p, 0]],
                             stg.at[:, pl.ds(0, 128)], sg.at[p]),
            pltpu.async_copy(wo2_hbm.at[idx_v.at[p, 1]],
                             stg.at[:, pl.ds(128, 128)], sg.at[p]),
            pltpu.async_copy(wz2_hbm.at[idx_v.at[p, 2]], zb_v.at[p],
                             sg.at[p]),
        ]

    def assemble(c):
        p = c % 2

        def body(r, _):
            for j in range(4):
                stg_v[p, r, pl.ds(3 * D + 16 * j, 16)] = (
                    zb_v[p, r, pl.ds(16 * j, 16)])
            return 0

        lax.fori_loop(0, CHUNK, body, 0, unroll=2)

    def out_copy(c):
        p = c % 2
        return pltpu.async_copy(
            stg_v.at[p],
            out_hbm.at[pl.ds((wid * NCHUNK + c) * CHUNK, CHUNK)], so.at[p])

    ic = {0: idx_copies(0)}
    for cp in ic[0]:
        cp.wait()
    g = {0: gather_copies(0)}
    if NCHUNK > 1:
        ic[1] = idx_copies(1)
    o = {}
    for c in range(NCHUNK):
        if c >= 1:
            for cp in o[c - 1]:
                cp.wait()
        if c + 1 < NCHUNK:
            for cp in ic[c + 1]:
                cp.wait()
            g[c + 1] = gather_copies(c + 1)
        for cp in g[c]:
            cp.wait()
        if c + 2 < NCHUNK:
            ic[c + 2] = idx_copies(c + 2)
        assemble(c)
        o[c] = [out_copy(c)]
    for cp in o[NCHUNK - 1]:
        cp.wait()


def kernel(x, W_gender, W_age, W_occupation, W_area):
    xi = x.astype(jnp.int32)
    wid_of_row = jnp.arange(B, dtype=jnp.int32) // BPW
    idx_ga = (xi[:, 0] * 7 + xi[:, 1] + wid_of_row * 14).reshape(B // 128, 128)
    idx_o = (xi[:, 2] + wid_of_row * 21).reshape(B // 128, 128)
    idx_z = xi[:, 3].reshape(B // 128, 128)
    w_ga = jnp.tile(jnp.concatenate(
        (jnp.repeat(W_gender, 7, axis=0), jnp.tile(W_age, (2, 1))), axis=1
    ), (NW, 1))
    w_o2 = jnp.tile(
        jnp.concatenate((W_occupation, W_occupation), axis=1), (NW, 1)
    )
    w_z2 = jnp.pad(W_area, ((0, 0), (0, D)))
    return _emb_fused(idx_ga, idx_o, idx_z, w_ga, w_o2, w_z2)

# --- scband reference (transcript-rebuilt; emitter-appended) ---
"""Pipeline reference for scband-ml-user-28999619183239 (READ-ONLY COPY).

The authoritative reference and input builder live on the scoring server;
editing this copy changes nothing except your own understanding.
"""

import jax, jax.numpy as jnp
import numpy as np

B = 16384
D = 64
NUM_GENDER = 2
NUM_AGE = 7
NUM_OCCUPATION = 21
NUM_ZIPCODE = 100000


def setup_inputs(seed: int = 0) -> dict:
    key = jax.random.key(seed)
    ks = jax.random.split(key, 8)
    g = jax.random.randint(ks[0], (B,), 0, NUM_GENDER)
    a = jax.random.randint(ks[1], (B,), 0, NUM_AGE)
    o = jax.random.randint(ks[2], (B,), 0, NUM_OCCUPATION)
    z = jax.random.randint(ks[3], (B,), 0, NUM_ZIPCODE)
    x = jnp.stack([g, a, o, z], axis=1)
    W_gender = jax.random.normal(ks[4], (NUM_GENDER, D), dtype=jnp.float32)
    W_age = jax.random.normal(ks[5], (NUM_AGE, D), dtype=jnp.float32)
    W_occupation = jax.random.normal(ks[6], (NUM_OCCUPATION, D), dtype=jnp.float32)
    W_area = jax.random.normal(ks[7], (NUM_ZIPCODE, D), dtype=jnp.float32)
    return {"x": x, "W_gender": W_gender, "W_age": W_age, "W_occupation": W_occupation, "W_area": W_area}


def reference(x, W_gender, W_age, W_occupation, W_area):
    gender_idx = x[:, 0]
    age_idx = x[:, 1]
    occupation_idx = x[:, 2]
    area_idx = x[:, 3]
    gender_emb = jnp.take(W_gender, gender_idx, axis=0)
    age_emb = jnp.take(W_age, age_idx, axis=0)
    occupation_emb = jnp.take(W_occupation, occupation_idx, axis=0)
    area_emb = jnp.take(W_area, area_idx, axis=0)
    concat_emb = jnp.concatenate((gender_emb, age_emb, occupation_emb, area_emb), axis=1)
    return concat_emb

if __name__ == "__main__":
    import jax
    _d = setup_inputs()
    print(jax.jit(kernel)(*tuple(_d.values())))

</pallas_src>

<mosaic_0001>
#map = affine_map<(d0, d1) -> (0, 0)>
module attributes {stable_mosaic.version = 14 : i64} {
  func.func @_emb_fused(%arg0: i32, %arg1: i32, %arg2: memref<128x128xi32, #tpu.memory_space<hbm>>, %arg3: memref<128x128xi32, #tpu.memory_space<hbm>>, %arg4: memref<128x128xi32, #tpu.memory_space<hbm>>, %arg5: memref<448x128xf32, #tpu.memory_space<hbm>>, %arg6: memref<672x128xf32, #tpu.memory_space<hbm>>, %arg7: memref<100000x128xf32, #tpu.memory_space<hbm>>, %arg8: memref<16384x256xf32, #tpu.memory_space<hbm>>, %arg9: memref<2x3x128xi32, #tpu.memory_space<vmem>>, %arg10: memref<2x128x256xf32, #tpu.memory_space<vmem>>, %arg11: memref<2x128x128xf32, #tpu.memory_space<vmem>>, %arg12: memref<2x!tpu.dma_semaphore, #tpu.memory_space<semaphore_mem>>, %arg13: memref<2x!tpu.dma_semaphore, #tpu.memory_space<semaphore_mem>>, %arg14: memref<2x!tpu.dma_semaphore, #tpu.memory_space<semaphore_mem>>) attributes {dimension_semantics = [#tpu.dimension_semantics<core_parallel>, #tpu.dimension_semantics<subcore_parallel>], iteration_bounds = array<i64: 2, 16>, scalar_prefetch = 0 : i64, scratch_operands = 6 : i64, tpu.core_type = #tpu.core_type<sc_vector_subcore>, window_params = [{transform_indices = #map}, {transform_indices = #map}, {transform_indices = #map}, {transform_indices = #map}, {transform_indices = #map}, {transform_indices = #map}, {transform_indices = #map}]} {
    %mul3A = arith.constant 2 : i32
    %mul3A_0 = arith.muli %arg1, %mul3A : i32
    %add3A = arith.addi %mul3A_0, %arg0 : i32
    %mul3A_1 = arith.constant 4 : i32
    %mul3A_2 = arith.muli %add3A, %mul3A_1 : i32
    %add3A_3 = arith.constant 0 : i32
    %add3A_4 = arith.addi %mul3A_2, %add3A_3 : i32
    %dma_start3A = arith.constant 0 : i32
    %dma_start3A_5 = arith.constant 0 : i32
    %dma_start3A_6 = arith.constant 0 : i32
    %dma_start3A_7 = arith.constant 0 : i32
    %dma_start3A_8 = tpu.memref_slice %arg9[%dma_start3A, %dma_start3A_5, %dma_start3A_7] : memref<2x3x128xi32, #tpu.memory_space<vmem>> -> memref<1x1x128xi32, #tpu.memory_space<vmem>>
    %dma_start3A_9 = tpu.memref_squeeze %dma_start3A_8 : memref<1x1x128xi32, #tpu.memory_space<vmem>> -> memref<128xi32, #tpu.memory_space<vmem>>
    %dma_start3A_10 = arith.constant 0 : i32
    %dma_start3A_11 = tpu.memref_slice %arg2[%add3A_4, %dma_start3A_10] : memref<128x128xi32, #tpu.memory_space<hbm>> -> memref<1x128xi32, #tpu.memory_space<hbm>>
    %dma_start3A_12 = tpu.memref_squeeze %dma_start3A_11 : memref<1x128xi32, #tpu.memory_space<hbm>> -> memref<128xi32, #tpu.memory_space<hbm>>
    %dma_start3A_13 = tpu.memref_slice %arg12[%dma_start3A_6] : memref<2x!tpu.dma_semaphore, #tpu.memory_space<semaphore_mem>> -> memref<1x!tpu.dma_semaphore, #tpu.memory_space<semaphore_mem>>
    %dma_start3A_14 = tpu.memref_squeeze %dma_start3A_13 : memref<1x!tpu.dma_semaphore, #tpu.memory_space<semaphore_mem>> -> memref<!tpu.dma_semaphore, #tpu.memory_space<semaphore_mem>>
    %dma_start3A_15 = arith.constant 0 : i32
    %dma_start3A_16 = tpu.memref_slice %arg9[%dma_start3A, %dma_start3A_5, %dma_start3A_15] : memref<2x3x128xi32, #tpu.memory_space<vmem>> -> memref<1x1x128xi32, #tpu.memory_space<vmem>>
    %dma_start3A_17 = tpu.memref_squeeze %dma_start3A_16 : memref<1x1x128xi32, #tpu.memory_space<vmem>> -> memref<128xi32, #tpu.memory_space<vmem>>
    %dma_start3A_18 = arith.constant 0 : i32
    %dma_start3A_19 = tpu.memref_slice %arg2[%add3A_4, %dma_start3A_18] : memref<128x128xi32, #tpu.memory_space<hbm>> -> memref<1x128xi32, #tpu.memory_space<hbm>>
    %dma_start3A_20 = tpu.memref_squeeze %dma_start3A_19 : memref<1x128xi32, #tpu.memory_space<hbm>> -> memref<128xi32, #tpu.memory_space<hbm>>
    tpu.enqueue_dma source(%dma_start3A_20 : memref<128xi32, #tpu.memory_space<hbm>>) target(%dma_start3A_17 : memref<128xi32, #tpu.memory_space<vmem>>) target_semaphore(%dma_start3A_14 : memref<!tpu.dma_semaphore, #tpu.memory_space<semaphore_mem>>)
    %dma_start3A_21 = arith.constant 0 : i32
    %dma_start3A_22 = arith.constant 1 : i32
    %dma_start3A_23 = arith.constant 0 : i32
    %dma_start3A_24 = arith.constant 0 : i32
    %dma_start3A_25 = tpu.memref_slice %arg9[%dma_start3A_21, %dma_start3A_22, %dma_start3A_24] : memref<2x3x128xi32, #tpu.memory_space<vmem>> -> memref<1x1x128xi32, #tpu.memory_space<vmem>>
    %dma_start3A_26 = tpu.memref_squeeze %dma_start3A_25 : memref<1x1x128xi32, #tpu.memory_space<vmem>> -> memref<128xi32, #tpu.memory_space<vmem>>
    %dma_start3A_27 = arith.constant 0 : i32
    %dma_start3A_28 = tpu.memref_slice %arg3[%add3A_4, %dma_start3A_27] : memref<128x128xi32, #tpu.memory_space<hbm>> -> memref<1x128xi32, #tpu.memory_space<hbm>>
    %dma_start3A_29 = tpu.memref_squeeze %dma_start3A_28 : memref<1x128xi32, #tpu.memory_space<hbm>> -> memref<128xi32, #tpu.memory_space<hbm>>
    %dma_start3A_30 = tpu.memref_slice %arg12[%dma_start3A_23] : memref<2x!tpu.dma_semaphore, #tpu.memory_space<semaphore_mem>> -> memref<1x!tpu.dma_semaphore, #tpu.memory_space<semaphore_mem>>
    %dma_start3A_31 = tpu.memref_squeeze %dma_start3A_30 : memref<1x!tpu.dma_semaphore, #tpu.memory_space<semaphore_mem>> -> memref<!tpu.dma_semaphore, #tpu.memory_space<semaphore_mem>>
    %dma_start3A_32 = arith.constant 0 : i32
    %dma_start3A_33 = tpu.memref_slice %arg9[%dma_start3A_21, %dma_start3A_22, %dma_start3A_32] : memref<2x3x128xi32, #tpu.memory_space<vmem>> -> memref<1x1x128xi32, #tpu.memory_space<vmem>>
    %dma_start3A_34 = tpu.memref_squeeze %dma_start3A_33 : memref<1x1x128xi32, #tpu.memory_space<vmem>> -> memref<128xi32, #tpu.memory_space<vmem>>
    %dma_start3A_35 = arith.constant 0 : i32
    %dma_start3A_36 = tpu.memref_slice %arg3[%add3A_4, %dma_start3A_35] : memref<128x128xi32, #tpu.memory_space<hbm>> -> memref<1x128xi32, #tpu.memory_space<hbm>>
    %dma_start3A_37 = tpu.memref_squeeze %dma_start3A_36 : memref<1x128xi32, #tpu.memory_space<hbm>> -> memref<128xi32, #tpu.memory_space<hbm>>
    tpu.enqueue_dma source(%dma_start3A_37 : memref<128xi32, #tpu.memory_space<hbm>>) target(%dma_start3A_34 : memref<128xi32, #tpu.memory_space<vmem>>) target_semaphore(%dma_start3A_31 : memref<!tpu.dma_semaphore, #tpu.memory_space<semaphore_mem>>)
    %dma_start3A_38 = arith.constant 0 : i32
    %dma_start3A_39 = arith.constant 2 : i32
    %dma_start3A_40 = arith.constant 0 : i32
    %dma_start3A_41 = arith.constant 0 : i32
    %dma_start3A_42 = tpu.memref_slice %arg9[%dma_start3A_38, %dma_start3A_39, %dma_start3A_41] : memref<2x3x128xi32, #tpu.memory_space<vmem>> -> memref<1x1x128xi32, #tpu.memory_space<vmem>>
    %dma_start3A_43 = tpu.memref_squeeze %dma_start3A_42 : memref<1x1x128xi32, #tpu.memory_space<vmem>> -> memref<128xi32, #tpu.memory_space<vmem>>
    %dma_start3A_44 = arith.constant 0 : i32
    %dma_start3A_45 = tpu.memref_slice %arg4[%add3A_4, %dma_start3A_44] : memref<128x128xi32, #tpu.memory_space<hbm>> -> memref<1x128xi32, #tpu.memory_space<hbm>>
    %dma_start3A_46 = tpu.memref_squeeze %dma_start3A_45 : memref<1x128xi32, #tpu.memory_space<hbm>> -> memref<128xi32, #tpu.memory_space<hbm>>
    %dma_start3A_47 = tpu.memref_slice %arg12[%dma_start3A_40] : memref<2x!tpu.dma_semaphore, #tpu.memory_space<semaphore_mem>> -> memref<1x!tpu.dma_semaphore, #tpu.memory_space<semaphore_mem>>
    %dma_start3A_48 = tpu.memref_squeeze %dma_start3A_47 : memref<1x!tpu.dma_semaphore, #tpu.memory_space<semaphore_mem>> -> memref<!tpu.dma_semaphore, #tpu.memory_space<semaphore_mem>>
    %dma_start3A_49 = arith.constant 0 : i32
    %dma_start3A_50 = tpu.memref_slice %arg9[%dma_start3A_38, %dma_start3A_39, %dma_start3A_49] : memref<2x3x128xi32, #tpu.memory_space<vmem>> -> memref<1x1x128xi32, #tpu.memory_space<vmem>>
    %dma_start3A_51 = tpu.memref_squeeze %dma_start3A_50 : memref<1x1x128xi32, #tpu.memory_space<vmem>> -> memref<128xi32, #tpu.memory_space<vmem>>
    %dma_start3A_52 = arith.constant 0 : i32
    %dma_start3A_53 = tpu.memref_slice %arg4[%add3A_4, %dma_start3A_52] : memref<128x128xi32, #tpu.memory_space<hbm>> -> memref<1x128xi32, #tpu.memory_space<hbm>>
    %dma_start3A_54 = tpu.memref_squeeze %dma_start3A_53 : memref<1x128xi32, #tpu.memory_space<hbm>> -> memref<128xi32, #tpu.memory_space<hbm>>
    tpu.enqueue_dma source(%dma_start3A_54 : memref<128xi32, #tpu.memory_space<hbm>>) target(%dma_start3A_51 : memref<128xi32, #tpu.memory_space<vmem>>) target_semaphore(%dma_start3A_48 : memref<!tpu.dma_semaphore, #tpu.memory_space<semaphore_mem>>)
    %dma_wait3A = arith.constant 0 : i32
    %dma_wait3A_55 = arith.constant 0 : i32
    %dma_wait3A_56 = arith.constant 0 : i32
    %dma_wait3A_57 = arith.constant 0 : i32
    %dma_wait3A_58 = tpu.memref_slice %arg9[%dma_wait3A, %dma_wait3A_55, %dma_wait3A_57] : memref<2x3x128xi32, #tpu.memory_space<vmem>> -> memref<1x1x128xi32, #tpu.memory_space<vmem>>
    %dma_wait3A_59 = tpu.memref_squeeze %dma_wait3A_58 : memref<1x1x128xi32, #tpu.memory_space<vmem>> -> memref<128xi32, #tpu.memory_space<vmem>>
    %dma_wait3A_60 = arith.constant 0 : i32
    %dma_wait3A_61 = tpu.memref_slice %arg2[%add3A_4, %dma_wait3A_60] : memref<128x128xi32, #tpu.memory_space<hbm>> -> memref<1x128xi32, #tpu.memory_space<hbm>>
    %dma_wait3A_62 = tpu.memref_squeeze %dma_wait3A_61 : memref<1x128xi32, #tpu.memory_space<hbm>> -> memref<128xi32, #tpu.memory_space<hbm>>
    %dma_wait3A_63 = tpu.memref_slice %arg12[%dma_wait3A_56] : memref<2x!tpu.dma_semaphore, #tpu.memory_space<semaphore_mem>> -> memref<1x!tpu.dma_semaphore, #tpu.memory_space<semaphore_mem>>
    %dma_wait3A_64 = tpu.memref_squeeze %dma_wait3A_63 : memref<1x!tpu.dma_semaphore, #tpu.memory_space<semaphore_mem>> -> memref<!tpu.dma_semaphore, #tpu.memory_space<semaphore_mem>>
    %dma_wait3A_65 = arith.constant 0 : i32
    %dma_wait3A_66 = tpu.memref_slice %arg9[%dma_wait3A, %dma_wait3A_55, %dma_wait3A_65] : memref<2x3x128xi32, #tpu.memory_space<vmem>> -> memref<1x1x128xi32, #tpu.memory_space<vmem>>
    %dma_wait3A_67 = tpu.memref_squeeze %dma_wait3A_66 : memref<1x1x128xi32, #tpu.memory_space<vmem>> -> memref<128xi32, #tpu.memory_space<vmem>>
    %dma_wait3A_68 = arith.constant 0 : i32
    %dma_wait3A_69 = tpu.memref_slice %arg2[%add3A_4, %dma_wait3A_68] : memref<128x128xi32, #tpu.memory_space<hbm>> -> memref<1x128xi32, #tpu.memory_space<hbm>>
    %dma_wait3A_70 = tpu.memref_squeeze %dma_wait3A_69 : memref<1x128xi32, #tpu.memory_space<hbm>> -> memref<128xi32, #tpu.memory_space<hbm>>
    tpu.wait_dma2 semaphore(%dma_wait3A_64 : memref<!tpu.dma_semaphore, #tpu.memory_space<semaphore_mem>>) src(%dma_wait3A_70 : memref<128xi32, #tpu.memory_space<hbm>>) dst(%dma_wait3A_67 : memref<128xi32, #tpu.memory_space<vmem>>)
    %dma_wait3A_71 = arith.constant 0 : i32
    %dma_wait3A_72 = arith.constant 1 : i32
    %dma_wait3A_73 = arith.constant 0 : i32
    %dma_wait3A_74 = arith.constant 0 : i32
    %dma_wait3A_75 = tpu.memref_slice %arg9[%dma_wait3A_71, %dma_wait3A_72, %dma_wait3A_74] : memref<2x3x128xi32, #tpu.memory_space<vmem>> -> memref<1x1x128xi32, #tpu.memory_space<vmem>>
    %dma_wait3A_76 = tpu.memref_squeeze %dma_wait3A_75 : memref<1x1x128xi32, #tpu.memory_space<vmem>> -> memref<128xi32, #tpu.memory_space<vmem>>
    %dma_wait3A_77 = arith.constant 0 : i32
    %dma_wait3A_78 = tpu.memref_slice %arg3[%add3A_4, %dma_wait3A_77] : memref<128x128xi32, #tpu.memory_space<hbm>> -> memref<1x128xi32, #tpu.memory_space<hbm>>
    %dma_wait3A_79 = tpu.memref_squeeze %dma_wait3A_78 : memref<1x128xi32, #tpu.memory_space<hbm>> -> memref<128xi32, #tpu.memory_space<hbm>>
    %dma_wait3A_80 = tpu.memref_slice %arg12[%dma_wait3A_73] : memref<2x!tpu.dma_semaphore, #tpu.memory_space<semaphore_mem>> -> memref<1x!tpu.dma_semaphore, #tpu.memory_space<semaphore_mem>>
    %dma_wait3A_81 = tpu.memref_squeeze %dma_wait3A_80 : memref<1x!tpu.dma_semaphore, #tpu.memory_space<semaphore_mem>> -> memref<!tpu.dma_semaphore, #tpu.memory_space<semaphore_mem>>
    %dma_wait3A_82 = arith.constant 0 : i32
    %dma_wait3A_83 = tpu.memref_slice %arg9[%dma_wait3A_71, %dma_wait3A_72, %dma_wait3A_82] : memref<2x3x128xi32, #tpu.memory_space<vmem>> -> memref<1x1x128xi32, #tpu.memory_space<vmem>>
    %dma_wait3A_84 = tpu.memref_squeeze %dma_wait3A_83 : memref<1x1x128xi32, #tpu.memory_space<vmem>> -> memref<128xi32, #tpu.memory_space<vmem>>
    %dma_wait3A_85 = arith.constant 0 : i32
    %dma_wait3A_86 = tpu.memref_slice %arg3[%add3A_4, %dma_wait3A_85] : memref<128x128xi32, #tpu.memory_space<hbm>> -> memref<1x128xi32, #tpu.memory_space<hbm>>
    %dma_wait3A_87 = tpu.memref_squeeze %dma_wait3A_86 : memref<1x128xi32, #tpu.memory_space<hbm>> -> memref<128xi32, #tpu.memory_space<hbm>>
    tpu.wait_dma2 semaphore(%dma_wait3A_81 : memref<!tpu.dma_semaphore, #tpu.memory_space<semaphore_mem>>) src(%dma_wait3A_87 : memref<128xi32, #tpu.memory_space<hbm>>) dst(%dma_wait3A_84 : memref<128xi32, #tpu.memory_space<vmem>>)
    %dma_wait3A_88 = arith.constant 0 : i32
    %dma_wait3A_89 = arith.constant 2 : i32
    %dma_wait3A_90 = arith.constant 0 : i32
    %dma_wait3A_91 = arith.constant 0 : i32
    %dma_wait3A_92 = tpu.memref_slice %arg9[%dma_wait3A_88, %dma_wait3A_89, %dma_wait3A_91] : memref<2x3x128xi32, #tpu.memory_space<vmem>> -> memref<1x1x128xi32, #tpu.memory_space<vmem>>
    %dma_wait3A_93 = tpu.memref_squeeze %dma_wait3A_92 : memref<1x1x128xi32, #tpu.memory_space<vmem>> -> memref<128xi32, #tpu.memory_space<vmem>>
    %dma_wait3A_94 = arith.constant 0 : i32
    %dma_wait3A_95 = tpu.memref_slice %arg4[%add3A_4, %dma_wait3A_94] : memref<128x128xi32, #tpu.memory_space<hbm>> -> memref<1x128xi32, #tpu.memory_space<hbm>>
    %dma_wait3A_96 = tpu.memref_squeeze %dma_wait3A_95 : memref<1x128xi32, #tpu.memory_space<hbm>> -> memref<128xi32, #tpu.memory_space<hbm>>
    %dma_wait3A_97 = tpu.memref_slice %arg12[%dma_wait3A_90] : memref<2x!tpu.dma_semaphore, #tpu.memory_space<semaphore_mem>> -> memref<1x!tpu.dma_semaphore, #tpu.memory_space<semaphore_mem>>
    %dma_wait3A_98 = tpu.memref_squeeze %dma_wait3A_97 : memref<1x!tpu.dma_semaphore, #tpu.memory_space<semaphore_mem>> -> memref<!tpu.dma_semaphore, #tpu.memory_space<semaphore_mem>>
    %dma_wait3A_99 = arith.constant 0 : i32
    %dma_wait3A_100 = tpu.memref_slice %arg9[%dma_wait3A_88, %dma_wait3A_89, %dma_wait3A_99] : memref<2x3x128xi32, #tpu.memory_space<vmem>> -> memref<1x1x128xi32, #tpu.memory_space<vmem>>
    %dma_wait3A_101 = tpu.memref_squeeze %dma_wait3A_100 : memref<1x1x128xi32, #tpu.memory_space<vmem>> -> memref<128xi32, #tpu.memory_space<vmem>>
    %dma_wait3A_102 = arith.constant 0 : i32
    %dma_wait3A_103 = tpu.memref_slice %arg4[%add3A_4, %dma_wait3A_102] : memref<128x128xi32, #tpu.memory_space<hbm>> -> memref<1x128xi32, #tpu.memory_space<hbm>>
    %dma_wait3A_104 = tpu.memref_squeeze %dma_wait3A_103 : memref<1x128xi32, #tpu.memory_space<hbm>> -> memref<128xi32, #tpu.memory_space<hbm>>
    tpu.wait_dma2 semaphore(%dma_wait3A_98 : memref<!tpu.dma_semaphore, #tpu.memory_space<semaphore_mem>>) src(%dma_wait3A_104 : memref<128xi32, #tpu.memory_space<hbm>>) dst(%dma_wait3A_101 : memref<128xi32, #tpu.memory_space<vmem>>)
    %dma_start3A_105 = arith.constant 0 : i32
    %dma_start3A_106 = arith.constant 0 : i32
    %dma_start3A_107 = arith.constant 0 : i32
    %dma_start3A_108 = arith.constant 0 : i32
    %dma_start3A_109 = arith.constant 0 : i32
    %dma_start3A_110 = arith.constant 0 : i32
    %dma_start3A_111 = tpu.memref_slice %arg10[%dma_start3A_107, %dma_start3A_109, %dma_start3A_110] : memref<2x128x256xf32, #tpu.memory_space<vmem>> -> memref<1x128x256xf32, #tpu.memory_space<vmem>>
    %dma_start3A_112 = tpu.memref_squeeze %dma_start3A_111 : memref<1x128x256xf32, #tpu.memory_space<vmem>> -> memref<128x256xf32, #tpu.memory_space<vmem>>
    %dma_start3A_113 = arith.constant 0 : i32
    %dma_start3A_114 = arith.constant 0 : i32
    %dma_start3A_115 = tpu.memref_slice %dma_start3A_112[%dma_start3A_113, %dma_start3A_114] : memref<128x256xf32, #tpu.memory_space<vmem>> -> memref<128x128xf32, #tpu.memory_space<vmem>>
    %dma_start3A_116 = arith.constant 0 : i32
    %dma_start3A_117 = tpu.memref_slice %arg9[%dma_start3A_105, %dma_start3A_106, %dma_start3A_116] : memref<2x3x128xi32, #tpu.memory_space<vmem>> -> memref<1x1x128xi32, #tpu.memory_space<vmem>>
    %dma_start3A_118 = tpu.memref_squeeze %dma_start3A_117 : memref<1x1x128xi32, #tpu.memory_space<vmem>> -> memref<128xi32, #tpu.memory_space<vmem>>
    %dma_start3A_119 = arith.constant 0 : i32
    %dma_start3A_120 = arith.constant 0 : i32
    %dma_start3A_121 = tpu.memref_slice %arg5[%dma_start3A_119, %dma_start3A_120] : memref<448x128xf32, #tpu.memory_space<hbm>> -> memref<448x128xf32, #tpu.memory_space<hbm>>
    %dma_start3A_122 = tpu.memref_slice %arg13[%dma_start3A_108] : memref<2x!tpu.dma_semaphore, #tpu.memory_space<semaphore_mem>> -> memref<1x!tpu.dma_semaphore, #tpu.memory_space<semaphore_mem>>
    %dma_start3A_123 = tpu.memref_squeeze %dma_start3A_122 : memref<1x!tpu.dma_semaphore, #tpu.memory_space<semaphore_mem>> -> memref<!tpu.dma_semaphore, #tpu.memory_space<semaphore_mem>>
    tpu.enqueue_indirect_dma source(%dma_start3A_121 : memref<448x128xf32, #tpu.memory_space<hbm>>) target(%dma_start3A_115 : memref<128x128xf32, #tpu.memory_space<vmem>>) offsets(%dma_start3A_118 : memref<128xi32, #tpu.memory_space<vmem>>) semaphore(%dma_start3A_123 : memref<!tpu.dma_semaphore, #tpu.memory_space<semaphore_mem>>)
    %dma_start3A_124 = arith.constant 0 : i32
    %dma_start3A_125 = arith.constant 1 : i32
    %dma_start3A_126 = arith.constant 0 : i32
    %dma_start3A_127 = arith.constant 0 : i32
    %dma_start3A_128 = arith.constant 0 : i32
    %dma_start3A_129 = arith.constant 0 : i32
    %dma_start3A_130 = tpu.memref_slice %arg10[%dma_start3A_126, %dma_start3A_128, %dma_start3A_129] : memref<2x128x256xf32, #tpu.memory_space<vmem>> -> memref<1x128x256xf32, #tpu.memory_space<vmem>>
    %dma_start3A_131 = tpu.memref_squeeze %dma_start3A_130 : memref<1x128x256xf32, #tpu.memory_space<vmem>> -> memref<128x256xf32, #tpu.memory_space<vmem>>
    %dma_start3A_132 = arith.constant 0 : i32
    %dma_start3A_133 = arith.constant 128 : i32
    %dma_start3A_134 = tpu.memref_slice %dma_start3A_131[%dma_start3A_132, %dma_start3A_133] : memref<128x256xf32, #tpu.memory_space<vmem>> -> memref<128x128xf32, #tpu.memory_space<vmem>>
    %dma_start3A_135 = arith.constant 0 : i32
    %dma_start3A_136 = tpu.memref_slice %arg9[%dma_start3A_124, %dma_start3A_125, %dma_start3A_135] : memref<2x3x128xi32, #tpu.memory_space<vmem>> -> memref<1x1x128xi32, #tpu.memory_space<vmem>>
    %dma_start3A_137 = tpu.memref_squeeze %dma_start3A_136 : memref<1x1x128xi32, #tpu.memory_space<vmem>> -> memref<128xi32, #tpu.memory_space<vmem>>
    %dma_start3A_138 = arith.constant 0 : i32
    %dma_start3A_139 = arith.constant 0 : i32
    %dma_start3A_140 = tpu.memref_slice %arg6[%dma_start3A_138, %dma_start3A_139] : memref<672x128xf32, #tpu.memory_space<hbm>> -> memref<672x128xf32, #tpu.memory_space<hbm>>
    %dma_start3A_141 = tpu.memref_slice %arg13[%dma_start3A_127] : memref<2x!tpu.dma_semaphore, #tpu.memory_space<semaphore_mem>> -> memref<1x!tpu.dma_semaphore, #tpu.memory_space<semaphore_mem>>
    %dma_start3A_142 = tpu.memref_squeeze %dma_start3A_141 : memref<1x!tpu.dma_semaphore, #tpu.memory_space<semaphore_mem>> -> memref<!tpu.dma_semaphore, #tpu.memory_space<semaphore_mem>>
    tpu.enqueue_indirect_dma source(%dma_start3A_140 : memref<672x128xf32, #tpu.memory_space<hbm>>) target(%dma_start3A_134 : memref<128x128xf32, #tpu.memory_space<vmem>>) offsets(%dma_start3A_137 : memref<128xi32, #tpu.memory_space<vmem>>) semaphore(%dma_start3A_142 : memref<!tpu.dma_semaphore, #tpu.memory_space<semaphore_mem>>)
    %dma_start3A_143 = arith.constant 0 : i32
    %dma_start3A_144 = arith.constant 2 : i32
    %dma_start3A_145 = arith.constant 0 : i32
    %dma_start3A_146 = arith.constant 0 : i32
    %dma_start3A_147 = arith.constant 0 : i32
    %dma_start3A_148 = arith.constant 0 : i32
    %dma_start3A_149 = tpu.memref_slice %arg11[%dma_start3A_145, %dma_start3A_147, %dma_start3A_148] : memref<2x128x128xf32, #tpu.memory_space<vmem>> -> memref<1x128x128xf32, #tpu.memory_space<vmem>>
    %dma_start3A_150 = tpu.memref_squeeze %dma_start3A_149 : memref<1x128x128xf32, #tpu.memory_space<vmem>> -> memref<128x128xf32, #tpu.memory_space<vmem>>
    %dma_start3A_151 = arith.constant 0 : i32
    %dma_start3A_152 = tpu.memref_slice %arg9[%dma_start3A_143, %dma_start3A_144, %dma_start3A_151] : memref<2x3x128xi32, #tpu.memory_space<vmem>> -> memref<1x1x128xi32, #tpu.memory_space<vmem>>
    %dma_start3A_153 = tpu.memref_squeeze %dma_start3A_152 : memref<1x1x128xi32, #tpu.memory_space<vmem>> -> memref<128xi32, #tpu.memory_space<vmem>>
    %dma_start3A_154 = arith.constant 0 : i32
    %dma_start3A_155 = arith.constant 0 : i32
    %dma_start3A_156 = tpu.memref_slice %arg7[%dma_start3A_154, %dma_start3A_155] : memref<100000x128xf32, #tpu.memory_space<hbm>> -> memref<100000x128xf32, #tpu.memory_space<hbm>>
    %dma_start3A_157 = tpu.memref_slice %arg13[%dma_start3A_146] : memref<2x!tpu.dma_semaphore, #tpu.memory_space<semaphore_mem>> -> memref<1x!tpu.dma_semaphore, #tpu.memory_space<semaphore_mem>>
    %dma_start3A_158 = tpu.memref_squeeze %dma_start3A_157 : memref<1x!tpu.dma_semaphore, #tpu.memory_space<semaphore_mem>> -> memref<!tpu.dma_semaphore, #tpu.memory_space<semaphore_mem>>
    tpu.enqueue_indirect_dma source(%dma_start3A_156 : memref<100000x128xf32, #tpu.memory_space<hbm>>) target(%dma_start3A_150 : memref<128x128xf32, #tpu.memory_space<vmem>>) offsets(%dma_start3A_153 : memref<128xi32, #tpu.memory_space<vmem>>) semaphore(%dma_start3A_158 : memref<!tpu.dma_semaphore, #tpu.memory_space<semaphore_mem>>)
    %mul3A_159 = arith.constant 4 : i32
    %mul3A_160 = arith.muli %add3A, %mul3A_159 : i32
    %add3A_161 = arith.constant 1 : i32
    %add3A_162 = arith.addi %mul3A_160, %add3A_161 : i32
    %dma_start3A_163 = arith.constant 1 : i32
    %dma_start3A_164 = arith.constant 0 : i32
    %dma_start3A_165 = arith.constant 1 : i32
    %dma_start3A_166 = arith.constant 0 : i32
    %dma_start3A_167 = tpu.memref_slice %arg9[%dma_start3A_163, %dma_start3A_164, %dma_start3A_166] : memref<2x3x128xi32, #tpu.memory_space<vmem>> -> memref<1x1x128xi32, #tpu.memory_space<vmem>>
    %dma_start3A_168 = tpu.memref_squeeze %dma_start3A_167 : memref<1x1x128xi32, #tpu.memory_space<vmem>> -> memref<128xi32, #tpu.memory_space<vmem>>
    %dma_start3A_169 = arith.constant 0 : i32
    %dma_start3A_170 = tpu.memref_slice %arg2[%add3A_162, %dma_start3A_169] : memref<128x128xi32, #tpu.memory_space<hbm>> -> memref<1x128xi32, #tpu.memory_space<hbm>>
    %dma_start3A_171 = tpu.memref_squeeze %dma_start3A_170 : memref<1x128xi32, #tpu.memory_space<hbm>> -> memref<128xi32, #tpu.memory_space<hbm>>
    %dma_start3A_172 = tpu.memref_slice %arg12[%dma_start3A_165] : memref<2x!tpu.dma_semaphore, #tpu.memory_space<semaphore_mem>> -> memref<1x!tpu.dma_semaphore, #tpu.memory_space<semaphore_mem>>
    %dma_start3A_173 = tpu.memref_squeeze %dma_start3A_172 : memref<1x!tpu.dma_semaphore, #tpu.memory_space<semaphore_mem>> -> memref<!tpu.dma_semaphore, #tpu.memory_space<semaphore_mem>>
    %dma_start3A_174 = arith.constant 0 : i32
    %dma_start3A_175 = tpu.memref_slice %arg9[%dma_start3A_163, %dma_start3A_164, %dma_start3A_174] : memref<2x3x128xi32, #tpu.memory_space<vmem>> -> memref<1x1x128xi32, #tpu.memory_space<vmem>>
    %dma_start3A_176 = tpu.memref_squeeze %dma_start3A_175 : memref<1x1x128xi32, #tpu.memory_space<vmem>> -> memref<128xi32, #tpu.memory_space<vmem>>
    %dma_start3A_177 = arith.constant 0 : i32
    %dma_start3A_178 = tpu.memref_slice %arg2[%add3A_162, %dma_start3A_177] : memref<128x128xi32, #tpu.memory_space<hbm>> -> memref<1x128xi32, #tpu.memory_space<hbm>>
    %dma_start3A_179 = tpu.memref_squeeze %dma_start3A_178 : memref<1x128xi32, #tpu.memory_space<hbm>> -> memref<128xi32, #tpu.memory_space<hbm>>
    tpu.enqueue_dma source(%dma_start3A_179 : memref<128xi32, #tpu.memory_space<hbm>>) target(%dma_start3A_176 : memref<128xi32, #tpu.memory_space<vmem>>) target_semaphore(%dma_start3A_173 : memref<!tpu.dma_semaphore, #tpu.memory_space<semaphore_mem>>)
    %dma_start3A_180 = arith.constant 1 : i32
    %dma_start3A_181 = arith.constant 1 : i32
    %dma_start3A_182 = arith.constant 1 : i32
    %dma_start3A_183 = arith.constant 0 : i32
    %dma_start3A_184 = tpu.memref_slice %arg9[%dma_start3A_180, %dma_start3A_181, %dma_start3A_183] : memref<2x3x128xi32, #tpu.memory_space<vmem>> -> memref<1x1x128xi32, #tpu.memory_space<vmem>>
    %dma_start3A_185 = tpu.memref_squeeze %dma_start3A_184 : memref<1x1x128xi32, #tpu.memory_space<vmem>> -> memref<128xi32, #tpu.memory_space<vmem>>
    %dma_start3A_186 = arith.constant 0 : i32
    %dma_start3A_187 = tpu.memref_slice %arg3[%add3A_162, %dma_start3A_186] : memref<128x128xi32, #tpu.memory_space<hbm>> -> memref<1x128xi32, #tpu.memory_space<hbm>>
    %dma_start3A_188 = tpu.memref_squeeze %dma_start3A_187 : memref<1x128xi32, #tpu.memory_space<hbm>> -> memref<128xi32, #tpu.memory_space<hbm>>
    %dma_start3A_189 = tpu.memref_slice %arg12[%dma_start3A_182] : memref<2x!tpu.dma_semaphore, #tpu.memory_space<semaphore_mem>> -> memref<1x!tpu.dma_semaphore, #tpu.memory_space<semaphore_mem>>
    %dma_start3A_190 = tpu.memref_squeeze %dma_start3A_189 : memref<1x!tpu.dma_semaphore, #tpu.memory_space<semaphore_mem>> -> memref<!tpu.dma_semaphore, #tpu.memory_space<semaphore_mem>>
    %dma_start3A_191 = arith.constant 0 : i32
    %dma_start3A_192 = tpu.memref_slice %arg9[%dma_start3A_180, %dma_start3A_181, %dma_start3A_191] : memref<2x3x128xi32, #tpu.memory_space<vmem>> -> memref<1x1x128xi32, #tpu.memory_space<vmem>>
    %dma_start3A_193 = tpu.memref_squeeze %dma_start3A_192 : memref<1x1x128xi32, #tpu.memory_space<vmem>> -> memref<128xi32, #tpu.memory_space<vmem>>
    %dma_start3A_194 = arith.constant 0 : i32
    %dma_start3A_195 = tpu.memref_slice %arg3[%add3A_162, %dma_start3A_194] : memref<128x128xi32, #tpu.memory_space<hbm>> -> memref<1x128xi32, #tpu.memory_space<hbm>>
    %dma_start3A_196 = tpu.memref_squeeze %dma_start3A_195 : memref<1x128xi32, #tpu.memory_space<hbm>> -> memref<128xi32, #tpu.memory_space<hbm>>
    tpu.enqueue_dma source(%dma_start3A_196 : memref<128xi32, #tpu.memory_space<hbm>>) target(%dma_start3A_193 : memref<128xi32, #tpu.memory_space<vmem>>) target_semaphore(%dma_start3A_190 : memref<!tpu.dma_semaphore, #tpu.memory_space<semaphore_mem>>)
    %dma_start3A_197 = arith.constant 1 : i32
    %dma_start3A_198 = arith.constant 2 : i32
    %dma_start3A_199 = arith.constant 1 : i32
    %dma_start3A_200 = arith.constant 0 : i32
    %dma_start3A_201 = tpu.memref_slice %arg9[%dma_start3A_197, %dma_start3A_198, %dma_start3A_200] : memref<2x3x128xi32, #tpu.memory_space<vmem>> -> memref<1x1x128xi32, #tpu.memory_space<vmem>>
    %dma_start3A_202 = tpu.memref_squeeze %dma_start3A_201 : memref<1x1x128xi32, #tpu.memory_space<vmem>> -> memref<128xi32, #tpu.memory_space<vmem>>
    %dma_start3A_203 = arith.constant 0 : i32
    %dma_start3A_204 = tpu.memref_slice %arg4[%add3A_162, %dma_start3A_203] : memref<128x128xi32, #tpu.memory_space<hbm>> -> memref<1x128xi32, #tpu.memory_space<hbm>>
    %dma_start3A_205 = tpu.memref_squeeze %dma_start3A_204 : memref<1x128xi32, #tpu.memory_space<hbm>> -> memref<128xi32, #tpu.memory_space<hbm>>
    %dma_start3A_206 = tpu.memref_slice %arg12[%dma_start3A_199] : memref<2x!tpu.dma_semaphore, #tpu.memory_space<semaphore_mem>> -> memref<1x!tpu.dma_semaphore, #tpu.memory_space<semaphore_mem>>
    %dma_start3A_207 = tpu.memref_squeeze %dma_start3A_206 : memref<1x!tpu.dma_semaphore, #tpu.memory_space<semaphore_mem>> -> memref<!tpu.dma_semaphore, #tpu.memory_space<semaphore_mem>>
    %dma_start3A_208 = arith.constant 0 : i32
    %dma_start3A_209 = tpu.memref_slice %arg9[%dma_start3A_197, %dma_start3A_198, %dma_start3A_208] : memref<2x3x128xi32, #tpu.memory_space<vmem>> -> memref<1x1x128xi32, #tpu.memory_space<vmem>>
    %dma_start3A_210 = tpu.memref_squeeze %dma_start3A_209 : memref<1x1x128xi32, #tpu.memory_space<vmem>> -> memref<128xi32, #tpu.memory_space<vmem>>
    %dma_start3A_211 = arith.constant 0 : i32
    %dma_start3A_212 = tpu.memref_slice %arg4[%add3A_162, %dma_start3A_211] : memref<128x128xi32, #tpu.memory_space<hbm>> -> memref<1x128xi32, #tpu.memory_space<hbm>>
    %dma_start3A_213 = tpu.memref_squeeze %dma_start3A_212 : memref<1x128xi32, #tpu.memory_space<hbm>> -> memref<128xi32, #tpu.memory_space<hbm>>
    tpu.enqueue_dma source(%dma_start3A_213 : memref<128xi32, #tpu.memory_space<hbm>>) target(%dma_start3A_210 : memref<128xi32, #tpu.memory_space<vmem>>) target_semaphore(%dma_start3A_207 : memref<!tpu.dma_semaphore, #tpu.memory_space<semaphore_mem>>)
    %dma_wait3A_214 = arith.constant 1 : i32
    %dma_wait3A_215 = arith.constant 0 : i32
    %dma_wait3A_216 = arith.constant 1 : i32
    %dma_wait3A_217 = arith.constant 0 : i32
    %dma_wait3A_218 = tpu.memref_slice %arg9[%dma_wait3A_214, %dma_wait3A_215, %dma_wait3A_217] : memref<2x3x128xi32, #tpu.memory_space<vmem>> -> memref<1x1x128xi32, #tpu.memory_space<vmem>>
    %dma_wait3A_219 = tpu.memref_squeeze %dma_wait3A_218 : memref<1x1x128xi32, #tpu.memory_space<vmem>> -> memref<128xi32, #tpu.memory_space<vmem>>
    %dma_wait3A_220 = arith.constant 0 : i32
    %dma_wait3A_221 = tpu.memref_slice %arg2[%add3A_162, %dma_wait3A_220] : memref<128x128xi32, #tpu.memory_space<hbm>> -> memref<1x128xi32, #tpu.memory_space<hbm>>
    %dma_wait3A_222 = tpu.memref_squeeze %dma_wait3A_221 : memref<1x128xi32, #tpu.memory_space<hbm>> -> memref<128xi32, #tpu.memory_space<hbm>>
    %dma_wait3A_223 = tpu.memref_slice %arg12[%dma_wait3A_216] : memref<2x!tpu.dma_semaphore, #tpu.memory_space<semaphore_mem>> -> memref<1x!tpu.dma_semaphore, #tpu.memory_space<semaphore_mem>>
    %dma_wait3A_224 = tpu.memref_squeeze %dma_wait3A_223 : memref<1x!tpu.dma_semaphore, #tpu.memory_space<semaphore_mem>> -> memref<!tpu.dma_semaphore, #tpu.memory_space<semaphore_mem>>
    %dma_wait3A_225 = arith.constant 0 : i32
    %dma_wait3A_226 = tpu.memref_slice %arg9[%dma_wait3A_214, %dma_wait3A_215, %dma_wait3A_225] : memref<2x3x128xi32, #tpu.memory_space<vmem>> -> memref<1x1x128xi32, #tpu.memory_space<vmem>>
    %dma_wait3A_227 = tpu.memref_squeeze %dma_wait3A_226 : memref<1x1x128xi32, #tpu.memory_space<vmem>> -> memref<128xi32, #tpu.memory_space<vmem>>
    %dma_wait3A_228 = arith.constant 0 : i32
    %dma_wait3A_229 = tpu.memref_slice %arg2[%add3A_162, %dma_wait3A_228] : memref<128x128xi32, #tpu.memory_space<hbm>> -> memref<1x128xi32, #tpu.memory_space<hbm>>
    %dma_wait3A_230 = tpu.memref_squeeze %dma_wait3A_229 : memref<1x128xi32, #tpu.memory_space<hbm>> -> memref<128xi32, #tpu.memory_space<hbm>>
    tpu.wait_dma2 semaphore(%dma_wait3A_224 : memref<!tpu.dma_semaphore, #tpu.memory_space<semaphore_mem>>) src(%dma_wait3A_230 : memref<128xi32, #tpu.memory_space<hbm>>) dst(%dma_wait3A_227 : memref<128xi32, #tpu.memory_space<vmem>>)
    %dma_wait3A_231 = arith.constant 1 : i32
    %dma_wait3A_232 = arith.constant 1 : i32
    %dma_wait3A_233 = arith.constant 1 : i32
    %dma_wait3A_234 = arith.constant 0 : i32
    %dma_wait3A_235 = tpu.memref_slice %arg9[%dma_wait3A_231, %dma_wait3A_232, %dma_wait3A_234] : memref<2x3x128xi32, #tpu.memory_space<vmem>> -> memref<1x1x128xi32, #tpu.memory_space<vmem>>
    %dma_wait3A_236 = tpu.memref_squeeze %dma_wait3A_235 : memref<1x1x128xi32, #tpu.memory_space<vmem>> -> memref<128xi32, #tpu.memory_space<vmem>>
    %dma_wait3A_237 = arith.constant 0 : i32
    %dma_wait3A_238 = tpu.memref_slice %arg3[%add3A_162, %dma_wait3A_237] : memref<128x128xi32, #tpu.memory_space<hbm>> -> memref<1x128xi32, #tpu.memory_space<hbm>>
    %dma_wait3A_239 = tpu.memref_squeeze %dma_wait3A_238 : memref<1x128xi32, #tpu.memory_space<hbm>> -> memref<128xi32, #tpu.memory_space<hbm>>
    %dma_wait3A_240 = tpu.memref_slice %arg12[%dma_wait3A_233] : memref<2x!tpu.dma_semaphore, #tpu.memory_space<semaphore_mem>> -> memref<1x!tpu.dma_semaphore, #tpu.memory_space<semaphore_mem>>
    %dma_wait3A_241 = tpu.memref_squeeze %dma_wait3A_240 : memref<1x!tpu.dma_semaphore, #tpu.memory_space<semaphore_mem>> -> memref<!tpu.dma_semaphore, #tpu.memory_space<semaphore_mem>>
    %dma_wait3A_242 = arith.constant 0 : i32
    %dma_wait3A_243 = tpu.memref_slice %arg9[%dma_wait3A_231, %dma_wait3A_232, %dma_wait3A_242] : memref<2x3x128xi32, #tpu.memory_space<vmem>> -> memref<1x1x128xi32, #tpu.memory_space<vmem>>
    %dma_wait3A_244 = tpu.memref_squeeze %dma_wait3A_243 : memref<1x1x128xi32, #tpu.memory_space<vmem>> -> memref<128xi32, #tpu.memory_space<vmem>>
    %dma_wait3A_245 = arith.constant 0 : i32
    %dma_wait3A_246 = tpu.memref_slice %arg3[%add3A_162, %dma_wait3A_245] : memref<128x128xi32, #tpu.memory_space<hbm>> -> memref<1x128xi32, #tpu.memory_space<hbm>>
    %dma_wait3A_247 = tpu.memref_squeeze %dma_wait3A_246 : memref<1x128xi32, #tpu.memory_space<hbm>> -> memref<128xi32, #tpu.memory_space<hbm>>
    tpu.wait_dma2 semaphore(%dma_wait3A_241 : memref<!tpu.dma_semaphore, #tpu.memory_space<semaphore_mem>>) src(%dma_wait3A_247 : memref<128xi32, #tpu.memory_space<hbm>>) dst(%dma_wait3A_244 : memref<128xi32, #tpu.memory_space<vmem>>)
    %dma_wait3A_248 = arith.constant 1 : i32
    %dma_wait3A_249 = arith.constant 2 : i32
    %dma_wait3A_250 = arith.constant 1 : i32
    %dma_wait3A_251 = arith.constant 0 : i32
    %dma_wait3A_252 = tpu.memref_slice %arg9[%dma_wait3A_248, %dma_wait3A_249, %dma_wait3A_251] : memref<2x3x128xi32, #tpu.memory_space<vmem>> -> memref<1x1x128xi32, #tpu.memory_space<vmem>>
    %dma_wait3A_253 = tpu.memref_squeeze %dma_wait3A_252 : memref<1x1x128xi32, #tpu.memory_space<vmem>> -> memref<128xi32, #tpu.memory_space<vmem>>
    %dma_wait3A_254 = arith.constant 0 : i32
    %dma_wait3A_255 = tpu.memref_slice %arg4[%add3A_162, %dma_wait3A_254] : memref<128x128xi32, #tpu.memory_space<hbm>> -> memref<1x128xi32, #tpu.memory_space<hbm>>
    %dma_wait3A_256 = tpu.memref_squeeze %dma_wait3A_255 : memref<1x128xi32, #tpu.memory_space<hbm>> -> memref<128xi32, #tpu.memory_space<hbm>>
    %dma_wait3A_257 = tpu.memref_slice %arg12[%dma_wait3A_250] : memref<2x!tpu.dma_semaphore, #tpu.memory_space<semaphore_mem>> -> memref<1x!tpu.dma_semaphore, #tpu.memory_space<semaphore_mem>>
    %dma_wait3A_258 = tpu.memref_squeeze %dma_wait3A_257 : memref<1x!tpu.dma_semaphore, #tpu.memory_space<semaphore_mem>> -> memref<!tpu.dma_semaphore, #tpu.memory_space<semaphore_mem>>
    %dma_wait3A_259 = arith.constant 0 : i32
    %dma_wait3A_260 = tpu.memref_slice %arg9[%dma_wait3A_248, %dma_wait3A_249, %dma_wait3A_259] : memref<2x3x128xi32, #tpu.memory_space<vmem>> -> memref<1x1x128xi32, #tpu.memory_space<vmem>>
    %dma_wait3A_261 = tpu.memref_squeeze %dma_wait3A_260 : memref<1x1x128xi32, #tpu.memory_space<vmem>> -> memref<128xi32, #tpu.memory_space<vmem>>
    %dma_wait3A_262 = arith.constant 0 : i32
    %dma_wait3A_263 = tpu.memref_slice %arg4[%add3A_162, %dma_wait3A_262] : memref<128x128xi32, #tpu.memory_space<hbm>> -> memref<1x128xi32, #tpu.memory_space<hbm>>
    %dma_wait3A_264 = tpu.memref_squeeze %dma_wait3A_263 : memref<1x128xi32, #tpu.memory_space<hbm>> -> memref<128xi32, #tpu.memory_space<hbm>>
    tpu.wait_dma2 semaphore(%dma_wait3A_258 : memref<!tpu.dma_semaphore, #tpu.memory_space<semaphore_mem>>) src(%dma_wait3A_264 : memref<128xi32, #tpu.memory_space<hbm>>) dst(%dma_wait3A_261 : memref<128xi32, #tpu.memory_space<vmem>>)
    %dma_start3A_265 = arith.constant 1 : i32
    %dma_start3A_266 = arith.constant 0 : i32
    %dma_start3A_267 = arith.constant 1 : i32
    %dma_start3A_268 = arith.constant 1 : i32
    %dma_start3A_269 = arith.constant 0 : i32
    %dma_start3A_270 = arith.constant 0 : i32
    %dma_start3A_271 = tpu.memref_slice %arg10[%dma_start3A_267, %dma_start3A_269, %dma_start3A_270] : memref<2x128x256xf32, #tpu.memory_space<vmem>> -> memref<1x128x256xf32, #tpu.memory_space<vmem>>
    %dma_start3A_272 = tpu.memref_squeeze %dma_start3A_271 : memref<1x128x256xf32, #tpu.memory_space<vmem>> -> memref<128x256xf32, #tpu.memory_space<vmem>>
    %dma_start3A_273 = arith.constant 0 : i32
    %dma_start3A_274 = arith.constant 0 : i32
    %dma_start3A_275 = tpu.memref_slice %dma_start3A_272[%dma_start3A_273, %dma_start3A_274] : memref<128x256xf32, #tpu.memory_space<vmem>> -> memref<128x128xf32, #tpu.memory_space<vmem>>
    %dma_start3A_276 = arith.constant 0 : i32
    %dma_start3A_277 = tpu.memref_slice %arg9[%dma_start3A_265, %dma_start3A_266, %dma_start3A_276] : memref<2x3x128xi32, #tpu.memory_space<vmem>> -> memref<1x1x128xi32, #tpu.memory_space<vmem>>
    %dma_start3A_278 = tpu.memref_squeeze %dma_start3A_277 : memref<1x1x128xi32, #tpu.memory_space<vmem>> -> memref<128xi32, #tpu.memory_space<vmem>>
    %dma_start3A_279 = arith.constant 0 : i32
    %dma_start3A_280 = arith.constant 0 : i32
    %dma_start3A_281 = tpu.memref_slice %arg5[%dma_start3A_279, %dma_start3A_280] : memref<448x128xf32, #tpu.memory_space<hbm>> -> memref<448x128xf32, #tpu.memory_space<hbm>>
    %dma_start3A_282 = tpu.memref_slice %arg13[%dma_start3A_268] : memref<2x!tpu.dma_semaphore, #tpu.memory_space<semaphore_mem>> -> memref<1x!tpu.dma_semaphore, #tpu.memory_space<semaphore_mem>>
    %dma_start3A_283 = tpu.memref_squeeze %dma_start3A_282 : memref<1x!tpu.dma_semaphore, #tpu.memory_space<semaphore_mem>> -> memref<!tpu.dma_semaphore, #tpu.memory_space<semaphore_mem>>
    tpu.enqueue_indirect_dma source(%dma_start3A_281 : memref<448x128xf32, #tpu.memory_space<hbm>>) target(%dma_start3A_275 : memref<128x128xf32, #tpu.memory_space<vmem>>) offsets(%dma_start3A_278 : memref<128xi32, #tpu.memory_space<vmem>>) semaphore(%dma_start3A_283 : memref<!tpu.dma_semaphore, #tpu.memory_space<semaphore_mem>>)
    %dma_start3A_284 = arith.constant 1 : i32
    %dma_start3A_285 = arith.constant 1 : i32
    %dma_start3A_286 = arith.constant 1 : i32
    %dma_start3A_287 = arith.constant 1 : i32
    %dma_start3A_288 = arith.constant 0 : i32
    %dma_start3A_289 = arith.constant 0 : i32
    %dma_start3A_290 = tpu.memref_slice %arg10[%dma_start3A_286, %dma_start3A_288, %dma_start3A_289] : memref<2x128x256xf32, #tpu.memory_space<vmem>> -> memref<1x128x256xf32, #tpu.memory_space<vmem>>
    %dma_start3A_291 = tpu.memref_squeeze %dma_start3A_290 : memref<1x128x256xf32, #tpu.memory_space<vmem>> -> memref<128x256xf32, #tpu.memory_space<vmem>>
    %dma_start3A_292 = arith.constant 0 : i32
    %dma_start3A_293 = arith.constant 128 : i32
    %dma_start3A_294 = tpu.memref_slice %dma_start3A_291[%dma_start3A_292, %dma_start3A_293] : memref<128x256xf32, #tpu.memory_space<vmem>> -> memref<128x128xf32, #tpu.memory_space<vmem>>
    %dma_start3A_295 = arith.constant 0 : i32
    %dma_start3A_296 = tpu.memref_slice %arg9[%dma_start3A_284, %dma_start3A_285, %dma_start3A_295] : memref<2x3x128xi32, #tpu.memory_space<vmem>> -> memref<1x1x128xi32, #tpu.memory_space<vmem>>
    %dma_start3A_297 = tpu.memref_squeeze %dma_start3A_296 : memref<1x1x128xi32, #tpu.memory_space<vmem>> -> memref<128xi32, #tpu.memory_space<vmem>>
    %dma_start3A_298 = arith.constant 0 : i32
    %dma_start3A_299 = arith.constant 0 : i32
    %dma_start3A_300 = tpu.memref_slice %arg6[%dma_start3A_298, %dma_start3A_299] : memref<672x128xf32, #tpu.memory_space<hbm>> -> memref<672x128xf32, #tpu.memory_space<hbm>>
    %dma_start3A_301 = tpu.memref_slice %arg13[%dma_start3A_287] : memref<2x!tpu.dma_semaphore, #tpu.memory_space<semaphore_mem>> -> memref<1x!tpu.dma_semaphore, #tpu.memory_space<semaphore_mem>>
    %dma_start3A_302 = tpu.memref_squeeze %dma_start3A_301 : memref<1x!tpu.dma_semaphore, #tpu.memory_space<semaphore_mem>> -> memref<!tpu.dma_semaphore, #tpu.memory_space<semaphore_mem>>
    tpu.enqueue_indirect_dma source(%dma_start3A_300 : memref<672x128xf32, #tpu.memory_space<hbm>>) target(%dma_start3A_294 : memref<128x128xf32, #tpu.memory_space<vmem>>) offsets(%dma_start3A_297 : memref<128xi32, #tpu.memory_space<vmem>>) semaphore(%dma_start3A_302 : memref<!tpu.dma_semaphore, #tpu.memory_space<semaphore_mem>>)
    %dma_start3A_303 = arith.constant 1 : i32
    %dma_start3A_304 = arith.constant 2 : i32
    %dma_start3A_305 = arith.constant 1 : i32
    %dma_start3A_306 = arith.constant 1 : i32
    %dma_start3A_307 = arith.constant 0 : i32
    %dma_start3A_308 = arith.constant 0 : i32
    %dma_start3A_309 = tpu.memref_slice %arg11[%dma_start3A_305, %dma_start3A_307, %dma_start3A_308] : memref<2x128x128xf32, #tpu.memory_space<vmem>> -> memref<1x128x128xf32, #tpu.memory_space<vmem>>
    %dma_start3A_310 = tpu.memref_squeeze %dma_start3A_309 : memref<1x128x128xf32, #tpu.memory_space<vmem>> -> memref<128x128xf32, #tpu.memory_space<vmem>>
    %dma_start3A_311 = arith.constant 0 : i32
    %dma_start3A_312 = tpu.memref_slice %arg9[%dma_start3A_303, %dma_start3A_304, %dma_start3A_311] : memref<2x3x128xi32, #tpu.memory_space<vmem>> -> memref<1x1x128xi32, #tpu.memory_space<vmem>>
    %dma_start3A_313 = tpu.memref_squeeze %dma_start3A_312 : memref<1x1x128xi32, #tpu.memory_space<vmem>> -> memref<128xi32, #tpu.memory_space<vmem>>
    %dma_start3A_314 = arith.constant 0 : i32
    %dma_start3A_315 = arith.constant 0 : i32
    %dma_start3A_316 = tpu.memref_slice %arg7[%dma_start3A_314, %dma_start3A_315] : memref<100000x128xf32, #tpu.memory_space<hbm>> -> memref<100000x128xf32, #tpu.memory_space<hbm>>
    %dma_start3A_317 = tpu.memref_slice %arg13[%dma_start3A_306] : memref<2x!tpu.dma_semaphore, #tpu.memory_space<semaphore_mem>> -> memref<1x!tpu.dma_semaphore, #tpu.memory_space<semaphore_mem>>
    %dma_start3A_318 = tpu.memref_squeeze %dma_start3A_317 : memref<1x!tpu.dma_semaphore, #tpu.memory_space<semaphore_mem>> -> memref<!tpu.dma_semaphore, #tpu.memory_space<semaphore_mem>>
    tpu.enqueue_indirect_dma source(%dma_start3A_316 : memref<100000x128xf32, #tpu.memory_space<hbm>>) target(%dma_start3A_310 : memref<128x128xf32, #tpu.memory_space<vmem>>) offsets(%dma_start3A_313 : memref<128xi32, #tpu.memory_space<vmem>>) semaphore(%dma_start3A_318 : memref<!tpu.dma_semaphore, #tpu.memory_space<semaphore_mem>>)
    %dma_wait3A_319 = arith.constant 0 : i32
    %dma_wait3A_320 = arith.constant 0 : i32
    %dma_wait3A_321 = arith.constant 0 : i32
    %dma_wait3A_322 = arith.constant 0 : i32
    %dma_wait3A_323 = arith.constant 0 : i32
    %dma_wait3A_324 = arith.constant 0 : i32
    %dma_wait3A_325 = tpu.memref_slice %arg10[%dma_wait3A_321, %dma_wait3A_323, %dma_wait3A_324] : memref<2x128x256xf32, #tpu.memory_space<vmem>> -> memref<1x128x256xf32, #tpu.memory_space<vmem>>
    %dma_wait3A_326 = tpu.memref_squeeze %dma_wait3A_325 : memref<1x128x256xf32, #tpu.memory_space<vmem>> -> memref<128x256xf32, #tpu.memory_space<vmem>>
    %dma_wait3A_327 = arith.constant 0 : i32
    %dma_wait3A_328 = arith.constant 0 : i32
    %dma_wait3A_329 = tpu.memref_slice %dma_wait3A_326[%dma_wait3A_327, %dma_wait3A_328] : memref<128x256xf32, #tpu.memory_space<vmem>> -> memref<128x128xf32, #tpu.memory_space<vmem>>
    %dma_wait3A_330 = arith.constant 0 : i32
    %dma_wait3A_331 = tpu.memref_slice %arg9[%dma_wait3A_319, %dma_wait3A_320, %dma_wait3A_330] : memref<2x3x128xi32, #tpu.memory_space<vmem>> -> memref<1x1x128xi32, #tpu.memory_space<vmem>>
    %dma_wait3A_332 = tpu.memref_squeeze %dma_wait3A_331 : memref<1x1x128xi32, #tpu.memory_space<vmem>> -> memref<128xi32, #tpu.memory_space<vmem>>
    %dma_wait3A_333 = arith.constant 0 : i32
    %dma_wait3A_334 = arith.constant 0 : i32
    %dma_wait3A_335 = tpu.memref_slice %arg5[%dma_wait3A_333, %dma_wait3A_334] : memref<448x128xf32, #tpu.memory_space<hbm>> -> memref<448x128xf32, #tpu.memory_space<hbm>>
    %dma_wait3A_336 = tpu.memref_slice %arg13[%dma_wait3A_322] : memref<2x!tpu.dma_semaphore, #tpu.memory_space<semaphore_mem>> -> memref<1x!tpu.dma_semaphore, #tpu.memory_space<semaphore_mem>>
    %dma_wait3A_337 = tpu.memref_squeeze %dma_wait3A_336 : memref<1x!tpu.dma_semaphore, #tpu.memory_space<semaphore_mem>> -> memref<!tpu.dma_semaphore, #tpu.memory_space<semaphore_mem>>
    tpu.wait_indirect_dma semaphore(%dma_wait3A_337 : memref<!tpu.dma_semaphore, #tpu.memory_space<semaphore_mem>>) src(%dma_wait3A_335 : memref<448x128xf32, #tpu.memory_space<hbm>>) dst(%dma_wait3A_329 : memref<128x128xf32, #tpu.memory_space<vmem>>)
    %dma_wait3A_338 = arith.constant 0 : i32
    %dma_wait3A_339 = arith.constant 1 : i32
    %dma_wait3A_340 = arith.constant 0 : i32
    %dma_wait3A_341 = arith.constant 0 : i32
    %dma_wait3A_342 = arith.constant 0 : i32
    %dma_wait3A_343 = arith.constant 0 : i32
    %dma_wait3A_344 = tpu.memref_slice %arg10[%dma_wait3A_340, %dma_wait3A_342, %dma_wait3A_343] : memref<2x128x256xf32, #tpu.memory_space<vmem>> -> memref<1x128x256xf32, #tpu.memory_space<vmem>>
    %dma_wait3A_345 = tpu.memref_squeeze %dma_wait3A_344 : memref<1x128x256xf32, #tpu.memory_space<vmem>> -> memref<128x256xf32, #tpu.memory_space<vmem>>
    %dma_wait3A_346 = arith.constant 0 : i32
    %dma_wait3A_347 = arith.constant 128 : i32
    %dma_wait3A_348 = tpu.memref_slice %dma_wait3A_345[%dma_wait3A_346, %dma_wait3A_347] : memref<128x256xf32, #tpu.memory_space<vmem>> -> memref<128x128xf32, #tpu.memory_space<vmem>>
    %dma_wait3A_349 = arith.constant 0 : i32
    %dma_wait3A_350 = tpu.memref_slice %arg9[%dma_wait3A_338, %dma_wait3A_339, %dma_wait3A_349] : memref<2x3x128xi32, #tpu.memory_space<vmem>> -> memref<1x1x128xi32, #tpu.memory_space<vmem>>
    %dma_wait3A_351 = tpu.memref_squeeze %dma_wait3A_350 : memref<1x1x128xi32, #tpu.memory_space<vmem>> -> memref<128xi32, #tpu.memory_space<vmem>>
    %dma_wait3A_352 = arith.constant 0 : i32
    %dma_wait3A_353 = arith.constant 0 : i32
    %dma_wait3A_354 = tpu.memref_slice %arg6[%dma_wait3A_352, %dma_wait3A_353] : memref<672x128xf32, #tpu.memory_space<hbm>> -> memref<672x128xf32, #tpu.memory_space<hbm>>
    %dma_wait3A_355 = tpu.memref_slice %arg13[%dma_wait3A_341] : memref<2x!tpu.dma_semaphore, #tpu.memory_space<semaphore_mem>> -> memref<1x!tpu.dma_semaphore, #tpu.memory_space<semaphore_mem>>
    %dma_wait3A_356 = tpu.memref_squeeze %dma_wait3A_355 : memref<1x!tpu.dma_semaphore, #tpu.memory_space<semaphore_mem>> -> memref<!tpu.dma_semaphore, #tpu.memory_space<semaphore_mem>>
    tpu.wait_indirect_dma semaphore(%dma_wait3A_356 : memref<!tpu.dma_semaphore, #tpu.memory_space<semaphore_mem>>) src(%dma_wait3A_354 : memref<672x128xf32, #tpu.memory_space<hbm>>) dst(%dma_wait3A_348 : memref<128x128xf32, #tpu.memory_space<vmem>>)
    %dma_wait3A_357 = arith.constant 0 : i32
    %dma_wait3A_358 = arith.constant 2 : i32
    %dma_wait3A_359 = arith.constant 0 : i32
    %dma_wait3A_360 = arith.constant 0 : i32
    %dma_wait3A_361 = arith.constant 0 : i32
    %dma_wait3A_362 = arith.constant 0 : i32
    %dma_wait3A_363 = tpu.memref_slice %arg11[%dma_wait3A_359, %dma_wait3A_361, %dma_wait3A_362] : memref<2x128x128xf32, #tpu.memory_space<vmem>> -> memref<1x128x128xf32, #tpu.memory_space<vmem>>
    %dma_wait3A_364 = tpu.memref_squeeze %dma_wait3A_363 : memref<1x128x128xf32, #tpu.memory_space<vmem>> -> memref<128x128xf32, #tpu.memory_space<vmem>>
    %dma_wait3A_365 = arith.constant 0 : i32
    %dma_wait3A_366 = tpu.memref_slice %arg9[%dma_wait3A_357, %dma_wait3A_358, %dma_wait3A_365] : memref<2x3x128xi32, #tpu.memory_space<vmem>> -> memref<1x1x128xi32, #tpu.memory_space<vmem>>
    %dma_wait3A_367 = tpu.memref_squeeze %dma_wait3A_366 : memref<1x1x128xi32, #tpu.memory_space<vmem>> -> memref<128xi32, #tpu.memory_space<vmem>>
    %dma_wait3A_368 = arith.constant 0 : i32
    %dma_wait3A_369 = arith.constant 0 : i32
    %dma_wait3A_370 = tpu.memref_slice %arg7[%dma_wait3A_368, %dma_wait3A_369] : memref<100000x128xf32, #tpu.memory_space<hbm>> -> memref<100000x128xf32, #tpu.memory_space<hbm>>
    %dma_wait3A_371 = tpu.memref_slice %arg13[%dma_wait3A_360] : memref<2x!tpu.dma_semaphore, #tpu.memory_space<semaphore_mem>> -> memref<1x!tpu.dma_semaphore, #tpu.memory_space<semaphore_mem>>
    %dma_wait3A_372 = tpu.memref_squeeze %dma_wait3A_371 : memref<1x!tpu.dma_semaphore, #tpu.memory_space<semaphore_mem>> -> memref<!tpu.dma_semaphore, #tpu.memory_space<semaphore_mem>>
    tpu.wait_indirect_dma semaphore(%dma_wait3A_372 : memref<!tpu.dma_semaphore, #tpu.memory_space<semaphore_mem>>) src(%dma_wait3A_370 : memref<100000x128xf32, #tpu.memory_space<hbm>>) dst(%dma_wait3A_364 : memref<128x128xf32, #tpu.memory_space<vmem>>)
    %mul3A_373 = arith.constant 4 : i32
    %mul3A_374 = arith.muli %add3A, %mul3A_373 : i32
    %add3A_375 = arith.constant 2 : i32
    %add3A_376 = arith.addi %mul3A_374, %add3A_375 : i32
    %dma_start3A_377 = arith.constant 0 : i32
    %dma_start3A_378 = arith.constant 0 : i32
    %dma_start3A_379 = arith.constant 0 : i32
    %dma_start3A_380 = arith.constant 0 : i32
    %dma_start3A_381 = tpu.memref_slice %arg9[%dma_start3A_377, %dma_start3A_378, %dma_start3A_380] : memref<2x3x128xi32, #tpu.memory_space<vmem>> -> memref<1x1x128xi32, #tpu.memory_space<vmem>>
    %dma_start3A_382 = tpu.memref_squeeze %dma_start3A_381 : memref<1x1x128xi32, #tpu.memory_space<vmem>> -> memref<128xi32, #tpu.memory_space<vmem>>
    %dma_start3A_383 = arith.constant 0 : i32
    %dma_start3A_384 = tpu.memref_slice %arg2[%add3A_376, %dma_start3A_383] : memref<128x128xi32, #tpu.memory_space<hbm>> -> memref<1x128xi32, #tpu.memory_space<hbm>>
    %dma_start3A_385 = tpu.memref_squeeze %dma_start3A_384 : memref<1x128xi32, #tpu.memory_space<hbm>> -> memref<128xi32, #tpu.memory_space<hbm>>
    %dma_start3A_386 = tpu.memref_slice %arg12[%dma_start3A_379] : memref<2x!tpu.dma_semaphore, #tpu.memory_space<semaphore_mem>> -> memref<1x!tpu.dma_semaphore, #tpu.memory_space<semaphore_mem>>
    %dma_start3A_387 = tpu.memref_squeeze %dma_start3A_386 : memref<1x!tpu.dma_semaphore, #tpu.memory_space<semaphore_mem>> -> memref<!tpu.dma_semaphore, #tpu.memory_space<semaphore_mem>>
    %dma_start3A_388 = arith.constant 0 : i32
    %dma_start3A_389 = tpu.memref_slice %arg9[%dma_start3A_377, %dma_start3A_378, %dma_start3A_388] : memref<2x3x128xi32, #tpu.memory_space<vmem>> -> memref<1x1x128xi32, #tpu.memory_space<vmem>>
    %dma_start3A_390 = tpu.memref_squeeze %dma_start3A_389 : memref<1x1x128xi32, #tpu.memory_space<vmem>> -> memref<128xi32, #tpu.memory_space<vmem>>
    %dma_start3A_391 = arith.constant 0 : i32
    %dma_start3A_392 = tpu.memref_slice %arg2[%add3A_376, %dma_start3A_391] : memref<128x128xi32, #tpu.memory_space<hbm>> -> memref<1x128xi32, #tpu.memory_space<hbm>>
    %dma_start3A_393 = tpu.memref_squeeze %dma_start3A_392 : memref<1x128xi32, #tpu.memory_space<hbm>> -> memref<128xi32, #tpu.memory_space<hbm>>
    tpu.enqueue_dma source(%dma_start3A_393 : memref<128xi32, #tpu.memory_space<hbm>>) target(%dma_start3A_390 : memref<128xi32, #tpu.memory_space<vmem>>) target_semaphore(%dma_start3A_387 : memref<!tpu.dma_semaphore, #tpu.memory_space<semaphore_mem>>)
    %dma_start3A_394 = arith.constant 0 : i32
    %dma_start3A_395 = arith.constant 1 : i32
    %dma_start3A_396 = arith.constant 0 : i32
    %dma_start3A_397 = arith.constant 0 : i32
    %dma_start3A_398 = tpu.memref_slice %arg9[%dma_start3A_394, %dma_start3A_395, %dma_start3A_397] : memref<2x3x128xi32, #tpu.memory_space<vmem>> -> memref<1x1x128xi32, #tpu.memory_space<vmem>>
    %dma_start3A_399 = tpu.memref_squeeze %dma_start3A_398 : memref<1x1x128xi32, #tpu.memory_space<vmem>> -> memref<128xi32, #tpu.memory_space<vmem>>
    %dma_start3A_400 = arith.constant 0 : i32
    %dma_start3A_401 = tpu.memref_slice %arg3[%add3A_376, %dma_start3A_400] : memref<128x128xi32, #tpu.memory_space<hbm>> -> memref<1x128xi32, #tpu.memory_space<hbm>>
    %dma_start3A_402 = tpu.memref_squeeze %dma_start3A_401 : memref<1x128xi32, #tpu.memory_space<hbm>> -> memref<128xi32, #tpu.memory_space<hbm>>
    %dma_start3A_403 = tpu.memref_slice %arg12[%dma_start3A_396] : memref<2x!tpu.dma_semaphore, #tpu.memory_space<semaphore_mem>> -> memref<1x!tpu.dma_semaphore, #tpu.memory_space<semaphore_mem>>
    %dma_start3A_404 = tpu.memref_squeeze %dma_start3A_403 : memref<1x!tpu.dma_semaphore, #tpu.memory_space<semaphore_mem>> -> memref<!tpu.dma_semaphore, #tpu.memory_space<semaphore_mem>>
    %dma_start3A_405 = arith.constant 0 : i32
    %dma_start3A_406 = tpu.memref_slice %arg9[%dma_start3A_394, %dma_start3A_395, %dma_start3A_405] : memref<2x3x128xi32, #tpu.memory_space<vmem>> -> memref<1x1x128xi32, #tpu.memory_space<vmem>>
    %dma_start3A_407 = tpu.memref_squeeze %dma_start3A_406 : memref<1x1x128xi32, #tpu.memory_space<vmem>> -> memref<128xi32, #tpu.memory_space<vmem>>
    %dma_start3A_408 = arith.constant 0 : i32
    %dma_start3A_409 = tpu.memref_slice %arg3[%add3A_376, %dma_start3A_408] : memref<128x128xi32, #tpu.memory_space<hbm>> -> memref<1x128xi32, #tpu.memory_space<hbm>>
    %dma_start3A_410 = tpu.memref_squeeze %dma_start3A_409 : memref<1x128xi32, #tpu.memory_space<hbm>> -> memref<128xi32, #tpu.memory_space<hbm>>
    tpu.enqueue_dma source(%dma_start3A_410 : memref<128xi32, #tpu.memory_space<hbm>>) target(%dma_start3A_407 : memref<128xi32, #tpu.memory_space<vmem>>) target_semaphore(%dma_start3A_404 : memref<!tpu.dma_semaphore, #tpu.memory_space<semaphore_mem>>)
    %dma_start3A_411 = arith.constant 0 : i32
    %dma_start3A_412 = arith.constant 2 : i32
    %dma_start3A_413 = arith.constant 0 : i32
    %dma_start3A_414 = arith.constant 0 : i32
    %dma_start3A_415 = tpu.memref_slice %arg9[%dma_start3A_411, %dma_start3A_412, %dma_start3A_414] : memref<2x3x128xi32, #tpu.memory_space<vmem>> -> memref<1x1x128xi32, #tpu.memory_space<vmem>>
    %dma_start3A_416 = tpu.memref_squeeze %dma_start3A_415 : memref<1x1x128xi32, #tpu.memory_space<vmem>> -> memref<128xi32, #tpu.memory_space<vmem>>
    %dma_start3A_417 = arith.constant 0 : i32
    %dma_start3A_418 = tpu.memref_slice %arg4[%add3A_376, %dma_start3A_417] : memref<128x128xi32, #tpu.memory_space<hbm>> -> memref<1x128xi32, #tpu.memory_space<hbm>>
    %dma_start3A_419 = tpu.memref_squeeze %dma_start3A_418 : memref<1x128xi32, #tpu.memory_space<hbm>> -> memref<128xi32, #tpu.memory_space<hbm>>
    %dma_start3A_420 = tpu.memref_slice %arg12[%dma_start3A_413] : memref<2x!tpu.dma_semaphore, #tpu.memory_space<semaphore_mem>> -> memref<1x!tpu.dma_semaphore, #tpu.memory_space<semaphore_mem>>
    %dma_start3A_421 = tpu.memref_squeeze %dma_start3A_420 : memref<1x!tpu.dma_semaphore, #tpu.memory_space<semaphore_mem>> -> memref<!tpu.dma_semaphore, #tpu.memory_space<semaphore_mem>>
    %dma_start3A_422 = arith.constant 0 : i32
    %dma_start3A_423 = tpu.memref_slice %arg9[%dma_start3A_411, %dma_start3A_412, %dma_start3A_422] : memref<2x3x128xi32, #tpu.memory_space<vmem>> -> memref<1x1x128xi32, #tpu.memory_space<vmem>>
    %dma_start3A_424 = tpu.memref_squeeze %dma_start3A_423 : memref<1x1x128xi32, #tpu.memory_space<vmem>> -> memref<128xi32, #tpu.memory_space<vmem>>
    %dma_start3A_425 = arith.constant 0 : i32
    %dma_start3A_426 = tpu.memref_slice %arg4[%add3A_376, %dma_start3A_425] : memref<128x128xi32, #tpu.memory_space<hbm>> -> memref<1x128xi32, #tpu.memory_space<hbm>>
    %dma_start3A_427 = tpu.memref_squeeze %dma_start3A_426 : memref<1x128xi32, #tpu.memory_space<hbm>> -> memref<128xi32, #tpu.memory_space<hbm>>
    tpu.enqueue_dma source(%dma_start3A_427 : memref<128xi32, #tpu.memory_space<hbm>>) target(%dma_start3A_424 : memref<128xi32, #tpu.memory_space<vmem>>) target_semaphore(%dma_start3A_421 : memref<!tpu.dma_semaphore, #tpu.memory_space<semaphore_mem>>)
    %scan3A = arith.constant 0 : i32
    %scan3A_428 = arith.constant 0 : i32
    %scan3A_429 = arith.constant 128 : i32
    %scan3A_430 = arith.addi %scan3A_428, %scan3A_429 : i32
    %scan3A_431 = arith.constant 2 : i32
    %scan3A_432 = scf.for %scan3A_1034 = %scan3A_428 to %scan3A_430 step %scan3A_431 iter_args(%scan3A_1035 = %scan3A) -> (i32)  : i32 {
      %get3A = arith.constant 0 : i32
      %get3A_1036 = arith.index_cast %get3A : i32 to index
      %get3A_1037 = arith.index_cast %scan3A_1034 : i32 to index
      %get3A_1038 = arith.constant 0 : index
      %get3A_1039 = tpu.vector_load %arg11[%get3A_1036, %get3A_1037, %get3A_1038] {strides = array<i32>} : memref<2x128x128xf32, #tpu.memory_space<vmem>>, vector<1x1x16xf32>,
      %get3A_1040 = vector.shape_cast %get3A_1039 : vector<1x1x16xf32> to vector<16xf32>
      %swap3A = arith.constant 0 : i32
      %swap3A_1041 = arith.index_cast %swap3A : i32 to index
      %swap3A_1042 = arith.index_cast %scan3A_1034 : i32 to index
      %swap3A_1043 = arith.constant 192 : index
      %swap3A_1044 = tpu.vector_load %arg10[%swap3A_1041, %swap3A_1042, %swap3A_1043] {strides = array<i32>} : memref<2x128x256xf32, #tpu.memory_space<vmem>>, vector<1x1x16xf32>,
      %swap3A_1045 = vector.shape_cast %swap3A_1044 : vector<1x1x16xf32> to vector<16xf32>
      %swap3A_1046 = vector.shape_cast %get3A_1040 : vector<16xf32> to vector<1x1x16xf32>
      tpu.vector_store %arg10[%swap3A_1041, %swap3A_1042, %swap3A_1043], %swap3A_1046 {strides = array<i32>} : memref<2x128x256xf32, #tpu.memory_space<vmem>>, vector<1x1x16xf32>,
      %get3A_1047 = arith.constant 0 : i32
      %get3A_1048 = arith.index_cast %get3A_1047 : i32 to index
      %get3A_1049 = arith.index_cast %scan3A_1034 : i32 to index
      %get3A_1050 = arith.constant 16 : index
      %get3A_1051 = tpu.vector_load %arg11[%get3A_1048, %get3A_1049, %get3A_1050] {strides = array<i32>} : memref<2x128x128xf32, #tpu.memory_space<vmem>>, vector<1x1x16xf32>,
      %get3A_1052 = vector.shape_cast %get3A_1051 : vector<1x1x16xf32> to vector<16xf32>
      %swap3A_1053 = arith.constant 0 : i32
      %swap3A_1054 = arith.index_cast %swap3A_1053 : i32 to index
      %swap3A_1055 = arith.index_cast %scan3A_1034 : i32 to index
      %swap3A_1056 = arith.constant 208 : index
      %swap3A_1057 = tpu.vector_load %arg10[%swap3A_1054, %swap3A_1055, %swap3A_1056] {strides = array<i32>} : memref<2x128x256xf32, #tpu.memory_space<vmem>>, vector<1x1x16xf32>,
      %swap3A_1058 = vector.shape_cast %swap3A_1057 : vector<1x1x16xf32> to vector<16xf32>
      %swap3A_1059 = vector.shape_cast %get3A_1052 : vector<16xf32> to vector<1x1x16xf32>
      tpu.vector_store %arg10[%swap3A_1054, %swap3A_1055, %swap3A_1056], %swap3A_1059 {strides = array<i32>} : memref<2x128x256xf32, #tpu.memory_space<vmem>>, vector<1x1x16xf32>,
      %get3A_1060 = arith.constant 0 : i32
      %get3A_1061 = arith.index_cast %get3A_1060 : i32 to index
      %get3A_1062 = arith.index_cast %scan3A_1034 : i32 to index
      %get3A_1063 = arith.constant 32 : index
      %get3A_1064 = tpu.vector_load %arg11[%get3A_1061, %get3A_1062, %get3A_1063] {strides = array<i32>} : memref<2x128x128xf32, #tpu.memory_space<vmem>>, vector<1x1x16xf32>,
      %get3A_1065 = vector.shape_cast %get3A_1064 : vector<1x1x16xf32> to vector<16xf32>
      %swap3A_1066 = arith.constant 0 : i32
      %swap3A_1067 = arith.index_cast %swap3A_1066 : i32 to index
      %swap3A_1068 = arith.index_cast %scan3A_1034 : i32 to index
      %swap3A_1069 = arith.constant 224 : index
      %swap3A_1070 = tpu.vector_load %arg10[%swap3A_1067, %swap3A_1068, %swap3A_1069] {strides = array<i32>} : memref<2x128x256xf32, #tpu.memory_space<vmem>>, vector<1x1x16xf32>,
      %swap3A_1071 = vector.shape_cast %swap3A_1070 : vector<1x1x16xf32> to vector<16xf32>
      %swap3A_1072 = vector.shape_cast %get3A_1065 : vector<16xf32> to vector<1x1x16xf32>
      tpu.vector_store %arg10[%swap3A_1067, %swap3A_1068, %swap3A_1069], %swap3A_1072 {strides = array<i32>} : memref<2x128x256xf32, #tpu.memory_space<vmem>>, vector<1x1x16xf32>,
      %get3A_1073 = arith.constant 0 : i32
      %get3A_1074 = arith.index_cast %get3A_1073 : i32 to index
      %get3A_1075 = arith.index_cast %scan3A_1034 : i32 to index
      %get3A_1076 = arith.constant 48 : index
      %get3A_1077 = tpu.vector_load %arg11[%get3A_1074, %get3A_1075, %get3A_1076] {strides = array<i32>} : memref<2x128x128xf32, #tpu.memory_space<vmem>>, vector<1x1x16xf32>,
      %get3A_1078 = vector.shape_cast %get3A_1077 : vector<1x1x16xf32> to vector<16xf32>
      %swap3A_1079 = arith.constant 0 : i32
      %swap3A_1080 = arith.index_cast %swap3A_1079 : i32 to index
      %swap3A_1081 = arith.index_cast %scan3A_1034 : i32 to index
      %swap3A_1082 = arith.constant 240 : index
      %swap3A_1083 = tpu.vector_load %arg10[%swap3A_1080, %swap3A_1081, %swap3A_1082] {strides = array<i32>} : memref<2x128x256xf32, #tpu.memory_space<vmem>>, vector<1x1x16xf32>,
      %swap3A_1084 = vector.shape_cast %swap3A_1083 : vector<1x1x16xf32> to vector<16xf32>
      %swap3A_1085 = vector.shape_cast %get3A_1078 : vector<16xf32> to vector<1x1x16xf32>
      tpu.vector_store %arg10[%swap3A_1080, %swap3A_1081, %swap3A_1082], %swap3A_1085 {strides = array<i32>} : memref<2x128x256xf32, #tpu.memory_space<vmem>>, vector<1x1x16xf32>,
      %scan3A_1086 = arith.constant 0 : i32
      %scan3A_1087 = arith.constant 1 : i32
      %scan3A_1088 = arith.addi %scan3A_1034, %scan3A_1087 : i32
      %get3A_1089 = arith.constant 0 : i32
      %get3A_1090 = arith.index_cast %get3A_1089 : i32 to index
      %get3A_1091 = arith.index_cast %scan3A_1088 : i32 to index
      %get3A_1092 = arith.constant 0 : index
      %get3A_1093 = tpu.vector_load %arg11[%get3A_1090, %get3A_1091, %get3A_1092] {strides = array<i32>} : memref<2x128x128xf32, #tpu.memory_space<vmem>>, vector<1x1x16xf32>,
      %get3A_1094 = vector.shape_cast %get3A_1093 : vector<1x1x16xf32> to vector<16xf32>
      %swap3A_1095 = arith.constant 0 : i32
      %swap3A_1096 = arith.index_cast %swap3A_1095 : i32 to index
      %swap3A_1097 = arith.index_cast %scan3A_1088 : i32 to index
      %swap3A_1098 = arith.constant 192 : index
      %swap3A_1099 = tpu.vector_load %arg10[%swap3A_1096, %swap3A_1097, %swap3A_1098] {strides = array<i32>} : memref<2x128x256xf32, #tpu.memory_space<vmem>>, vector<1x1x16xf32>,
      %swap3A_1100 = vector.shape_cast %swap3A_1099 : vector<1x1x16xf32> to vector<16xf32>
      %swap3A_1101 = vector.shape_cast %get3A_1094 : vector<16xf32> to vector<1x1x16xf32>
      tpu.vector_store %arg10[%swap3A_1096, %swap3A_1097, %swap3A_1098], %swap3A_1101 {strides = array<i32>} : memref<2x128x256xf32, #tpu.memory_space<vmem>>, vector<1x1x16xf32>,
      %get3A_1102 = arith.constant 0 : i32
      %get3A_1103 = arith.index_cast %get3A_1102 : i32 to index
      %get3A_1104 = arith.index_cast %scan3A_1088 : i32 to index
      %get3A_1105 = arith.constant 16 : index
      %get3A_1106 = tpu.vector_load %arg11[%get3A_1103, %get3A_1104, %get3A_1105] {strides = array<i32>} : memref<2x128x128xf32, #tpu.memory_space<vmem>>, vector<1x1x16xf32>,
      %get3A_1107 = vector.shape_cast %get3A_1106 : vector<1x1x16xf32> to vector<16xf32>
      %swap3A_1108 = arith.constant 0 : i32
      %swap3A_1109 = arith.index_cast %swap3A_1108 : i32 to index
      %swap3A_1110 = arith.index_cast %scan3A_1088 : i32 to index
      %swap3A_1111 = arith.constant 208 : index
      %swap3A_1112 = tpu.vector_load %arg10[%swap3A_1109, %swap3A_1110, %swap3A_1111] {strides = array<i32>} : memref<2x128x256xf32, #tpu.memory_space<vmem>>, vector<1x1x16xf32>,
      %swap3A_1113 = vector.shape_cast %swap3A_1112 : vector<1x1x16xf32> to vector<16xf32>
      %swap3A_1114 = vector.shape_cast %get3A_1107 : vector<16xf32> to vector<1x1x16xf32>
      tpu.vector_store %arg10[%swap3A_1109, %swap3A_1110, %swap3A_1111], %swap3A_1114 {strides = array<i32>} : memref<2x128x256xf32, #tpu.memory_space<vmem>>, vector<1x1x16xf32>,
      %get3A_1115 = arith.constant 0 : i32
      %get3A_1116 = arith.index_cast %get3A_1115 : i32 to index
      %get3A_1117 = arith.index_cast %scan3A_1088 : i32 to index
      %get3A_1118 = arith.constant 32 : index
      %get3A_1119 = tpu.vector_load %arg11[%get3A_1116, %get3A_1117, %get3A_1118] {strides = array<i32>} : memref<2x128x128xf32, #tpu.memory_space<vmem>>, vector<1x1x16xf32>,
      %get3A_1120 = vector.shape_cast %get3A_1119 : vector<1x1x16xf32> to vector<16xf32>
      %swap3A_1121 = arith.constant 0 : i32
      %swap3A_1122 = arith.index_cast %swap3A_1121 : i32 to index
      %swap3A_1123 = arith.index_cast %scan3A_1088 : i32 to index
      %swap3A_1124 = arith.constant 224 : index
      %swap3A_1125 = tpu.vector_load %arg10[%swap3A_1122, %swap3A_1123, %swap3A_1124] {strides = array<i32>} : memref<2x128x256xf32, #tpu.memory_space<vmem>>, vector<1x1x16xf32>,
      %swap3A_1126 = vector.shape_cast %swap3A_1125 : vector<1x1x16xf32> to vector<16xf32>
      %swap3A_1127 = vector.shape_cast %get3A_1120 : vector<16xf32> to vector<1x1x16xf32>
      tpu.vector_store %arg10[%swap3A_1122, %swap3A_1123, %swap3A_1124], %swap3A_1127 {strides = array<i32>} : memref<2x128x256xf32, #tpu.memory_space<vmem>>, vector<1x1x16xf32>,
      %get3A_1128 = arith.constant 0 : i32
      %get3A_1129 = arith.index_cast %get3A_1128 : i32 to index
      %get3A_1130 = arith.index_cast %scan3A_1088 : i32 to index
      %get3A_1131 = arith.constant 48 : index
      %get3A_1132 = tpu.vector_load %arg11[%get3A_1129, %get3A_1130, %get3A_1131] {strides = array<i32>} : memref<2x128x128xf32, #tpu.memory_space<vmem>>, vector<1x1x16xf32>,
      %get3A_1133 = vector.shape_cast %get3A_1132 : vector<1x1x16xf32> to vector<16xf32>
      %swap3A_1134 = arith.constant 0 : i32
      %swap3A_1135 = arith.index_cast %swap3A_1134 : i32 to index
      %swap3A_1136 = arith.index_cast %scan3A_1088 : i32 to index
      %swap3A_1137 = arith.constant 240 : index
      %swap3A_1138 = tpu.vector_load %arg10[%swap3A_1135, %swap3A_1136, %swap3A_1137] {strides = array<i32>} : memref<2x128x256xf32, #tpu.memory_space<vmem>>, vector<1x1x16xf32>,
      %swap3A_1139 = vector.shape_cast %swap3A_1138 : vector<1x1x16xf32> to vector<16xf32>
      %swap3A_1140 = vector.shape_cast %get3A_1133 : vector<16xf32> to vector<1x1x16xf32>
      tpu.vector_store %arg10[%swap3A_1135, %swap3A_1136, %swap3A_1137], %swap3A_1140 {strides = array<i32>} : memref<2x128x256xf32, #tpu.memory_space<vmem>>, vector<1x1x16xf32>,
      %scan3A_1141 = arith.constant 0 : i32
      scf.yield %scan3A_1141 : i32
    }
    %scan3A_433 = arith.constant 128 : i32
    %mul3A_434 = arith.constant 4 : i32
    %mul3A_435 = arith.muli %add3A, %mul3A_434 : i32
    %add3A_436 = arith.constant 0 : i32
    %add3A_437 = arith.addi %mul3A_435, %add3A_436 : i32
    %mul3A_438 = arith.constant 128 : i32
    %mul3A_439 = arith.muli %add3A_437, %mul3A_438 : i32
    %dma_start3A_440 = arith.constant 0 : i32
    %dma_start3A_441 = arith.constant 0 : i32
    %dma_start3A_442 = arith.constant 0 : i32
    %dma_start3A_443 = arith.constant 0 : i32
    %dma_start3A_444 = tpu.memref_slice %arg10[%dma_start3A_440, %dma_start3A_442, %dma_start3A_443] : memref<2x128x256xf32, #tpu.memory_space<vmem>> -> memref<1x128x256xf32, #tpu.memory_space<vmem>>
    %dma_start3A_445 = tpu.memref_squeeze %dma_start3A_444 : memref<1x128x256xf32, #tpu.memory_space<vmem>> -> memref<128x256xf32, #tpu.memory_space<vmem>>
    %dma_start3A_446 = arith.constant 0 : i32
    %dma_start3A_447 = tpu.memref_slice %arg8[%mul3A_439, %dma_start3A_446] : memref<16384x256xf32, #tpu.memory_space<hbm>> -> memref<128x256xf32, #tpu.memory_space<hbm>>
    %dma_start3A_448 = tpu.memref_slice %arg14[%dma_start3A_441] : memref<2x!tpu.dma_semaphore, #tpu.memory_space<semaphore_mem>> -> memref<1x!tpu.dma_semaphore, #tpu.memory_space<semaphore_mem>>
    %dma_start3A_449 = tpu.memref_squeeze %dma_start3A_448 : memref<1x!tpu.dma_semaphore, #tpu.memory_space<semaphore_mem>> -> memref<!tpu.dma_semaphore, #tpu.memory_space<semaphore_mem>>
    %dma_start3A_450 = arith.constant 0 : i32
    %dma_start3A_451 = tpu.memref_slice %arg8[%mul3A_439, %dma_start3A_450] : memref<16384x256xf32, #tpu.memory_space<hbm>> -> memref<128x256xf32, #tpu.memory_space<hbm>>
    %dma_start3A_452 = arith.constant 0 : i32
    %dma_start3A_453 = arith.constant 0 : i32
    %dma_start3A_454 = tpu.memref_slice %arg10[%dma_start3A_440, %dma_start3A_452, %dma_start3A_453] : memref<2x128x256xf32, #tpu.memory_space<vmem>> -> memref<1x128x256xf32, #tpu.memory_space<vmem>>
    %dma_start3A_455 = tpu.memref_squeeze %dma_start3A_454 : memref<1x128x256xf32, #tpu.memory_space<vmem>> -> memref<128x256xf32, #tpu.memory_space<vmem>>
    tpu.enqueue_dma source(%dma_start3A_455 : memref<128x256xf32, #tpu.memory_space<vmem>>) target(%dma_start3A_451 : memref<128x256xf32, #tpu.memory_space<hbm>>) target_semaphore(%dma_start3A_449 : memref<!tpu.dma_semaphore, #tpu.memory_space<semaphore_mem>>)
    %dma_wait3A_456 = arith.constant 0 : i32
    %dma_wait3A_457 = arith.constant 0 : i32
    %dma_wait3A_458 = arith.constant 0 : i32
    %dma_wait3A_459 = arith.constant 0 : i32
    %dma_wait3A_460 = tpu.memref_slice %arg10[%dma_wait3A_456, %dma_wait3A_458, %dma_wait3A_459] : memref<2x128x256xf32, #tpu.memory_space<vmem>> -> memref<1x128x256xf32, #tpu.memory_space<vmem>>
    %dma_wait3A_461 = tpu.memref_squeeze %dma_wait3A_460 : memref<1x128x256xf32, #tpu.memory_space<vmem>> -> memref<128x256xf32, #tpu.memory_space<vmem>>
    %dma_wait3A_462 = arith.constant 0 : i32
    %dma_wait3A_463 = tpu.memref_slice %arg8[%mul3A_439, %dma_wait3A_462] : memref<16384x256xf32, #tpu.memory_space<hbm>> -> memref<128x256xf32, #tpu.memory_space<hbm>>
    %dma_wait3A_464 = tpu.memref_slice %arg14[%dma_wait3A_457] : memref<2x!tpu.dma_semaphore, #tpu.memory_space<semaphore_mem>> -> memref<1x!tpu.dma_semaphore, #tpu.memory_space<semaphore_mem>>
    %dma_wait3A_465 = tpu.memref_squeeze %dma_wait3A_464 : memref<1x!tpu.dma_semaphore, #tpu.memory_space<semaphore_mem>> -> memref<!tpu.dma_semaphore, #tpu.memory_space<semaphore_mem>>
    %dma_wait3A_466 = arith.constant 0 : i32
    %dma_wait3A_467 = tpu.memref_slice %arg8[%mul3A_439, %dma_wait3A_466] : memref<16384x256xf32, #tpu.memory_space<hbm>> -> memref<128x256xf32, #tpu.memory_space<hbm>>
    %dma_wait3A_468 = arith.constant 0 : i32
    %dma_wait3A_469 = arith.constant 0 : i32
    %dma_wait3A_470 = tpu.memref_slice %arg10[%dma_wait3A_456, %dma_wait3A_468, %dma_wait3A_469] : memref<2x128x256xf32, #tpu.memory_space<vmem>> -> memref<1x128x256xf32, #tpu.memory_space<vmem>>
    %dma_wait3A_471 = tpu.memref_squeeze %dma_wait3A_470 : memref<1x128x256xf32, #tpu.memory_space<vmem>> -> memref<128x256xf32, #tpu.memory_space<vmem>>
    tpu.wait_dma2 semaphore(%dma_wait3A_465 : memref<!tpu.dma_semaphore, #tpu.memory_space<semaphore_mem>>) src(%dma_wait3A_471 : memref<128x256xf32, #tpu.memory_space<vmem>>) dst(%dma_wait3A_467 : memref<128x256xf32, #tpu.memory_space<hbm>>)
    %dma_wait3A_472 = arith.constant 0 : i32
    %dma_wait3A_473 = arith.constant 0 : i32
    %dma_wait3A_474 = arith.constant 0 : i32
    %dma_wait3A_475 = arith.constant 0 : i32
    %dma_wait3A_476 = tpu.memref_slice %arg9[%dma_wait3A_472, %dma_wait3A_473, %dma_wait3A_475] : memref<2x3x128xi32, #tpu.memory_space<vmem>> -> memref<1x1x128xi32, #tpu.memory_space<vmem>>
    %dma_wait3A_477 = tpu.memref_squeeze %dma_wait3A_476 : memref<1x1x128xi32, #tpu.memory_space<vmem>> -> memref<128xi32, #tpu.memory_space<vmem>>
    %dma_wait3A_478 = arith.constant 0 : i32
    %dma_wait3A_479 = tpu.memref_slice %arg2[%add3A_376, %dma_wait3A_478] : memref<128x128xi32, #tpu.memory_space<hbm>> -> memref<1x128xi32, #tpu.memory_space<hbm>>
    %dma_wait3A_480 = tpu.memref_squeeze %dma_wait3A_479 : memref<1x128xi32, #tpu.memory_space<hbm>> -> memref<128xi32, #tpu.memory_space<hbm>>
    %dma_wait3A_481 = tpu.memref_slice %arg12[%dma_wait3A_474] : memref<2x!tpu.dma_semaphore, #tpu.memory_space<semaphore_mem>> -> memref<1x!tpu.dma_semaphore, #tpu.memory_space<semaphore_mem>>
    %dma_wait3A_482 = tpu.memref_squeeze %dma_wait3A_481 : memref<1x!tpu.dma_semaphore, #tpu.memory_space<semaphore_mem>> -> memref<!tpu.dma_semaphore, #tpu.memory_space<semaphore_mem>>
    %dma_wait3A_483 = arith.constant 0 : i32
    %dma_wait3A_484 = tpu.memref_slice %arg9[%dma_wait3A_472, %dma_wait3A_473, %dma_wait3A_483] : memref<2x3x128xi32, #tpu.memory_space<vmem>> -> memref<1x1x128xi32, #tpu.memory_space<vmem>>
    %dma_wait3A_485 = tpu.memref_squeeze %dma_wait3A_484 : memref<1x1x128xi32, #tpu.memory_space<vmem>> -> memref<128xi32, #tpu.memory_space<vmem>>
    %dma_wait3A_486 = arith.constant 0 : i32
    %dma_wait3A_487 = tpu.memref_slice %arg2[%add3A_376, %dma_wait3A_486] : memref<128x128xi32, #tpu.memory_space<hbm>> -> memref<1x128xi32, #tpu.memory_space<hbm>>
    %dma_wait3A_488 = tpu.memref_squeeze %dma_wait3A_487 : memref<1x128xi32, #tpu.memory_space<hbm>> -> memref<128xi32, #tpu.memory_space<hbm>>
    tpu.wait_dma2 semaphore(%dma_wait3A_482 : memref<!tpu.dma_semaphore, #tpu.memory_space<semaphore_mem>>) src(%dma_wait3A_488 : memref<128xi32, #tpu.memory_space<hbm>>) dst(%dma_wait3A_485 : memref<128xi32, #tpu.memory_space<vmem>>)
    %dma_wait3A_489 = arith.constant 0 : i32
    %dma_wait3A_490 = arith.constant 1 : i32
    %dma_wait3A_491 = arith.constant 0 : i32
    %dma_wait3A_492 = arith.constant 0 : i32
    %dma_wait3A_493 = tpu.memref_slice %arg9[%dma_wait3A_489, %dma_wait3A_490, %dma_wait3A_492] : memref<2x3x128xi32, #tpu.memory_space<vmem>> -> memref<1x1x128xi32, #tpu.memory_space<vmem>>
    %dma_wait3A_494 = tpu.memref_squeeze %dma_wait3A_493 : memref<1x1x128xi32, #tpu.memory_space<vmem>> -> memref<128xi32, #tpu.memory_space<vmem>>
    %dma_wait3A_495 = arith.constant 0 : i32
    %dma_wait3A_496 = tpu.memref_slice %arg3[%add3A_376, %dma_wait3A_495] : memref<128x128xi32, #tpu.memory_space<hbm>> -> memref<1x128xi32, #tpu.memory_space<hbm>>
    %dma_wait3A_497 = tpu.memref_squeeze %dma_wait3A_496 : memref<1x128xi32, #tpu.memory_space<hbm>> -> memref<128xi32, #tpu.memory_space<hbm>>
    %dma_wait3A_498 = tpu.memref_slice %arg12[%dma_wait3A_491] : memref<2x!tpu.dma_semaphore, #tpu.memory_space<semaphore_mem>> -> memref<1x!tpu.dma_semaphore, #tpu.memory_space<semaphore_mem>>
    %dma_wait3A_499 = tpu.memref_squeeze %dma_wait3A_498 : memref<1x!tpu.dma_semaphore, #tpu.memory_space<semaphore_mem>> -> memref<!tpu.dma_semaphore, #tpu.memory_space<semaphore_mem>>
    %dma_wait3A_500 = arith.constant 0 : i32
    %dma_wait3A_501 = tpu.memref_slice %arg9[%dma_wait3A_489, %dma_wait3A_490, %dma_wait3A_500] : memref<2x3x128xi32, #tpu.memory_space<vmem>> -> memref<1x1x128xi32, #tpu.memory_space<vmem>>
    %dma_wait3A_502 = tpu.memref_squeeze %dma_wait3A_501 : memref<1x1x128xi32, #tpu.memory_space<vmem>> -> memref<128xi32, #tpu.memory_space<vmem>>
    %dma_wait3A_503 = arith.constant 0 : i32
    %dma_wait3A_504 = tpu.memref_slice %arg3[%add3A_376, %dma_wait3A_503] : memref<128x128xi32, #tpu.memory_space<hbm>> -> memref<1x128xi32, #tpu.memory_space<hbm>>
    %dma_wait3A_505 = tpu.memref_squeeze %dma_wait3A_504 : memref<1x128xi32, #tpu.memory_space<hbm>> -> memref<128xi32, #tpu.memory_space<hbm>>
    tpu.wait_dma2 semaphore(%dma_wait3A_499 : memref<!tpu.dma_semaphore, #tpu.memory_space<semaphore_mem>>) src(%dma_wait3A_505 : memref<128xi32, #tpu.memory_space<hbm>>) dst(%dma_wait3A_502 : memref<128xi32, #tpu.memory_space<vmem>>)
    %dma_wait3A_506 = arith.constant 0 : i32
    %dma_wait3A_507 = arith.constant 2 : i32
    %dma_wait3A_508 = arith.constant 0 : i32
    %dma_wait3A_509 = arith.constant 0 : i32
    %dma_wait3A_510 = tpu.memref_slice %arg9[%dma_wait3A_506, %dma_wait3A_507, %dma_wait3A_509] : memref<2x3x128xi32, #tpu.memory_space<vmem>> -> memref<1x1x128xi32, #tpu.memory_space<vmem>>
    %dma_wait3A_511 = tpu.memref_squeeze %dma_wait3A_510 : memref<1x1x128xi32, #tpu.memory_space<vmem>> -> memref<128xi32, #tpu.memory_space<vmem>>
    %dma_wait3A_512 = arith.constant 0 : i32
    %dma_wait3A_513 = tpu.memref_slice %arg4[%add3A_376, %dma_wait3A_512] : memref<128x128xi32, #tpu.memory_space<hbm>> -> memref<1x128xi32, #tpu.memory_space<hbm>>
    %dma_wait3A_514 = tpu.memref_squeeze %dma_wait3A_513 : memref<1x128xi32, #tpu.memory_space<hbm>> -> memref<128xi32, #tpu.memory_space<hbm>>
    %dma_wait3A_515 = tpu.memref_slice %arg12[%dma_wait3A_508] : memref<2x!tpu.dma_semaphore, #tpu.memory_space<semaphore_mem>> -> memref<1x!tpu.dma_semaphore, #tpu.memory_space<semaphore_mem>>
    %dma_wait3A_516 = tpu.memref_squeeze %dma_wait3A_515 : memref<1x!tpu.dma_semaphore, #tpu.memory_space<semaphore_mem>> -> memref<!tpu.dma_semaphore, #tpu.memory_space<semaphore_mem>>
    %dma_wait3A_517 = arith.constant 0 : i32
    %dma_wait3A_518 = tpu.memref_slice %arg9[%dma_wait3A_506, %dma_wait3A_507, %dma_wait3A_517] : memref<2x3x128xi32, #tpu.memory_space<vmem>> -> memref<1x1x128xi32, #tpu.memory_space<vmem>>
    %dma_wait3A_519 = tpu.memref_squeeze %dma_wait3A_518 : memref<1x1x128xi32, #tpu.memory_space<vmem>> -> memref<128xi32, #tpu.memory_space<vmem>>
    %dma_wait3A_520 = arith.constant 0 : i32
    %dma_wait3A_521 = tpu.memref_slice %arg4[%add3A_376, %dma_wait3A_520] : memref<128x128xi32, #tpu.memory_space<hbm>> -> memref<1x128xi32, #tpu.memory_space<hbm>>
    %dma_wait3A_522 = tpu.memref_squeeze %dma_wait3A_521 : memref<1x128xi32, #tpu.memory_space<hbm>> -> memref<128xi32, #tpu.memory_space<hbm>>
    tpu.wait_dma2 semaphore(%dma_wait3A_516 : memref<!tpu.dma_semaphore, #tpu.memory_space<semaphore_mem>>) src(%dma_wait3A_522 : memref<128xi32, #tpu.memory_space<hbm>>) dst(%dma_wait3A_519 : memref<128xi32, #tpu.memory_space<vmem>>)
    %dma_start3A_523 = arith.constant 0 : i32
    %dma_start3A_524 = arith.constant 0 : i32
    %dma_start3A_525 = arith.constant 0 : i32
    %dma_start3A_526 = arith.constant 0 : i32
    %dma_start3A_527 = arith.constant 0 : i32
    %dma_start3A_528 = arith.constant 0 : i32
    %dma_start3A_529 = tpu.memref_slice %arg10[%dma_start3A_525, %dma_start3A_527, %dma_start3A_528] : memref<2x128x256xf32, #tpu.memory_space<vmem>> -> memref<1x128x256xf32, #tpu.memory_space<vmem>>
    %dma_start3A_530 = tpu.memref_squeeze %dma_start3A_529 : memref<1x128x256xf32, #tpu.memory_space<vmem>> -> memref<128x256xf32, #tpu.memory_space<vmem>>
    %dma_start3A_531 = arith.constant 0 : i32
    %dma_start3A_532 = arith.constant 0 : i32
    %dma_start3A_533 = tpu.memref_slice %dma_start3A_530[%dma_start3A_531, %dma_start3A_532] : memref<128x256xf32, #tpu.memory_space<vmem>> -> memref<128x128xf32, #tpu.memory_space<vmem>>
    %dma_start3A_534 = arith.constant 0 : i32
    %dma_start3A_535 = tpu.memref_slice %arg9[%dma_start3A_523, %dma_start3A_524, %dma_start3A_534] : memref<2x3x128xi32, #tpu.memory_space<vmem>> -> memref<1x1x128xi32, #tpu.memory_space<vmem>>
    %dma_start3A_536 = tpu.memref_squeeze %dma_start3A_535 : memref<1x1x128xi32, #tpu.memory_space<vmem>> -> memref<128xi32, #tpu.memory_space<vmem>>
    %dma_start3A_537 = arith.constant 0 : i32
    %dma_start3A_538 = arith.constant 0 : i32
    %dma_start3A_539 = tpu.memref_slice %arg5[%dma_start3A_537, %dma_start3A_538] : memref<448x128xf32, #tpu.memory_space<hbm>> -> memref<448x128xf32, #tpu.memory_space<hbm>>
    %dma_start3A_540 = tpu.memref_slice %arg13[%dma_start3A_526] : memref<2x!tpu.dma_semaphore, #tpu.memory_space<semaphore_mem>> -> memref<1x!tpu.dma_semaphore, #tpu.memory_space<semaphore_mem>>
    %dma_start3A_541 = tpu.memref_squeeze %dma_start3A_540 : memref<1x!tpu.dma_semaphore, #tpu.memory_space<semaphore_mem>> -> memref<!tpu.dma_semaphore, #tpu.memory_space<semaphore_mem>>
    tpu.enqueue_indirect_dma source(%dma_start3A_539 : memref<448x128xf32, #tpu.memory_space<hbm>>) target(%dma_start3A_533 : memref<128x128xf32, #tpu.memory_space<vmem>>) offsets(%dma_start3A_536 : memref<128xi32, #tpu.memory_space<vmem>>) semaphore(%dma_start3A_541 : memref<!tpu.dma_semaphore, #tpu.memory_space<semaphore_mem>>)
    %dma_start3A_542 = arith.constant 0 : i32
    %dma_start3A_543 = arith.constant 1 : i32
    %dma_start3A_544 = arith.constant 0 : i32
    %dma_start3A_545 = arith.constant 0 : i32
    %dma_start3A_546 = arith.constant 0 : i32
    %dma_start3A_547 = arith.constant 0 : i32
    %dma_start3A_548 = tpu.memref_slice %arg10[%dma_start3A_544, %dma_start3A_546, %dma_start3A_547] : memref<2x128x256xf32, #tpu.memory_space<vmem>> -> memref<1x128x256xf32, #tpu.memory_space<vmem>>
    %dma_start3A_549 = tpu.memref_squeeze %dma_start3A_548 : memref<1x128x256xf32, #tpu.memory_space<vmem>> -> memref<128x256xf32, #tpu.memory_space<vmem>>
    %dma_start3A_550 = arith.constant 0 : i32
    %dma_start3A_551 = arith.constant 128 : i32
    %dma_start3A_552 = tpu.memref_slice %dma_start3A_549[%dma_start3A_550, %dma_start3A_551] : memref<128x256xf32, #tpu.memory_space<vmem>> -> memref<128x128xf32, #tpu.memory_space<vmem>>
    %dma_start3A_553 = arith.constant 0 : i32
    %dma_start3A_554 = tpu.memref_slice %arg9[%dma_start3A_542, %dma_start3A_543, %dma_start3A_553] : memref<2x3x128xi32, #tpu.memory_space<vmem>> -> memref<1x1x128xi32, #tpu.memory_space<vmem>>
    %dma_start3A_555 = tpu.memref_squeeze %dma_start3A_554 : memref<1x1x128xi32, #tpu.memory_space<vmem>> -> memref<128xi32, #tpu.memory_space<vmem>>
    %dma_start3A_556 = arith.constant 0 : i32
    %dma_start3A_557 = arith.constant 0 : i32
    %dma_start3A_558 = tpu.memref_slice %arg6[%dma_start3A_556, %dma_start3A_557] : memref<672x128xf32, #tpu.memory_space<hbm>> -> memref<672x128xf32, #tpu.memory_space<hbm>>
    %dma_start3A_559 = tpu.memref_slice %arg13[%dma_start3A_545] : memref<2x!tpu.dma_semaphore, #tpu.memory_space<semaphore_mem>> -> memref<1x!tpu.dma_semaphore, #tpu.memory_space<semaphore_mem>>
    %dma_start3A_560 = tpu.memref_squeeze %dma_start3A_559 : memref<1x!tpu.dma_semaphore, #tpu.memory_space<semaphore_mem>> -> memref<!tpu.dma_semaphore, #tpu.memory_space<semaphore_mem>>
    tpu.enqueue_indirect_dma source(%dma_start3A_558 : memref<672x128xf32, #tpu.memory_space<hbm>>) target(%dma_start3A_552 : memref<128x128xf32, #tpu.memory_space<vmem>>) offsets(%dma_start3A_555 : memref<128xi32, #tpu.memory_space<vmem>>) semaphore(%dma_start3A_560 : memref<!tpu.dma_semaphore, #tpu.memory_space<semaphore_mem>>)
    %dma_start3A_561 = arith.constant 0 : i32
    %dma_start3A_562 = arith.constant 2 : i32
    %dma_start3A_563 = arith.constant 0 : i32
    %dma_start3A_564 = arith.constant 0 : i32
    %dma_start3A_565 = arith.constant 0 : i32
    %dma_start3A_566 = arith.constant 0 : i32
    %dma_start3A_567 = tpu.memref_slice %arg11[%dma_start3A_563, %dma_start3A_565, %dma_start3A_566] : memref<2x128x128xf32, #tpu.memory_space<vmem>> -> memref<1x128x128xf32, #tpu.memory_space<vmem>>
    %dma_start3A_568 = tpu.memref_squeeze %dma_start3A_567 : memref<1x128x128xf32, #tpu.memory_space<vmem>> -> memref<128x128xf32, #tpu.memory_space<vmem>>
    %dma_start3A_569 = arith.constant 0 : i32
    %dma_start3A_570 = tpu.memref_slice %arg9[%dma_start3A_561, %dma_start3A_562, %dma_start3A_569] : memref<2x3x128xi32, #tpu.memory_space<vmem>> -> memref<1x1x128xi32, #tpu.memory_space<vmem>>
    %dma_start3A_571 = tpu.memref_squeeze %dma_start3A_570 : memref<1x1x128xi32, #tpu.memory_space<vmem>> -> memref<128xi32, #tpu.memory_space<vmem>>
    %dma_start3A_572 = arith.constant 0 : i32
    %dma_start3A_573 = arith.constant 0 : i32
    %dma_start3A_574 = tpu.memref_slice %arg7[%dma_start3A_572, %dma_start3A_573] : memref<100000x128xf32, #tpu.memory_space<hbm>> -> memref<100000x128xf32, #tpu.memory_space<hbm>>
    %dma_start3A_575 = tpu.memref_slice %arg13[%dma_start3A_564] : memref<2x!tpu.dma_semaphore, #tpu.memory_space<semaphore_mem>> -> memref<1x!tpu.dma_semaphore, #tpu.memory_space<semaphore_mem>>
    %dma_start3A_576 = tpu.memref_squeeze %dma_start3A_575 : memref<1x!tpu.dma_semaphore, #tpu.memory_space<semaphore_mem>> -> memref<!tpu.dma_semaphore, #tpu.memory_space<semaphore_mem>>
    tpu.enqueue_indirect_dma source(%dma_start3A_574 : memref<100000x128xf32, #tpu.memory_space<hbm>>) target(%dma_start3A_568 : memref<128x128xf32, #tpu.memory_space<vmem>>) offsets(%dma_start3A_571 : memref<128xi32, #tpu.memory_space<vmem>>) semaphore(%dma_start3A_576 : memref<!tpu.dma_semaphore, #tpu.memory_space<semaphore_mem>>)
    %dma_wait3A_577 = arith.constant 1 : i32
    %dma_wait3A_578 = arith.constant 0 : i32
    %dma_wait3A_579 = arith.constant 1 : i32
    %dma_wait3A_580 = arith.constant 1 : i32
    %dma_wait3A_581 = arith.constant 0 : i32
    %dma_wait3A_582 = arith.constant 0 : i32
    %dma_wait3A_583 = tpu.memref_slice %arg10[%dma_wait3A_579, %dma_wait3A_581, %dma_wait3A_582] : memref<2x128x256xf32, #tpu.memory_space<vmem>> -> memref<1x128x256xf32, #tpu.memory_space<vmem>>
    %dma_wait3A_584 = tpu.memref_squeeze %dma_wait3A_583 : memref<1x128x256xf32, #tpu.memory_space<vmem>> -> memref<128x256xf32, #tpu.memory_space<vmem>>
    %dma_wait3A_585 = arith.constant 0 : i32
    %dma_wait3A_586 = arith.constant 0 : i32
    %dma_wait3A_587 = tpu.memref_slice %dma_wait3A_584[%dma_wait3A_585, %dma_wait3A_586] : memref<128x256xf32, #tpu.memory_space<vmem>> -> memref<128x128xf32, #tpu.memory_space<vmem>>
    %dma_wait3A_588 = arith.constant 0 : i32
    %dma_wait3A_589 = tpu.memref_slice %arg9[%dma_wait3A_577, %dma_wait3A_578, %dma_wait3A_588] : memref<2x3x128xi32, #tpu.memory_space<vmem>> -> memref<1x1x128xi32, #tpu.memory_space<vmem>>
    %dma_wait3A_590 = tpu.memref_squeeze %dma_wait3A_589 : memref<1x1x128xi32, #tpu.memory_space<vmem>> -> memref<128xi32, #tpu.memory_space<vmem>>
    %dma_wait3A_591 = arith.constant 0 : i32
    %dma_wait3A_592 = arith.constant 0 : i32
    %dma_wait3A_593 = tpu.memref_slice %arg5[%dma_wait3A_591, %dma_wait3A_592] : memref<448x128xf32, #tpu.memory_space<hbm>> -> memref<448x128xf32, #tpu.memory_space<hbm>>
    %dma_wait3A_594 = tpu.memref_slice %arg13[%dma_wait3A_580] : memref<2x!tpu.dma_semaphore, #tpu.memory_space<semaphore_mem>> -> memref<1x!tpu.dma_semaphore, #tpu.memory_space<semaphore_mem>>
    %dma_wait3A_595 = tpu.memref_squeeze %dma_wait3A_594 : memref<1x!tpu.dma_semaphore, #tpu.memory_space<semaphore_mem>> -> memref<!tpu.dma_semaphore, #tpu.memory_space<semaphore_mem>>
    tpu.wait_indirect_dma semaphore(%dma_wait3A_595 : memref<!tpu.dma_semaphore, #tpu.memory_space<semaphore_mem>>) src(%dma_wait3A_593 : memref<448x128xf32, #tpu.memory_space<hbm>>) dst(%dma_wait3A_587 : memref<128x128xf32, #tpu.memory_space<vmem>>)
    %dma_wait3A_596 = arith.constant 1 : i32
    %dma_wait3A_597 = arith.constant 1 : i32
    %dma_wait3A_598 = arith.constant 1 : i32
    %dma_wait3A_599 = arith.constant 1 : i32
    %dma_wait3A_600 = arith.constant 0 : i32
    %dma_wait3A_601 = arith.constant 0 : i32
    %dma_wait3A_602 = tpu.memref_slice %arg10[%dma_wait3A_598, %dma_wait3A_600, %dma_wait3A_601] : memref<2x128x256xf32, #tpu.memory_space<vmem>> -> memref<1x128x256xf32, #tpu.memory_space<vmem>>
    %dma_wait3A_603 = tpu.memref_squeeze %dma_wait3A_602 : memref<1x128x256xf32, #tpu.memory_space<vmem>> -> memref<128x256xf32, #tpu.memory_space<vmem>>
    %dma_wait3A_604 = arith.constant 0 : i32
    %dma_wait3A_605 = arith.constant 128 : i32
    %dma_wait3A_606 = tpu.memref_slice %dma_wait3A_603[%dma_wait3A_604, %dma_wait3A_605] : memref<128x256xf32, #tpu.memory_space<vmem>> -> memref<128x128xf32, #tpu.memory_space<vmem>>
    %dma_wait3A_607 = arith.constant 0 : i32
    %dma_wait3A_608 = tpu.memref_slice %arg9[%dma_wait3A_596, %dma_wait3A_597, %dma_wait3A_607] : memref<2x3x128xi32, #tpu.memory_space<vmem>> -> memref<1x1x128xi32, #tpu.memory_space<vmem>>
    %dma_wait3A_609 = tpu.memref_squeeze %dma_wait3A_608 : memref<1x1x128xi32, #tpu.memory_space<vmem>> -> memref<128xi32, #tpu.memory_space<vmem>>
    %dma_wait3A_610 = arith.constant 0 : i32
    %dma_wait3A_611 = arith.constant 0 : i32
    %dma_wait3A_612 = tpu.memref_slice %arg6[%dma_wait3A_610, %dma_wait3A_611] : memref<672x128xf32, #tpu.memory_space<hbm>> -> memref<672x128xf32, #tpu.memory_space<hbm>>
    %dma_wait3A_613 = tpu.memref_slice %arg13[%dma_wait3A_599] : memref<2x!tpu.dma_semaphore, #tpu.memory_space<semaphore_mem>> -> memref<1x!tpu.dma_semaphore, #tpu.memory_space<semaphore_mem>>
    %dma_wait3A_614 = tpu.memref_squeeze %dma_wait3A_613 : memref<1x!tpu.dma_semaphore, #tpu.memory_space<semaphore_mem>> -> memref<!tpu.dma_semaphore, #tpu.memory_space<semaphore_mem>>
    tpu.wait_indirect_dma semaphore(%dma_wait3A_614 : memref<!tpu.dma_semaphore, #tpu.memory_space<semaphore_mem>>) src(%dma_wait3A_612 : memref<672x128xf32, #tpu.memory_space<hbm>>) dst(%dma_wait3A_606 : memref<128x128xf32, #tpu.memory_space<vmem>>)
    %dma_wait3A_615 = arith.constant 1 : i32
    %dma_wait3A_616 = arith.constant 2 : i32
    %dma_wait3A_617 = arith.constant 1 : i32
    %dma_wait3A_618 = arith.constant 1 : i32
    %dma_wait3A_619 = arith.constant 0 : i32
    %dma_wait3A_620 = arith.constant 0 : i32
    %dma_wait3A_621 = tpu.memref_slice %arg11[%dma_wait3A_617, %dma_wait3A_619, %dma_wait3A_620] : memref<2x128x128xf32, #tpu.memory_space<vmem>> -> memref<1x128x128xf32, #tpu.memory_space<vmem>>
    %dma_wait3A_622 = tpu.memref_squeeze %dma_wait3A_621 : memref<1x128x128xf32, #tpu.memory_space<vmem>> -> memref<128x128xf32, #tpu.memory_space<vmem>>
    %dma_wait3A_623 = arith.constant 0 : i32
    %dma_wait3A_624 = tpu.memref_slice %arg9[%dma_wait3A_615, %dma_wait3A_616, %dma_wait3A_623] : memref<2x3x128xi32, #tpu.memory_space<vmem>> -> memref<1x1x128xi32, #tpu.memory_space<vmem>>
    %dma_wait3A_625 = tpu.memref_squeeze %dma_wait3A_624 : memref<1x1x128xi32, #tpu.memory_space<vmem>> -> memref<128xi32, #tpu.memory_space<vmem>>
    %dma_wait3A_626 = arith.constant 0 : i32
    %dma_wait3A_627 = arith.constant 0 : i32
    %dma_wait3A_628 = tpu.memref_slice %arg7[%dma_wait3A_626, %dma_wait3A_627] : memref<100000x128xf32, #tpu.memory_space<hbm>> -> memref<100000x128xf32, #tpu.memory_space<hbm>>
    %dma_wait3A_629 = tpu.memref_slice %arg13[%dma_wait3A_618] : memref<2x!tpu.dma_semaphore, #tpu.memory_space<semaphore_mem>> -> memref<1x!tpu.dma_semaphore, #tpu.memory_space<semaphore_mem>>
    %dma_wait3A_630 = tpu.memref_squeeze %dma_wait3A_629 : memref<1x!tpu.dma_semaphore, #tpu.memory_space<semaphore_mem>> -> memref<!tpu.dma_semaphore, #tpu.memory_space<semaphore_mem>>
    tpu.wait_indirect_dma semaphore(%dma_wait3A_630 : memref<!tpu.dma_semaphore, #tpu.memory_space<semaphore_mem>>) src(%dma_wait3A_628 : memref<100000x128xf32, #tpu.memory_space<hbm>>) dst(%dma_wait3A_622 : memref<128x128xf32, #tpu.memory_space<vmem>>)
    %mul3A_631 = arith.constant 4 : i32
    %mul3A_632 = arith.muli %add3A, %mul3A_631 : i32
    %add3A_633 = arith.constant 3 : i32
    %add3A_634 = arith.addi %mul3A_632, %add3A_633 : i32
    %dma_start3A_635 = arith.constant 1 : i32
    %dma_start3A_636 = arith.constant 0 : i32
    %dma_start3A_637 = arith.constant 1 : i32
    %dma_start3A_638 = arith.constant 0 : i32
    %dma_start3A_639 = tpu.memref_slice %arg9[%dma_start3A_635, %dma_start3A_636, %dma_start3A_638] : memref<2x3x128xi32, #tpu.memory_space<vmem>> -> memref<1x1x128xi32, #tpu.memory_space<vmem>>
    %dma_start3A_640 = tpu.memref_squeeze %dma_start3A_639 : memref<1x1x128xi32, #tpu.memory_space<vmem>> -> memref<128xi32, #tpu.memory_space<vmem>>
    %dma_start3A_641 = arith.constant 0 : i32
    %dma_start3A_642 = tpu.memref_slice %arg2[%add3A_634, %dma_start3A_641] : memref<128x128xi32, #tpu.memory_space<hbm>> -> memref<1x128xi32, #tpu.memory_space<hbm>>
    %dma_start3A_643 = tpu.memref_squeeze %dma_start3A_642 : memref<1x128xi32, #tpu.memory_space<hbm>> -> memref<128xi32, #tpu.memory_space<hbm>>
    %dma_start3A_644 = tpu.memref_slice %arg12[%dma_start3A_637] : memref<2x!tpu.dma_semaphore, #tpu.memory_space<semaphore_mem>> -> memref<1x!tpu.dma_semaphore, #tpu.memory_space<semaphore_mem>>
    %dma_start3A_645 = tpu.memref_squeeze %dma_start3A_644 : memref<1x!tpu.dma_semaphore, #tpu.memory_space<semaphore_mem>> -> memref<!tpu.dma_semaphore, #tpu.memory_space<semaphore_mem>>
    %dma_start3A_646 = arith.constant 0 : i32
    %dma_start3A_647 = tpu.memref_slice %arg9[%dma_start3A_635, %dma_start3A_636, %dma_start3A_646] : memref<2x3x128xi32, #tpu.memory_space<vmem>> -> memref<1x1x128xi32, #tpu.memory_space<vmem>>
    %dma_start3A_648 = tpu.memref_squeeze %dma_start3A_647 : memref<1x1x128xi32, #tpu.memory_space<vmem>> -> memref<128xi32, #tpu.memory_space<vmem>>
    %dma_start3A_649 = arith.constant 0 : i32
    %dma_start3A_650 = tpu.memref_slice %arg2[%add3A_634, %dma_start3A_649] : memref<128x128xi32, #tpu.memory_space<hbm>> -> memref<1x128xi32, #tpu.memory_space<hbm>>
    %dma_start3A_651 = tpu.memref_squeeze %dma_start3A_650 : memref<1x128xi32, #tpu.memory_space<hbm>> -> memref<128xi32, #tpu.memory_space<hbm>>
    tpu.enqueue_dma source(%dma_start3A_651 : memref<128xi32, #tpu.memory_space<hbm>>) target(%dma_start3A_648 : memref<128xi32, #tpu.memory_space<vmem>>) target_semaphore(%dma_start3A_645 : memref<!tpu.dma_semaphore, #tpu.memory_space<semaphore_mem>>)
    %dma_start3A_652 = arith.constant 1 : i32
    %dma_start3A_653 = arith.constant 1 : i32
    %dma_start3A_654 = arith.constant 1 : i32
    %dma_start3A_655 = arith.constant 0 : i32
    %dma_start3A_656 = tpu.memref_slice %arg9[%dma_start3A_652, %dma_start3A_653, %dma_start3A_655] : memref<2x3x128xi32, #tpu.memory_space<vmem>> -> memref<1x1x128xi32, #tpu.memory_space<vmem>>
    %dma_start3A_657 = tpu.memref_squeeze %dma_start3A_656 : memref<1x1x128xi32, #tpu.memory_space<vmem>> -> memref<128xi32, #tpu.memory_space<vmem>>
    %dma_start3A_658 = arith.constant 0 : i32
    %dma_start3A_659 = tpu.memref_slice %arg3[%add3A_634, %dma_start3A_658] : memref<128x128xi32, #tpu.memory_space<hbm>> -> memref<1x128xi32, #tpu.memory_space<hbm>>
    %dma_start3A_660 = tpu.memref_squeeze %dma_start3A_659 : memref<1x128xi32, #tpu.memory_space<hbm>> -> memref<128xi32, #tpu.memory_space<hbm>>
    %dma_start3A_661 = tpu.memref_slice %arg12[%dma_start3A_654] : memref<2x!tpu.dma_semaphore, #tpu.memory_space<semaphore_mem>> -> memref<1x!tpu.dma_semaphore, #tpu.memory_space<semaphore_mem>>
    %dma_start3A_662 = tpu.memref_squeeze %dma_start3A_661 : memref<1x!tpu.dma_semaphore, #tpu.memory_space<semaphore_mem>> -> memref<!tpu.dma_semaphore, #tpu.memory_space<semaphore_mem>>
    %dma_start3A_663 = arith.constant 0 : i32
    %dma_start3A_664 = tpu.memref_slice %arg9[%dma_start3A_652, %dma_start3A_653, %dma_start3A_663] : memref<2x3x128xi32, #tpu.memory_space<vmem>> -> memref<1x1x128xi32, #tpu.memory_space<vmem>>
    %dma_start3A_665 = tpu.memref_squeeze %dma_start3A_664 : memref<1x1x128xi32, #tpu.memory_space<vmem>> -> memref<128xi32, #tpu.memory_space<vmem>>
    %dma_start3A_666 = arith.constant 0 : i32
    %dma_start3A_667 = tpu.memref_slice %arg3[%add3A_634, %dma_start3A_666] : memref<128x128xi32, #tpu.memory_space<hbm>> -> memref<1x128xi32, #tpu.memory_space<hbm>>
    %dma_start3A_668 = tpu.memref_squeeze %dma_start3A_667 : memref<1x128xi32, #tpu.memory_space<hbm>> -> memref<128xi32, #tpu.memory_space<hbm>>
    tpu.enqueue_dma source(%dma_start3A_668 : memref<128xi32, #tpu.memory_space<hbm>>) target(%dma_start3A_665 : memref<128xi32, #tpu.memory_space<vmem>>) target_semaphore(%dma_start3A_662 : memref<!tpu.dma_semaphore, #tpu.memory_space<semaphore_mem>>)
    %dma_start3A_669 = arith.constant 1 : i32
    %dma_start3A_670 = arith.constant 2 : i32
    %dma_start3A_671 = arith.constant 1 : i32
    %dma_start3A_672 = arith.constant 0 : i32
    %dma_start3A_673 = tpu.memref_slice %arg9[%dma_start3A_669, %dma_start3A_670, %dma_start3A_672] : memref<2x3x128xi32, #tpu.memory_space<vmem>> -> memref<1x1x128xi32, #tpu.memory_space<vmem>>
    %dma_start3A_674 = tpu.memref_squeeze %dma_start3A_673 : memref<1x1x128xi32, #tpu.memory_space<vmem>> -> memref<128xi32, #tpu.memory_space<vmem>>
    %dma_start3A_675 = arith.constant 0 : i32
    %dma_start3A_676 = tpu.memref_slice %arg4[%add3A_634, %dma_start3A_675] : memref<128x128xi32, #tpu.memory_space<hbm>> -> memref<1x128xi32, #tpu.memory_space<hbm>>
    %dma_start3A_677 = tpu.memref_squeeze %dma_start3A_676 : memref<1x128xi32, #tpu.memory_space<hbm>> -> memref<128xi32, #tpu.memory_space<hbm>>
    %dma_start3A_678 = tpu.memref_slice %arg12[%dma_start3A_671] : memref<2x!tpu.dma_semaphore, #tpu.memory_space<semaphore_mem>> -> memref<1x!tpu.dma_semaphore, #tpu.memory_space<semaphore_mem>>
    %dma_start3A_679 = tpu.memref_squeeze %dma_start3A_678 : memref<1x!tpu.dma_semaphore, #tpu.memory_space<semaphore_mem>> -> memref<!tpu.dma_semaphore, #tpu.memory_space<semaphore_mem>>
    %dma_start3A_680 = arith.constant 0 : i32
    %dma_start3A_681 = tpu.memref_slice %arg9[%dma_start3A_669, %dma_start3A_670, %dma_start3A_680] : memref<2x3x128xi32, #tpu.memory_space<vmem>> -> memref<1x1x128xi32, #tpu.memory_space<vmem>>
    %dma_start3A_682 = tpu.memref_squeeze %dma_start3A_681 : memref<1x1x128xi32, #tpu.memory_space<vmem>> -> memref<128xi32, #tpu.memory_space<vmem>>
    %dma_start3A_683 = arith.constant 0 : i32
    %dma_start3A_684 = tpu.memref_slice %arg4[%add3A_634, %dma_start3A_683] : memref<128x128xi32, #tpu.memory_space<hbm>> -> memref<1x128xi32, #tpu.memory_space<hbm>>
    %dma_start3A_685 = tpu.memref_squeeze %dma_start3A_684 : memref<1x128xi32, #tpu.memory_space<hbm>> -> memref<128xi32, #tpu.memory_space<hbm>>
    tpu.enqueue_dma source(%dma_start3A_685 : memref<128xi32, #tpu.memory_space<hbm>>) target(%dma_start3A_682 : memref<128xi32, #tpu.memory_space<vmem>>) target_semaphore(%dma_start3A_679 : memref<!tpu.dma_semaphore, #tpu.memory_space<semaphore_mem>>)
    %scan3A_686 = arith.constant 0 : i32
    %scan3A_687 = arith.constant 0 : i32
    %scan3A_688 = arith.constant 128 : i32
    %scan3A_689 = arith.addi %scan3A_687, %scan3A_688 : i32
    %scan3A_690 = arith.constant 2 : i32
    %scan3A_691 = scf.for %scan3A_1034 = %scan3A_687 to %scan3A_689 step %scan3A_690 iter_args(%scan3A_1035 = %scan3A_686) -> (i32)  : i32 {
      %get3A = arith.constant 1 : i32
      %get3A_1036 = arith.index_cast %get3A : i32 to index
      %get3A_1037 = arith.index_cast %scan3A_1034 : i32 to index
      %get3A_1038 = arith.constant 0 : index
      %get3A_1039 = tpu.vector_load %arg11[%get3A_1036, %get3A_1037, %get3A_1038] {strides = array<i32>} : memref<2x128x128xf32, #tpu.memory_space<vmem>>, vector<1x1x16xf32>,
      %get3A_1040 = vector.shape_cast %get3A_1039 : vector<1x1x16xf32> to vector<16xf32>
      %swap3A = arith.constant 1 : i32
      %swap3A_1041 = arith.index_cast %swap3A : i32 to index
      %swap3A_1042 = arith.index_cast %scan3A_1034 : i32 to index
      %swap3A_1043 = arith.constant 192 : index
      %swap3A_1044 = tpu.vector_load %arg10[%swap3A_1041, %swap3A_1042, %swap3A_1043] {strides = array<i32>} : memref<2x128x256xf32, #tpu.memory_space<vmem>>, vector<1x1x16xf32>,
      %swap3A_1045 = vector.shape_cast %swap3A_1044 : vector<1x1x16xf32> to vector<16xf32>
      %swap3A_1046 = vector.shape_cast %get3A_1040 : vector<16xf32> to vector<1x1x16xf32>
      tpu.vector_store %arg10[%swap3A_1041, %swap3A_1042, %swap3A_1043], %swap3A_1046 {strides = array<i32>} : memref<2x128x256xf32, #tpu.memory_space<vmem>>, vector<1x1x16xf32>,
      %get3A_1047 = arith.constant 1 : i32
      %get3A_1048 = arith.index_cast %get3A_1047 : i32 to index
      %get3A_1049 = arith.index_cast %scan3A_1034 : i32 to index
      %get3A_1050 = arith.constant 16 : index
      %get3A_1051 = tpu.vector_load %arg11[%get3A_1048, %get3A_1049, %get3A_1050] {strides = array<i32>} : memref<2x128x128xf32, #tpu.memory_space<vmem>>, vector<1x1x16xf32>,
      %get3A_1052 = vector.shape_cast %get3A_1051 : vector<1x1x16xf32> to vector<16xf32>
      %swap3A_1053 = arith.constant 1 : i32
      %swap3A_1054 = arith.index_cast %swap3A_1053 : i32 to index
      %swap3A_1055 = arith.index_cast %scan3A_1034 : i32 to index
      %swap3A_1056 = arith.constant 208 : index
      %swap3A_1057 = tpu.vector_load %arg10[%swap3A_1054, %swap3A_1055, %swap3A_1056] {strides = array<i32>} : memref<2x128x256xf32, #tpu.memory_space<vmem>>, vector<1x1x16xf32>,
      %swap3A_1058 = vector.shape_cast %swap3A_1057 : vector<1x1x16xf32> to vector<16xf32>
      %swap3A_1059 = vector.shape_cast %get3A_1052 : vector<16xf32> to vector<1x1x16xf32>
      tpu.vector_store %arg10[%swap3A_1054, %swap3A_1055, %swap3A_1056], %swap3A_1059 {strides = array<i32>} : memref<2x128x256xf32, #tpu.memory_space<vmem>>, vector<1x1x16xf32>,
      %get3A_1060 = arith.constant 1 : i32
      %get3A_1061 = arith.index_cast %get3A_1060 : i32 to index
      %get3A_1062 = arith.index_cast %scan3A_1034 : i32 to index
      %get3A_1063 = arith.constant 32 : index
      %get3A_1064 = tpu.vector_load %arg11[%get3A_1061, %get3A_1062, %get3A_1063] {strides = array<i32>} : memref<2x128x128xf32, #tpu.memory_space<vmem>>, vector<1x1x16xf32>,
      %get3A_1065 = vector.shape_cast %get3A_1064 : vector<1x1x16xf32> to vector<16xf32>
      %swap3A_1066 = arith.constant 1 : i32
      %swap3A_1067 = arith.index_cast %swap3A_1066 : i32 to index
      %swap3A_1068 = arith.index_cast %scan3A_1034 : i32 to index
      %swap3A_1069 = arith.constant 224 : index
      %swap3A_1070 = tpu.vector_load %arg10[%swap3A_1067, %swap3A_1068, %swap3A_1069] {strides = array<i32>} : memref<2x128x256xf32, #tpu.memory_space<vmem>>, vector<1x1x16xf32>,
      %swap3A_1071 = vector.shape_cast %swap3A_1070 : vector<1x1x16xf32> to vector<16xf32>
      %swap3A_1072 = vector.shape_cast %get3A_1065 : vector<16xf32> to vector<1x1x16xf32>
      tpu.vector_store %arg10[%swap3A_1067, %swap3A_1068, %swap3A_1069], %swap3A_1072 {strides = array<i32>} : memref<2x128x256xf32, #tpu.memory_space<vmem>>, vector<1x1x16xf32>,
      %get3A_1073 = arith.constant 1 : i32
      %get3A_1074 = arith.index_cast %get3A_1073 : i32 to index
      %get3A_1075 = arith.index_cast %scan3A_1034 : i32 to index
      %get3A_1076 = arith.constant 48 : index
      %get3A_1077 = tpu.vector_load %arg11[%get3A_1074, %get3A_1075, %get3A_1076] {strides = array<i32>} : memref<2x128x128xf32, #tpu.memory_space<vmem>>, vector<1x1x16xf32>,
      %get3A_1078 = vector.shape_cast %get3A_1077 : vector<1x1x16xf32> to vector<16xf32>
      %swap3A_1079 = arith.constant 1 : i32
      %swap3A_1080 = arith.index_cast %swap3A_1079 : i32 to index
      %swap3A_1081 = arith.index_cast %scan3A_1034 : i32 to index
      %swap3A_1082 = arith.constant 240 : index
      %swap3A_1083 = tpu.vector_load %arg10[%swap3A_1080, %swap3A_1081, %swap3A_1082] {strides = array<i32>} : memref<2x128x256xf32, #tpu.memory_space<vmem>>, vector<1x1x16xf32>,
      %swap3A_1084 = vector.shape_cast %swap3A_1083 : vector<1x1x16xf32> to vector<16xf32>
      %swap3A_1085 = vector.shape_cast %get3A_1078 : vector<16xf32> to vector<1x1x16xf32>
      tpu.vector_store %arg10[%swap3A_1080, %swap3A_1081, %swap3A_1082], %swap3A_1085 {strides = array<i32>} : memref<2x128x256xf32, #tpu.memory_space<vmem>>, vector<1x1x16xf32>,
      %scan3A_1086 = arith.constant 0 : i32
      %scan3A_1087 = arith.constant 1 : i32
      %scan3A_1088 = arith.addi %scan3A_1034, %scan3A_1087 : i32
      %get3A_1089 = arith.constant 1 : i32
      %get3A_1090 = arith.index_cast %get3A_1089 : i32 to index
      %get3A_1091 = arith.index_cast %scan3A_1088 : i32 to index
      %get3A_1092 = arith.constant 0 : index
      %get3A_1093 = tpu.vector_load %arg11[%get3A_1090, %get3A_1091, %get3A_1092] {strides = array<i32>} : memref<2x128x128xf32, #tpu.memory_space<vmem>>, vector<1x1x16xf32>,
      %get3A_1094 = vector.shape_cast %get3A_1093 : vector<1x1x16xf32> to vector<16xf32>
      %swap3A_1095 = arith.constant 1 : i32
      %swap3A_1096 = arith.index_cast %swap3A_1095 : i32 to index
      %swap3A_1097 = arith.index_cast %scan3A_1088 : i32 to index
      %swap3A_1098 = arith.constant 192 : index
      %swap3A_1099 = tpu.vector_load %arg10[%swap3A_1096, %swap3A_1097, %swap3A_1098] {strides = array<i32>} : memref<2x128x256xf32, #tpu.memory_space<vmem>>, vector<1x1x16xf32>,
      %swap3A_1100 = vector.shape_cast %swap3A_1099 : vector<1x1x16xf32> to vector<16xf32>
      %swap3A_1101 = vector.shape_cast %get3A_1094 : vector<16xf32> to vector<1x1x16xf32>
      tpu.vector_store %arg10[%swap3A_1096, %swap3A_1097, %swap3A_1098], %swap3A_1101 {strides = array<i32>} : memref<2x128x256xf32, #tpu.memory_space<vmem>>, vector<1x1x16xf32>,
      %get3A_1102 = arith.constant 1 : i32
      %get3A_1103 = arith.index_cast %get3A_1102 : i32 to index
      %get3A_1104 = arith.index_cast %scan3A_1088 : i32 to index
      %get3A_1105 = arith.constant 16 : index
      %get3A_1106 = tpu.vector_load %arg11[%get3A_1103, %get3A_1104, %get3A_1105] {strides = array<i32>} : memref<2x128x128xf32, #tpu.memory_space<vmem>>, vector<1x1x16xf32>,
      %get3A_1107 = vector.shape_cast %get3A_1106 : vector<1x1x16xf32> to vector<16xf32>
      %swap3A_1108 = arith.constant 1 : i32
      %swap3A_1109 = arith.index_cast %swap3A_1108 : i32 to index
      %swap3A_1110 = arith.index_cast %scan3A_1088 : i32 to index
      %swap3A_1111 = arith.constant 208 : index
      %swap3A_1112 = tpu.vector_load %arg10[%swap3A_1109, %swap3A_1110, %swap3A_1111] {strides = array<i32>} : memref<2x128x256xf32, #tpu.memory_space<vmem>>, vector<1x1x16xf32>,
      %swap3A_1113 = vector.shape_cast %swap3A_1112 : vector<1x1x16xf32> to vector<16xf32>
      %swap3A_1114 = vector.shape_cast %get3A_1107 : vector<16xf32> to vector<1x1x16xf32>
      tpu.vector_store %arg10[%swap3A_1109, %swap3A_1110, %swap3A_1111], %swap3A_1114 {strides = array<i32>} : memref<2x128x256xf32, #tpu.memory_space<vmem>>, vector<1x1x16xf32>,
      %get3A_1115 = arith.constant 1 : i32
      %get3A_1116 = arith.index_cast %get3A_1115 : i32 to index
      %get3A_1117 = arith.index_cast %scan3A_1088 : i32 to index
      %get3A_1118 = arith.constant 32 : index
      %get3A_1119 = tpu.vector_load %arg11[%get3A_1116, %get3A_1117, %get3A_1118] {strides = array<i32>} : memref<2x128x128xf32, #tpu.memory_space<vmem>>, vector<1x1x16xf32>,
      %get3A_1120 = vector.shape_cast %get3A_1119 : vector<1x1x16xf32> to vector<16xf32>
      %swap3A_1121 = arith.constant 1 : i32
      %swap3A_1122 = arith.index_cast %swap3A_1121 : i32 to index
      %swap3A_1123 = arith.index_cast %scan3A_1088 : i32 to index
      %swap3A_1124 = arith.constant 224 : index
      %swap3A_1125 = tpu.vector_load %arg10[%swap3A_1122, %swap3A_1123, %swap3A_1124] {strides = array<i32>} : memref<2x128x256xf32, #tpu.memory_space<vmem>>, vector<1x1x16xf32>,
      %swap3A_1126 = vector.shape_cast %swap3A_1125 : vector<1x1x16xf32> to vector<16xf32>
      %swap3A_1127 = vector.shape_cast %get3A_1120 : vector<16xf32> to vector<1x1x16xf32>
      tpu.vector_store %arg10[%swap3A_1122, %swap3A_1123, %swap3A_1124], %swap3A_1127 {strides = array<i32>} : memref<2x128x256xf32, #tpu.memory_space<vmem>>, vector<1x1x16xf32>,
      %get3A_1128 = arith.constant 1 : i32
      %get3A_1129 = arith.index_cast %get3A_1128 : i32 to index
      %get3A_1130 = arith.index_cast %scan3A_1088 : i32 to index
      %get3A_1131 = arith.constant 48 : index
      %get3A_1132 = tpu.vector_load %arg11[%get3A_1129, %get3A_1130, %get3A_1131] {strides = array<i32>} : memref<2x128x128xf32, #tpu.memory_space<vmem>>, vector<1x1x16xf32>,
      %get3A_1133 = vector.shape_cast %get3A_1132 : vector<1x1x16xf32> to vector<16xf32>
      %swap3A_1134 = arith.constant 1 : i32
      %swap3A_1135 = arith.index_cast %swap3A_1134 : i32 to index
      %swap3A_1136 = arith.index_cast %scan3A_1088 : i32 to index
      %swap3A_1137 = arith.constant 240 : index
      %swap3A_1138 = tpu.vector_load %arg10[%swap3A_1135, %swap3A_1136, %swap3A_1137] {strides = array<i32>} : memref<2x128x256xf32, #tpu.memory_space<vmem>>, vector<1x1x16xf32>,
      %swap3A_1139 = vector.shape_cast %swap3A_1138 : vector<1x1x16xf32> to vector<16xf32>
      %swap3A_1140 = vector.shape_cast %get3A_1133 : vector<16xf32> to vector<1x1x16xf32>
      tpu.vector_store %arg10[%swap3A_1135, %swap3A_1136, %swap3A_1137], %swap3A_1140 {strides = array<i32>} : memref<2x128x256xf32, #tpu.memory_space<vmem>>, vector<1x1x16xf32>,
      %scan3A_1141 = arith.constant 0 : i32
      scf.yield %scan3A_1141 : i32
    }
    %scan3A_692 = arith.constant 128 : i32
    %mul3A_693 = arith.constant 4 : i32
    %mul3A_694 = arith.muli %add3A, %mul3A_693 : i32
    %add3A_695 = arith.constant 1 : i32
    %add3A_696 = arith.addi %mul3A_694, %add3A_695 : i32
    %mul3A_697 = arith.constant 128 : i32
    %mul3A_698 = arith.muli %add3A_696, %mul3A_697 : i32
    %dma_start3A_699 = arith.constant 1 : i32
    %dma_start3A_700 = arith.constant 1 : i32
    %dma_start3A_701 = arith.constant 0 : i32
    %dma_start3A_702 = arith.constant 0 : i32
    %dma_start3A_703 = tpu.memref_slice %arg10[%dma_start3A_699, %dma_start3A_701, %dma_start3A_702] : memref<2x128x256xf32, #tpu.memory_space<vmem>> -> memref<1x128x256xf32, #tpu.memory_space<vmem>>
    %dma_start3A_704 = tpu.memref_squeeze %dma_start3A_703 : memref<1x128x256xf32, #tpu.memory_space<vmem>> -> memref<128x256xf32, #tpu.memory_space<vmem>>
    %dma_start3A_705 = arith.constant 0 : i32
    %dma_start3A_706 = tpu.memref_slice %arg8[%mul3A_698, %dma_start3A_705] : memref<16384x256xf32, #tpu.memory_space<hbm>> -> memref<128x256xf32, #tpu.memory_space<hbm>>
    %dma_start3A_707 = tpu.memref_slice %arg14[%dma_start3A_700] : memref<2x!tpu.dma_semaphore, #tpu.memory_space<semaphore_mem>> -> memref<1x!tpu.dma_semaphore, #tpu.memory_space<semaphore_mem>>
    %dma_start3A_708 = tpu.memref_squeeze %dma_start3A_707 : memref<1x!tpu.dma_semaphore, #tpu.memory_space<semaphore_mem>> -> memref<!tpu.dma_semaphore, #tpu.memory_space<semaphore_mem>>
    %dma_start3A_709 = arith.constant 0 : i32
    %dma_start3A_710 = tpu.memref_slice %arg8[%mul3A_698, %dma_start3A_709] : memref<16384x256xf32, #tpu.memory_space<hbm>> -> memref<128x256xf32, #tpu.memory_space<hbm>>
    %dma_start3A_711 = arith.constant 0 : i32
    %dma_start3A_712 = arith.constant 0 : i32
    %dma_start3A_713 = tpu.memref_slice %arg10[%dma_start3A_699, %dma_start3A_711, %dma_start3A_712] : memref<2x128x256xf32, #tpu.memory_space<vmem>> -> memref<1x128x256xf32, #tpu.memory_space<vmem>>
    %dma_start3A_714 = tpu.memref_squeeze %dma_start3A_713 : memref<1x128x256xf32, #tpu.memory_space<vmem>> -> memref<128x256xf32, #tpu.memory_space<vmem>>
    tpu.enqueue_dma source(%dma_start3A_714 : memref<128x256xf32, #tpu.memory_space<vmem>>) target(%dma_start3A_710 : memref<128x256xf32, #tpu.memory_space<hbm>>) target_semaphore(%dma_start3A_708 : memref<!tpu.dma_semaphore, #tpu.memory_space<semaphore_mem>>)
    %dma_wait3A_715 = arith.constant 1 : i32
    %dma_wait3A_716 = arith.constant 1 : i32
    %dma_wait3A_717 = arith.constant 0 : i32
    %dma_wait3A_718 = arith.constant 0 : i32
    %dma_wait3A_719 = tpu.memref_slice %arg10[%dma_wait3A_715, %dma_wait3A_717, %dma_wait3A_718] : memref<2x128x256xf32, #tpu.memory_space<vmem>> -> memref<1x128x256xf32, #tpu.memory_space<vmem>>
    %dma_wait3A_720 = tpu.memref_squeeze %dma_wait3A_719 : memref<1x128x256xf32, #tpu.memory_space<vmem>> -> memref<128x256xf32, #tpu.memory_space<vmem>>
    %dma_wait3A_721 = arith.constant 0 : i32
    %dma_wait3A_722 = tpu.memref_slice %arg8[%mul3A_698, %dma_wait3A_721] : memref<16384x256xf32, #tpu.memory_space<hbm>> -> memref<128x256xf32, #tpu.memory_space<hbm>>
    %dma_wait3A_723 = tpu.memref_slice %arg14[%dma_wait3A_716] : memref<2x!tpu.dma_semaphore, #tpu.memory_space<semaphore_mem>> -> memref<1x!tpu.dma_semaphore, #tpu.memory_space<semaphore_mem>>
    %dma_wait3A_724 = tpu.memref_squeeze %dma_wait3A_723 : memref<1x!tpu.dma_semaphore, #tpu.memory_space<semaphore_mem>> -> memref<!tpu.dma_semaphore, #tpu.memory_space<semaphore_mem>>
    %dma_wait3A_725 = arith.constant 0 : i32
    %dma_wait3A_726 = tpu.memref_slice %arg8[%mul3A_698, %dma_wait3A_725] : memref<16384x256xf32, #tpu.memory_space<hbm>> -> memref<128x256xf32, #tpu.memory_space<hbm>>
    %dma_wait3A_727 = arith.constant 0 : i32
    %dma_wait3A_728 = arith.constant 0 : i32
    %dma_wait3A_729 = tpu.memref_slice %arg10[%dma_wait3A_715, %dma_wait3A_727, %dma_wait3A_728] : memref<2x128x256xf32, #tpu.memory_space<vmem>> -> memref<1x128x256xf32, #tpu.memory_space<vmem>>
    %dma_wait3A_730 = tpu.memref_squeeze %dma_wait3A_729 : memref<1x128x256xf32, #tpu.memory_space<vmem>> -> memref<128x256xf32, #tpu.memory_space<vmem>>
    tpu.wait_dma2 semaphore(%dma_wait3A_724 : memref<!tpu.dma_semaphore, #tpu.memory_space<semaphore_mem>>) src(%dma_wait3A_730 : memref<128x256xf32, #tpu.memory_space<vmem>>) dst(%dma_wait3A_726 : memref<128x256xf32, #tpu.memory_space<hbm>>)
    %dma_wait3A_731 = arith.constant 1 : i32
    %dma_wait3A_732 = arith.constant 0 : i32
    %dma_wait3A_733 = arith.constant 1 : i32
    %dma_wait3A_734 = arith.constant 0 : i32
    %dma_wait3A_735 = tpu.memref_slice %arg9[%dma_wait3A_731, %dma_wait3A_732, %dma_wait3A_734] : memref<2x3x128xi32, #tpu.memory_space<vmem>> -> memref<1x1x128xi32, #tpu.memory_space<vmem>>
    %dma_wait3A_736 = tpu.memref_squeeze %dma_wait3A_735 : memref<1x1x128xi32, #tpu.memory_space<vmem>> -> memref<128xi32, #tpu.memory_space<vmem>>
    %dma_wait3A_737 = arith.constant 0 : i32
    %dma_wait3A_738 = tpu.memref_slice %arg2[%add3A_634, %dma_wait3A_737] : memref<128x128xi32, #tpu.memory_space<hbm>> -> memref<1x128xi32, #tpu.memory_space<hbm>>
    %dma_wait3A_739 = tpu.memref_squeeze %dma_wait3A_738 : memref<1x128xi32, #tpu.memory_space<hbm>> -> memref<128xi32, #tpu.memory_space<hbm>>
    %dma_wait3A_740 = tpu.memref_slice %arg12[%dma_wait3A_733] : memref<2x!tpu.dma_semaphore, #tpu.memory_space<semaphore_mem>> -> memref<1x!tpu.dma_semaphore, #tpu.memory_space<semaphore_mem>>
    %dma_wait3A_741 = tpu.memref_squeeze %dma_wait3A_740 : memref<1x!tpu.dma_semaphore, #tpu.memory_space<semaphore_mem>> -> memref<!tpu.dma_semaphore, #tpu.memory_space<semaphore_mem>>
    %dma_wait3A_742 = arith.constant 0 : i32
    %dma_wait3A_743 = tpu.memref_slice %arg9[%dma_wait3A_731, %dma_wait3A_732, %dma_wait3A_742] : memref<2x3x128xi32, #tpu.memory_space<vmem>> -> memref<1x1x128xi32, #tpu.memory_space<vmem>>
    %dma_wait3A_744 = tpu.memref_squeeze %dma_wait3A_743 : memref<1x1x128xi32, #tpu.memory_space<vmem>> -> memref<128xi32, #tpu.memory_space<vmem>>
    %dma_wait3A_745 = arith.constant 0 : i32
    %dma_wait3A_746 = tpu.memref_slice %arg2[%add3A_634, %dma_wait3A_745] : memref<128x128xi32, #tpu.memory_space<hbm>> -> memref<1x128xi32, #tpu.memory_space<hbm>>
    %dma_wait3A_747 = tpu.memref_squeeze %dma_wait3A_746 : memref<1x128xi32, #tpu.memory_space<hbm>> -> memref<128xi32, #tpu.memory_space<hbm>>
    tpu.wait_dma2 semaphore(%dma_wait3A_741 : memref<!tpu.dma_semaphore, #tpu.memory_space<semaphore_mem>>) src(%dma_wait3A_747 : memref<128xi32, #tpu.memory_space<hbm>>) dst(%dma_wait3A_744 : memref<128xi32, #tpu.memory_space<vmem>>)
    %dma_wait3A_748 = arith.constant 1 : i32
    %dma_wait3A_749 = arith.constant 1 : i32
    %dma_wait3A_750 = arith.constant 1 : i32
    %dma_wait3A_751 = arith.constant 0 : i32
    %dma_wait3A_752 = tpu.memref_slice %arg9[%dma_wait3A_748, %dma_wait3A_749, %dma_wait3A_751] : memref<2x3x128xi32, #tpu.memory_space<vmem>> -> memref<1x1x128xi32, #tpu.memory_space<vmem>>
    %dma_wait3A_753 = tpu.memref_squeeze %dma_wait3A_752 : memref<1x1x128xi32, #tpu.memory_space<vmem>> -> memref<128xi32, #tpu.memory_space<vmem>>
    %dma_wait3A_754 = arith.constant 0 : i32
    %dma_wait3A_755 = tpu.memref_slice %arg3[%add3A_634, %dma_wait3A_754] : memref<128x128xi32, #tpu.memory_space<hbm>> -> memref<1x128xi32, #tpu.memory_space<hbm>>
    %dma_wait3A_756 = tpu.memref_squeeze %dma_wait3A_755 : memref<1x128xi32, #tpu.memory_space<hbm>> -> memref<128xi32, #tpu.memory_space<hbm>>
    %dma_wait3A_757 = tpu.memref_slice %arg12[%dma_wait3A_750] : memref<2x!tpu.dma_semaphore, #tpu.memory_space<semaphore_mem>> -> memref<1x!tpu.dma_semaphore, #tpu.memory_space<semaphore_mem>>
    %dma_wait3A_758 = tpu.memref_squeeze %dma_wait3A_757 : memref<1x!tpu.dma_semaphore, #tpu.memory_space<semaphore_mem>> -> memref<!tpu.dma_semaphore, #tpu.memory_space<semaphore_mem>>
    %dma_wait3A_759 = arith.constant 0 : i32
    %dma_wait3A_760 = tpu.memref_slice %arg9[%dma_wait3A_748, %dma_wait3A_749, %dma_wait3A_759] : memref<2x3x128xi32, #tpu.memory_space<vmem>> -> memref<1x1x128xi32, #tpu.memory_space<vmem>>
    %dma_wait3A_761 = tpu.memref_squeeze %dma_wait3A_760 : memref<1x1x128xi32, #tpu.memory_space<vmem>> -> memref<128xi32, #tpu.memory_space<vmem>>
    %dma_wait3A_762 = arith.constant 0 : i32
    %dma_wait3A_763 = tpu.memref_slice %arg3[%add3A_634, %dma_wait3A_762] : memref<128x128xi32, #tpu.memory_space<hbm>> -> memref<1x128xi32, #tpu.memory_space<hbm>>
    %dma_wait3A_764 = tpu.memref_squeeze %dma_wait3A_763 : memref<1x128xi32, #tpu.memory_space<hbm>> -> memref<128xi32, #tpu.memory_space<hbm>>
    tpu.wait_dma2 semaphore(%dma_wait3A_758 : memref<!tpu.dma_semaphore, #tpu.memory_space<semaphore_mem>>) src(%dma_wait3A_764 : memref<128xi32, #tpu.memory_space<hbm>>) dst(%dma_wait3A_761 : memref<128xi32, #tpu.memory_space<vmem>>)
    %dma_wait3A_765 = arith.constant 1 : i32
    %dma_wait3A_766 = arith.constant 2 : i32
    %dma_wait3A_767 = arith.constant 1 : i32
    %dma_wait3A_768 = arith.constant 0 : i32
    %dma_wait3A_769 = tpu.memref_slice %arg9[%dma_wait3A_765, %dma_wait3A_766, %dma_wait3A_768] : memref<2x3x128xi32, #tpu.memory_space<vmem>> -> memref<1x1x128xi32, #tpu.memory_space<vmem>>
    %dma_wait3A_770 = tpu.memref_squeeze %dma_wait3A_769 : memref<1x1x128xi32, #tpu.memory_space<vmem>> -> memref<128xi32, #tpu.memory_space<vmem>>
    %dma_wait3A_771 = arith.constant 0 : i32
    %dma_wait3A_772 = tpu.memref_slice %arg4[%add3A_634, %dma_wait3A_771] : memref<128x128xi32, #tpu.memory_space<hbm>> -> memref<1x128xi32, #tpu.memory_space<hbm>>
    %dma_wait3A_773 = tpu.memref_squeeze %dma_wait3A_772 : memref<1x128xi32, #tpu.memory_space<hbm>> -> memref<128xi32, #tpu.memory_space<hbm>>
    %dma_wait3A_774 = tpu.memref_slice %arg12[%dma_wait3A_767] : memref<2x!tpu.dma_semaphore, #tpu.memory_space<semaphore_mem>> -> memref<1x!tpu.dma_semaphore, #tpu.memory_space<semaphore_mem>>
    %dma_wait3A_775 = tpu.memref_squeeze %dma_wait3A_774 : memref<1x!tpu.dma_semaphore, #tpu.memory_space<semaphore_mem>> -> memref<!tpu.dma_semaphore, #tpu.memory_space<semaphore_mem>>
    %dma_wait3A_776 = arith.constant 0 : i32
    %dma_wait3A_777 = tpu.memref_slice %arg9[%dma_wait3A_765, %dma_wait3A_766, %dma_wait3A_776] : memref<2x3x128xi32, #tpu.memory_space<vmem>> -> memref<1x1x128xi32, #tpu.memory_space<vmem>>
    %dma_wait3A_778 = tpu.memref_squeeze %dma_wait3A_777 : memref<1x1x128xi32, #tpu.memory_space<vmem>> -> memref<128xi32, #tpu.memory_space<vmem>>
    %dma_wait3A_779 = arith.constant 0 : i32
    %dma_wait3A_780 = tpu.memref_slice %arg4[%add3A_634, %dma_wait3A_779] : memref<128x128xi32, #tpu.memory_space<hbm>> -> memref<1x128xi32, #tpu.memory_space<hbm>>
    %dma_wait3A_781 = tpu.memref_squeeze %dma_wait3A_780 : memref<1x128xi32, #tpu.memory_space<hbm>> -> memref<128xi32, #tpu.memory_space<hbm>>
    tpu.wait_dma2 semaphore(%dma_wait3A_775 : memref<!tpu.dma_semaphore, #tpu.memory_space<semaphore_mem>>) src(%dma_wait3A_781 : memref<128xi32, #tpu.memory_space<hbm>>) dst(%dma_wait3A_778 : memref<128xi32, #tpu.memory_space<vmem>>)
    %dma_start3A_782 = arith.constant 1 : i32
    %dma_start3A_783 = arith.constant 0 : i32
    %dma_start3A_784 = arith.constant 1 : i32
    %dma_start3A_785 = arith.constant 1 : i32
    %dma_start3A_786 = arith.constant 0 : i32
    %dma_start3A_787 = arith.constant 0 : i32
    %dma_start3A_788 = tpu.memref_slice %arg10[%dma_start3A_784, %dma_start3A_786, %dma_start3A_787] : memref<2x128x256xf32, #tpu.memory_space<vmem>> -> memref<1x128x256xf32, #tpu.memory_space<vmem>>
    %dma_start3A_789 = tpu.memref_squeeze %dma_start3A_788 : memref<1x128x256xf32, #tpu.memory_space<vmem>> -> memref<128x256xf32, #tpu.memory_space<vmem>>
    %dma_start3A_790 = arith.constant 0 : i32
    %dma_start3A_791 = arith.constant 0 : i32
    %dma_start3A_792 = tpu.memref_slice %dma_start3A_789[%dma_start3A_790, %dma_start3A_791] : memref<128x256xf32, #tpu.memory_space<vmem>> -> memref<128x128xf32, #tpu.memory_space<vmem>>
    %dma_start3A_793 = arith.constant 0 : i32
    %dma_start3A_794 = tpu.memref_slice %arg9[%dma_start3A_782, %dma_start3A_783, %dma_start3A_793] : memref<2x3x128xi32, #tpu.memory_space<vmem>> -> memref<1x1x128xi32, #tpu.memory_space<vmem>>
    %dma_start3A_795 = tpu.memref_squeeze %dma_start3A_794 : memref<1x1x128xi32, #tpu.memory_space<vmem>> -> memref<128xi32, #tpu.memory_space<vmem>>
    %dma_start3A_796 = arith.constant 0 : i32
    %dma_start3A_797 = arith.constant 0 : i32
    %dma_start3A_798 = tpu.memref_slice %arg5[%dma_start3A_796, %dma_start3A_797] : memref<448x128xf32, #tpu.memory_space<hbm>> -> memref<448x128xf32, #tpu.memory_space<hbm>>
    %dma_start3A_799 = tpu.memref_slice %arg13[%dma_start3A_785] : memref<2x!tpu.dma_semaphore, #tpu.memory_space<semaphore_mem>> -> memref<1x!tpu.dma_semaphore, #tpu.memory_space<semaphore_mem>>
    %dma_start3A_800 = tpu.memref_squeeze %dma_start3A_799 : memref<1x!tpu.dma_semaphore, #tpu.memory_space<semaphore_mem>> -> memref<!tpu.dma_semaphore, #tpu.memory_space<semaphore_mem>>
    tpu.enqueue_indirect_dma source(%dma_start3A_798 : memref<448x128xf32, #tpu.memory_space<hbm>>) target(%dma_start3A_792 : memref<128x128xf32, #tpu.memory_space<vmem>>) offsets(%dma_start3A_795 : memref<128xi32, #tpu.memory_space<vmem>>) semaphore(%dma_start3A_800 : memref<!tpu.dma_semaphore, #tpu.memory_space<semaphore_mem>>)
    %dma_start3A_801 = arith.constant 1 : i32
    %dma_start3A_802 = arith.constant 1 : i32
    %dma_start3A_803 = arith.constant 1 : i32
    %dma_start3A_804 = arith.constant 1 : i32
    %dma_start3A_805 = arith.constant 0 : i32
    %dma_start3A_806 = arith.constant 0 : i32
    %dma_start3A_807 = tpu.memref_slice %arg10[%dma_start3A_803, %dma_start3A_805, %dma_start3A_806] : memref<2x128x256xf32, #tpu.memory_space<vmem>> -> memref<1x128x256xf32, #tpu.memory_space<vmem>>
    %dma_start3A_808 = tpu.memref_squeeze %dma_start3A_807 : memref<1x128x256xf32, #tpu.memory_space<vmem>> -> memref<128x256xf32, #tpu.memory_space<vmem>>
    %dma_start3A_809 = arith.constant 0 : i32
    %dma_start3A_810 = arith.constant 128 : i32
    %dma_start3A_811 = tpu.memref_slice %dma_start3A_808[%dma_start3A_809, %dma_start3A_810] : memref<128x256xf32, #tpu.memory_space<vmem>> -> memref<128x128xf32, #tpu.memory_space<vmem>>
    %dma_start3A_812 = arith.constant 0 : i32
    %dma_start3A_813 = tpu.memref_slice %arg9[%dma_start3A_801, %dma_start3A_802, %dma_start3A_812] : memref<2x3x128xi32, #tpu.memory_space<vmem>> -> memref<1x1x128xi32, #tpu.memory_space<vmem>>
    %dma_start3A_814 = tpu.memref_squeeze %dma_start3A_813 : memref<1x1x128xi32, #tpu.memory_space<vmem>> -> memref<128xi32, #tpu.memory_space<vmem>>
    %dma_start3A_815 = arith.constant 0 : i32
    %dma_start3A_816 = arith.constant 0 : i32
    %dma_start3A_817 = tpu.memref_slice %arg6[%dma_start3A_815, %dma_start3A_816] : memref<672x128xf32, #tpu.memory_space<hbm>> -> memref<672x128xf32, #tpu.memory_space<hbm>>
    %dma_start3A_818 = tpu.memref_slice %arg13[%dma_start3A_804] : memref<2x!tpu.dma_semaphore, #tpu.memory_space<semaphore_mem>> -> memref<1x!tpu.dma_semaphore, #tpu.memory_space<semaphore_mem>>
    %dma_start3A_819 = tpu.memref_squeeze %dma_start3A_818 : memref<1x!tpu.dma_semaphore, #tpu.memory_space<semaphore_mem>> -> memref<!tpu.dma_semaphore, #tpu.memory_space<semaphore_mem>>
    tpu.enqueue_indirect_dma source(%dma_start3A_817 : memref<672x128xf32, #tpu.memory_space<hbm>>) target(%dma_start3A_811 : memref<128x128xf32, #tpu.memory_space<vmem>>) offsets(%dma_start3A_814 : memref<128xi32, #tpu.memory_space<vmem>>) semaphore(%dma_start3A_819 : memref<!tpu.dma_semaphore, #tpu.memory_space<semaphore_mem>>)
    %dma_start3A_820 = arith.constant 1 : i32
    %dma_start3A_821 = arith.constant 2 : i32
    %dma_start3A_822 = arith.constant 1 : i32
    %dma_start3A_823 = arith.constant 1 : i32
    %dma_start3A_824 = arith.constant 0 : i32
    %dma_start3A_825 = arith.constant 0 : i32
    %dma_start3A_826 = tpu.memref_slice %arg11[%dma_start3A_822, %dma_start3A_824, %dma_start3A_825] : memref<2x128x128xf32, #tpu.memory_space<vmem>> -> memref<1x128x128xf32, #tpu.memory_space<vmem>>
    %dma_start3A_827 = tpu.memref_squeeze %dma_start3A_826 : memref<1x128x128xf32, #tpu.memory_space<vmem>> -> memref<128x128xf32, #tpu.memory_space<vmem>>
    %dma_start3A_828 = arith.constant 0 : i32
    %dma_start3A_829 = tpu.memref_slice %arg9[%dma_start3A_820, %dma_start3A_821, %dma_start3A_828] : memref<2x3x128xi32, #tpu.memory_space<vmem>> -> memref<1x1x128xi32, #tpu.memory_space<vmem>>
    %dma_start3A_830 = tpu.memref_squeeze %dma_start3A_829 : memref<1x1x128xi32, #tpu.memory_space<vmem>> -> memref<128xi32, #tpu.memory_space<vmem>>
    %dma_start3A_831 = arith.constant 0 : i32
    %dma_start3A_832 = arith.constant 0 : i32
    %dma_start3A_833 = tpu.memref_slice %arg7[%dma_start3A_831, %dma_start3A_832] : memref<100000x128xf32, #tpu.memory_space<hbm>> -> memref<100000x128xf32, #tpu.memory_space<hbm>>
    %dma_start3A_834 = tpu.memref_slice %arg13[%dma_start3A_823] : memref<2x!tpu.dma_semaphore, #tpu.memory_space<semaphore_mem>> -> memref<1x!tpu.dma_semaphore, #tpu.memory_space<semaphore_mem>>
    %dma_start3A_835 = tpu.memref_squeeze %dma_start3A_834 : memref<1x!tpu.dma_semaphore, #tpu.memory_space<semaphore_mem>> -> memref<!tpu.dma_semaphore, #tpu.memory_space<semaphore_mem>>
    tpu.enqueue_indirect_dma source(%dma_start3A_833 : memref<100000x128xf32, #tpu.memory_space<hbm>>) target(%dma_start3A_827 : memref<128x128xf32, #tpu.memory_space<vmem>>) offsets(%dma_start3A_830 : memref<128xi32, #tpu.memory_space<vmem>>) semaphore(%dma_start3A_835 : memref<!tpu.dma_semaphore, #tpu.memory_space<semaphore_mem>>)
    %dma_wait3A_836 = arith.constant 0 : i32
    %dma_wait3A_837 = arith.constant 0 : i32
    %dma_wait3A_838 = arith.constant 0 : i32
    %dma_wait3A_839 = arith.constant 0 : i32
    %dma_wait3A_840 = arith.constant 0 : i32
    %dma_wait3A_841 = arith.constant 0 : i32
    %dma_wait3A_842 = tpu.memref_slice %arg10[%dma_wait3A_838, %dma_wait3A_840, %dma_wait3A_841] : memref<2x128x256xf32, #tpu.memory_space<vmem>> -> memref<1x128x256xf32, #tpu.memory_space<vmem>>
    %dma_wait3A_843 = tpu.memref_squeeze %dma_wait3A_842 : memref<1x128x256xf32, #tpu.memory_space<vmem>> -> memref<128x256xf32, #tpu.memory_space<vmem>>
    %dma_wait3A_844 = arith.constant 0 : i32
    %dma_wait3A_845 = arith.constant 0 : i32
    %dma_wait3A_846 = tpu.memref_slice %dma_wait3A_843[%dma_wait3A_844, %dma_wait3A_845] : memref<128x256xf32, #tpu.memory_space<vmem>> -> memref<128x128xf32, #tpu.memory_space<vmem>>
    %dma_wait3A_847 = arith.constant 0 : i32
    %dma_wait3A_848 = tpu.memref_slice %arg9[%dma_wait3A_836, %dma_wait3A_837, %dma_wait3A_847] : memref<2x3x128xi32, #tpu.memory_space<vmem>> -> memref<1x1x128xi32, #tpu.memory_space<vmem>>
    %dma_wait3A_849 = tpu.memref_squeeze %dma_wait3A_848 : memref<1x1x128xi32, #tpu.memory_space<vmem>> -> memref<128xi32, #tpu.memory_space<vmem>>
    %dma_wait3A_850 = arith.constant 0 : i32
    %dma_wait3A_851 = arith.constant 0 : i32
    %dma_wait3A_852 = tpu.memref_slice %arg5[%dma_wait3A_850, %dma_wait3A_851] : memref<448x128xf32, #tpu.memory_space<hbm>> -> memref<448x128xf32, #tpu.memory_space<hbm>>
    %dma_wait3A_853 = tpu.memref_slice %arg13[%dma_wait3A_839] : memref<2x!tpu.dma_semaphore, #tpu.memory_space<semaphore_mem>> -> memref<1x!tpu.dma_semaphore, #tpu.memory_space<semaphore_mem>>
    %dma_wait3A_854 = tpu.memref_squeeze %dma_wait3A_853 : memref<1x!tpu.dma_semaphore, #tpu.memory_space<semaphore_mem>> -> memref<!tpu.dma_semaphore, #tpu.memory_space<semaphore_mem>>
    tpu.wait_indirect_dma semaphore(%dma_wait3A_854 : memref<!tpu.dma_semaphore, #tpu.memory_space<semaphore_mem>>) src(%dma_wait3A_852 : memref<448x128xf32, #tpu.memory_space<hbm>>) dst(%dma_wait3A_846 : memref<128x128xf32, #tpu.memory_space<vmem>>)
    %dma_wait3A_855 = arith.constant 0 : i32
    %dma_wait3A_856 = arith.constant 1 : i32
    %dma_wait3A_857 = arith.constant 0 : i32
    %dma_wait3A_858 = arith.constant 0 : i32
    %dma_wait3A_859 = arith.constant 0 : i32
    %dma_wait3A_860 = arith.constant 0 : i32
    %dma_wait3A_861 = tpu.memref_slice %arg10[%dma_wait3A_857, %dma_wait3A_859, %dma_wait3A_860] : memref<2x128x256xf32, #tpu.memory_space<vmem>> -> memref<1x128x256xf32, #tpu.memory_space<vmem>>
    %dma_wait3A_862 = tpu.memref_squeeze %dma_wait3A_861 : memref<1x128x256xf32, #tpu.memory_space<vmem>> -> memref<128x256xf32, #tpu.memory_space<vmem>>
    %dma_wait3A_863 = arith.constant 0 : i32
    %dma_wait3A_864 = arith.constant 128 : i32
    %dma_wait3A_865 = tpu.memref_slice %dma_wait3A_862[%dma_wait3A_863, %dma_wait3A_864] : memref<128x256xf32, #tpu.memory_space<vmem>> -> memref<128x128xf32, #tpu.memory_space<vmem>>
    %dma_wait3A_866 = arith.constant 0 : i32
    %dma_wait3A_867 = tpu.memref_slice %arg9[%dma_wait3A_855, %dma_wait3A_856, %dma_wait3A_866] : memref<2x3x128xi32, #tpu.memory_space<vmem>> -> memref<1x1x128xi32, #tpu.memory_space<vmem>>
    %dma_wait3A_868 = tpu.memref_squeeze %dma_wait3A_867 : memref<1x1x128xi32, #tpu.memory_space<vmem>> -> memref<128xi32, #tpu.memory_space<vmem>>
    %dma_wait3A_869 = arith.constant 0 : i32
    %dma_wait3A_870 = arith.constant 0 : i32
    %dma_wait3A_871 = tpu.memref_slice %arg6[%dma_wait3A_869, %dma_wait3A_870] : memref<672x128xf32, #tpu.memory_space<hbm>> -> memref<672x128xf32, #tpu.memory_space<hbm>>
    %dma_wait3A_872 = tpu.memref_slice %arg13[%dma_wait3A_858] : memref<2x!tpu.dma_semaphore, #tpu.memory_space<semaphore_mem>> -> memref<1x!tpu.dma_semaphore, #tpu.memory_space<semaphore_mem>>
    %dma_wait3A_873 = tpu.memref_squeeze %dma_wait3A_872 : memref<1x!tpu.dma_semaphore, #tpu.memory_space<semaphore_mem>> -> memref<!tpu.dma_semaphore, #tpu.memory_space<semaphore_mem>>
    tpu.wait_indirect_dma semaphore(%dma_wait3A_873 : memref<!tpu.dma_semaphore, #tpu.memory_space<semaphore_mem>>) src(%dma_wait3A_871 : memref<672x128xf32, #tpu.memory_space<hbm>>) dst(%dma_wait3A_865 : memref<128x128xf32, #tpu.memory_space<vmem>>)
    %dma_wait3A_874 = arith.constant 0 : i32
    %dma_wait3A_875 = arith.constant 2 : i32
    %dma_wait3A_876 = arith.constant 0 : i32
    %dma_wait3A_877 = arith.constant 0 : i32
    %dma_wait3A_878 = arith.constant 0 : i32
    %dma_wait3A_879 = arith.constant 0 : i32
    %dma_wait3A_880 = tpu.memref_slice %arg11[%dma_wait3A_876, %dma_wait3A_878, %dma_wait3A_879] : memref<2x128x128xf32, #tpu.memory_space<vmem>> -> memref<1x128x128xf32, #tpu.memory_space<vmem>>
    %dma_wait3A_881 = tpu.memref_squeeze %dma_wait3A_880 : memref<1x128x128xf32, #tpu.memory_space<vmem>> -> memref<128x128xf32, #tpu.memory_space<vmem>>
    %dma_wait3A_882 = arith.constant 0 : i32
    %dma_wait3A_883 = tpu.memref_slice %arg9[%dma_wait3A_874, %dma_wait3A_875, %dma_wait3A_882] : memref<2x3x128xi32, #tpu.memory_space<vmem>> -> memref<1x1x128xi32, #tpu.memory_space<vmem>>
    %dma_wait3A_884 = tpu.memref_squeeze %dma_wait3A_883 : memref<1x1x128xi32, #tpu.memory_space<vmem>> -> memref<128xi32, #tpu.memory_space<vmem>>
    %dma_wait3A_885 = arith.constant 0 : i32
    %dma_wait3A_886 = arith.constant 0 : i32
    %dma_wait3A_887 = tpu.memref_slice %arg7[%dma_wait3A_885, %dma_wait3A_886] : memref<100000x128xf32, #tpu.memory_space<hbm>> -> memref<100000x128xf32, #tpu.memory_space<hbm>>
    %dma_wait3A_888 = tpu.memref_slice %arg13[%dma_wait3A_877] : memref<2x!tpu.dma_semaphore, #tpu.memory_space<semaphore_mem>> -> memref<1x!tpu.dma_semaphore, #tpu.memory_space<semaphore_mem>>
    %dma_wait3A_889 = tpu.memref_squeeze %dma_wait3A_888 : memref<1x!tpu.dma_semaphore, #tpu.memory_space<semaphore_mem>> -> memref<!tpu.dma_semaphore, #tpu.memory_space<semaphore_mem>>
    tpu.wait_indirect_dma semaphore(%dma_wait3A_889 : memref<!tpu.dma_semaphore, #tpu.memory_space<semaphore_mem>>) src(%dma_wait3A_887 : memref<100000x128xf32, #tpu.memory_space<hbm>>) dst(%dma_wait3A_881 : memref<128x128xf32, #tpu.memory_space<vmem>>)
    %scan3A_890 = arith.constant 0 : i32
    %scan3A_891 = arith.constant 0 : i32
    %scan3A_892 = arith.constant 128 : i32
    %scan3A_893 = arith.addi %scan3A_891, %scan3A_892 : i32
    %scan3A_894 = arith.constant 2 : i32
    %scan3A_895 = scf.for %scan3A_1034 = %scan3A_891 to %scan3A_893 step %scan3A_894 iter_args(%scan3A_1035 = %scan3A_890) -> (i32)  : i32 {
      %get3A = arith.constant 0 : i32
      %get3A_1036 = arith.index_cast %get3A : i32 to index
      %get3A_1037 = arith.index_cast %scan3A_1034 : i32 to index
      %get3A_1038 = arith.constant 0 : index
      %get3A_1039 = tpu.vector_load %arg11[%get3A_1036, %get3A_1037, %get3A_1038] {strides = array<i32>} : memref<2x128x128xf32, #tpu.memory_space<vmem>>, vector<1x1x16xf32>,
      %get3A_1040 = vector.shape_cast %get3A_1039 : vector<1x1x16xf32> to vector<16xf32>
      %swap3A = arith.constant 0 : i32
      %swap3A_1041 = arith.index_cast %swap3A : i32 to index
      %swap3A_1042 = arith.index_cast %scan3A_1034 : i32 to index
      %swap3A_1043 = arith.constant 192 : index
      %swap3A_1044 = tpu.vector_load %arg10[%swap3A_1041, %swap3A_1042, %swap3A_1043] {strides = array<i32>} : memref<2x128x256xf32, #tpu.memory_space<vmem>>, vector<1x1x16xf32>,
      %swap3A_1045 = vector.shape_cast %swap3A_1044 : vector<1x1x16xf32> to vector<16xf32>
      %swap3A_1046 = vector.shape_cast %get3A_1040 : vector<16xf32> to vector<1x1x16xf32>
      tpu.vector_store %arg10[%swap3A_1041, %swap3A_1042, %swap3A_1043], %swap3A_1046 {strides = array<i32>} : memref<2x128x256xf32, #tpu.memory_space<vmem>>, vector<1x1x16xf32>,
      %get3A_1047 = arith.constant 0 : i32
      %get3A_1048 = arith.index_cast %get3A_1047 : i32 to index
      %get3A_1049 = arith.index_cast %scan3A_1034 : i32 to index
      %get3A_1050 = arith.constant 16 : index
      %get3A_1051 = tpu.vector_load %arg11[%get3A_1048, %get3A_1049, %get3A_1050] {strides = array<i32>} : memref<2x128x128xf32, #tpu.memory_space<vmem>>, vector<1x1x16xf32>,
      %get3A_1052 = vector.shape_cast %get3A_1051 : vector<1x1x16xf32> to vector<16xf32>
      %swap3A_1053 = arith.constant 0 : i32
      %swap3A_1054 = arith.index_cast %swap3A_1053 : i32 to index
      %swap3A_1055 = arith.index_cast %scan3A_1034 : i32 to index
      %swap3A_1056 = arith.constant 208 : index
      %swap3A_1057 = tpu.vector_load %arg10[%swap3A_1054, %swap3A_1055, %swap3A_1056] {strides = array<i32>} : memref<2x128x256xf32, #tpu.memory_space<vmem>>, vector<1x1x16xf32>,
      %swap3A_1058 = vector.shape_cast %swap3A_1057 : vector<1x1x16xf32> to vector<16xf32>
      %swap3A_1059 = vector.shape_cast %get3A_1052 : vector<16xf32> to vector<1x1x16xf32>
      tpu.vector_store %arg10[%swap3A_1054, %swap3A_1055, %swap3A_1056], %swap3A_1059 {strides = array<i32>} : memref<2x128x256xf32, #tpu.memory_space<vmem>>, vector<1x1x16xf32>,
      %get3A_1060 = arith.constant 0 : i32
      %get3A_1061 = arith.index_cast %get3A_1060 : i32 to index
      %get3A_1062 = arith.index_cast %scan3A_1034 : i32 to index
      %get3A_1063 = arith.constant 32 : index
      %get3A_1064 = tpu.vector_load %arg11[%get3A_1061, %get3A_1062, %get3A_1063] {strides = array<i32>} : memref<2x128x128xf32, #tpu.memory_space<vmem>>, vector<1x1x16xf32>,
      %get3A_1065 = vector.shape_cast %get3A_1064 : vector<1x1x16xf32> to vector<16xf32>
      %swap3A_1066 = arith.constant 0 : i32
      %swap3A_1067 = arith.index_cast %swap3A_1066 : i32 to index
      %swap3A_1068 = arith.index_cast %scan3A_1034 : i32 to index
      %swap3A_1069 = arith.constant 224 : index
      %swap3A_1070 = tpu.vector_load %arg10[%swap3A_1067, %swap3A_1068, %swap3A_1069] {strides = array<i32>} : memref<2x128x256xf32, #tpu.memory_space<vmem>>, vector<1x1x16xf32>,
      %swap3A_1071 = vector.shape_cast %swap3A_1070 : vector<1x1x16xf32> to vector<16xf32>
      %swap3A_1072 = vector.shape_cast %get3A_1065 : vector<16xf32> to vector<1x1x16xf32>
      tpu.vector_store %arg10[%swap3A_1067, %swap3A_1068, %swap3A_1069], %swap3A_1072 {strides = array<i32>} : memref<2x128x256xf32, #tpu.memory_space<vmem>>, vector<1x1x16xf32>,
      %get3A_1073 = arith.constant 0 : i32
      %get3A_1074 = arith.index_cast %get3A_1073 : i32 to index
      %get3A_1075 = arith.index_cast %scan3A_1034 : i32 to index
      %get3A_1076 = arith.constant 48 : index
      %get3A_1077 = tpu.vector_load %arg11[%get3A_1074, %get3A_1075, %get3A_1076] {strides = array<i32>} : memref<2x128x128xf32, #tpu.memory_space<vmem>>, vector<1x1x16xf32>,
      %get3A_1078 = vector.shape_cast %get3A_1077 : vector<1x1x16xf32> to vector<16xf32>
      %swap3A_1079 = arith.constant 0 : i32
      %swap3A_1080 = arith.index_cast %swap3A_1079 : i32 to index
      %swap3A_1081 = arith.index_cast %scan3A_1034 : i32 to index
      %swap3A_1082 = arith.constant 240 : index
      %swap3A_1083 = tpu.vector_load %arg10[%swap3A_1080, %swap3A_1081, %swap3A_1082] {strides = array<i32>} : memref<2x128x256xf32, #tpu.memory_space<vmem>>, vector<1x1x16xf32>,
      %swap3A_1084 = vector.shape_cast %swap3A_1083 : vector<1x1x16xf32> to vector<16xf32>
      %swap3A_1085 = vector.shape_cast %get3A_1078 : vector<16xf32> to vector<1x1x16xf32>
      tpu.vector_store %arg10[%swap3A_1080, %swap3A_1081, %swap3A_1082], %swap3A_1085 {strides = array<i32>} : memref<2x128x256xf32, #tpu.memory_space<vmem>>, vector<1x1x16xf32>,
      %scan3A_1086 = arith.constant 0 : i32
      %scan3A_1087 = arith.constant 1 : i32
      %scan3A_1088 = arith.addi %scan3A_1034, %scan3A_1087 : i32
      %get3A_1089 = arith.constant 0 : i32
      %get3A_1090 = arith.index_cast %get3A_1089 : i32 to index
      %get3A_1091 = arith.index_cast %scan3A_1088 : i32 to index
      %get3A_1092 = arith.constant 0 : index
      %get3A_1093 = tpu.vector_load %arg11[%get3A_1090, %get3A_1091, %get3A_1092] {strides = array<i32>} : memref<2x128x128xf32, #tpu.memory_space<vmem>>, vector<1x1x16xf32>,
      %get3A_1094 = vector.shape_cast %get3A_1093 : vector<1x1x16xf32> to vector<16xf32>
      %swap3A_1095 = arith.constant 0 : i32
      %swap3A_1096 = arith.index_cast %swap3A_1095 : i32 to index
      %swap3A_1097 = arith.index_cast %scan3A_1088 : i32 to index
      %swap3A_1098 = arith.constant 192 : index
      %swap3A_1099 = tpu.vector_load %arg10[%swap3A_1096, %swap3A_1097, %swap3A_1098] {strides = array<i32>} : memref<2x128x256xf32, #tpu.memory_space<vmem>>, vector<1x1x16xf32>,
      %swap3A_1100 = vector.shape_cast %swap3A_1099 : vector<1x1x16xf32> to vector<16xf32>
      %swap3A_1101 = vector.shape_cast %get3A_1094 : vector<16xf32> to vector<1x1x16xf32>
      tpu.vector_store %arg10[%swap3A_1096, %swap3A_1097, %swap3A_1098], %swap3A_1101 {strides = array<i32>} : memref<2x128x256xf32, #tpu.memory_space<vmem>>, vector<1x1x16xf32>,
      %get3A_1102 = arith.constant 0 : i32
      %get3A_1103 = arith.index_cast %get3A_1102 : i32 to index
      %get3A_1104 = arith.index_cast %scan3A_1088 : i32 to index
      %get3A_1105 = arith.constant 16 : index
      %get3A_1106 = tpu.vector_load %arg11[%get3A_1103, %get3A_1104, %get3A_1105] {strides = array<i32>} : memref<2x128x128xf32, #tpu.memory_space<vmem>>, vector<1x1x16xf32>,
      %get3A_1107 = vector.shape_cast %get3A_1106 : vector<1x1x16xf32> to vector<16xf32>
      %swap3A_1108 = arith.constant 0 : i32
      %swap3A_1109 = arith.index_cast %swap3A_1108 : i32 to index
      %swap3A_1110 = arith.index_cast %scan3A_1088 : i32 to index
      %swap3A_1111 = arith.constant 208 : index
      %swap3A_1112 = tpu.vector_load %arg10[%swap3A_1109, %swap3A_1110, %swap3A_1111] {strides = array<i32>} : memref<2x128x256xf32, #tpu.memory_space<vmem>>, vector<1x1x16xf32>,
      %swap3A_1113 = vector.shape_cast %swap3A_1112 : vector<1x1x16xf32> to vector<16xf32>
      %swap3A_1114 = vector.shape_cast %get3A_1107 : vector<16xf32> to vector<1x1x16xf32>
      tpu.vector_store %arg10[%swap3A_1109, %swap3A_1110, %swap3A_1111], %swap3A_1114 {strides = array<i32>} : memref<2x128x256xf32, #tpu.memory_space<vmem>>, vector<1x1x16xf32>,
      %get3A_1115 = arith.constant 0 : i32
      %get3A_1116 = arith.index_cast %get3A_1115 : i32 to index
      %get3A_1117 = arith.index_cast %scan3A_1088 : i32 to index
      %get3A_1118 = arith.constant 32 : index
      %get3A_1119 = tpu.vector_load %arg11[%get3A_1116, %get3A_1117, %get3A_1118] {strides = array<i32>} : memref<2x128x128xf32, #tpu.memory_space<vmem>>, vector<1x1x16xf32>,
      %get3A_1120 = vector.shape_cast %get3A_1119 : vector<1x1x16xf32> to vector<16xf32>
      %swap3A_1121 = arith.constant 0 : i32
      %swap3A_1122 = arith.index_cast %swap3A_1121 : i32 to index
      %swap3A_1123 = arith.index_cast %scan3A_1088 : i32 to index
      %swap3A_1124 = arith.constant 224 : index
      %swap3A_1125 = tpu.vector_load %arg10[%swap3A_1122, %swap3A_1123, %swap3A_1124] {strides = array<i32>} : memref<2x128x256xf32, #tpu.memory_space<vmem>>, vector<1x1x16xf32>,
      %swap3A_1126 = vector.shape_cast %swap3A_1125 : vector<1x1x16xf32> to vector<16xf32>
      %swap3A_1127 = vector.shape_cast %get3A_1120 : vector<16xf32> to vector<1x1x16xf32>
      tpu.vector_store %arg10[%swap3A_1122, %swap3A_1123, %swap3A_1124], %swap3A_1127 {strides = array<i32>} : memref<2x128x256xf32, #tpu.memory_space<vmem>>, vector<1x1x16xf32>,
      %get3A_1128 = arith.constant 0 : i32
      %get3A_1129 = arith.index_cast %get3A_1128 : i32 to index
      %get3A_1130 = arith.index_cast %scan3A_1088 : i32 to index
      %get3A_1131 = arith.constant 48 : index
      %get3A_1132 = tpu.vector_load %arg11[%get3A_1129, %get3A_1130, %get3A_1131] {strides = array<i32>} : memref<2x128x128xf32, #tpu.memory_space<vmem>>, vector<1x1x16xf32>,
      %get3A_1133 = vector.shape_cast %get3A_1132 : vector<1x1x16xf32> to vector<16xf32>
      %swap3A_1134 = arith.constant 0 : i32
      %swap3A_1135 = arith.index_cast %swap3A_1134 : i32 to index
      %swap3A_1136 = arith.index_cast %scan3A_1088 : i32 to index
      %swap3A_1137 = arith.constant 240 : index
      %swap3A_1138 = tpu.vector_load %arg10[%swap3A_1135, %swap3A_1136, %swap3A_1137] {strides = array<i32>} : memref<2x128x256xf32, #tpu.memory_space<vmem>>, vector<1x1x16xf32>,
      %swap3A_1139 = vector.shape_cast %swap3A_1138 : vector<1x1x16xf32> to vector<16xf32>
      %swap3A_1140 = vector.shape_cast %get3A_1133 : vector<16xf32> to vector<1x1x16xf32>
      tpu.vector_store %arg10[%swap3A_1135, %swap3A_1136, %swap3A_1137], %swap3A_1140 {strides = array<i32>} : memref<2x128x256xf32, #tpu.memory_space<vmem>>, vector<1x1x16xf32>,
      %scan3A_1141 = arith.constant 0 : i32
      scf.yield %scan3A_1141 : i32
    }
    %scan3A_896 = arith.constant 128 : i32
    %mul3A_897 = arith.constant 4 : i32
    %mul3A_898 = arith.muli %add3A, %mul3A_897 : i32
    %add3A_899 = arith.constant 2 : i32
    %add3A_900 = arith.addi %mul3A_898, %add3A_899 : i32
    %mul3A_901 = arith.constant 128 : i32
    %mul3A_902 = arith.muli %add3A_900, %mul3A_901 : i32
    %dma_start3A_903 = arith.constant 0 : i32
    %dma_start3A_904 = arith.constant 0 : i32
    %dma_start3A_905 = arith.constant 0 : i32
    %dma_start3A_906 = arith.constant 0 : i32
    %dma_start3A_907 = tpu.memref_slice %arg10[%dma_start3A_903, %dma_start3A_905, %dma_start3A_906] : memref<2x128x256xf32, #tpu.memory_space<vmem>> -> memref<1x128x256xf32, #tpu.memory_space<vmem>>
    %dma_start3A_908 = tpu.memref_squeeze %dma_start3A_907 : memref<1x128x256xf32, #tpu.memory_space<vmem>> -> memref<128x256xf32, #tpu.memory_space<vmem>>
    %dma_start3A_909 = arith.constant 0 : i32
    %dma_start3A_910 = tpu.memref_slice %arg8[%mul3A_902, %dma_start3A_909] : memref<16384x256xf32, #tpu.memory_space<hbm>> -> memref<128x256xf32, #tpu.memory_space<hbm>>
    %dma_start3A_911 = tpu.memref_slice %arg14[%dma_start3A_904] : memref<2x!tpu.dma_semaphore, #tpu.memory_space<semaphore_mem>> -> memref<1x!tpu.dma_semaphore, #tpu.memory_space<semaphore_mem>>
    %dma_start3A_912 = tpu.memref_squeeze %dma_start3A_911 : memref<1x!tpu.dma_semaphore, #tpu.memory_space<semaphore_mem>> -> memref<!tpu.dma_semaphore, #tpu.memory_space<semaphore_mem>>
    %dma_start3A_913 = arith.constant 0 : i32
    %dma_start3A_914 = tpu.memref_slice %arg8[%mul3A_902, %dma_start3A_913] : memref<16384x256xf32, #tpu.memory_space<hbm>> -> memref<128x256xf32, #tpu.memory_space<hbm>>
    %dma_start3A_915 = arith.constant 0 : i32
    %dma_start3A_916 = arith.constant 0 : i32
    %dma_start3A_917 = tpu.memref_slice %arg10[%dma_start3A_903, %dma_start3A_915, %dma_start3A_916] : memref<2x128x256xf32, #tpu.memory_space<vmem>> -> memref<1x128x256xf32, #tpu.memory_space<vmem>>
    %dma_start3A_918 = tpu.memref_squeeze %dma_start3A_917 : memref<1x128x256xf32, #tpu.memory_space<vmem>> -> memref<128x256xf32, #tpu.memory_space<vmem>>
    tpu.enqueue_dma source(%dma_start3A_918 : memref<128x256xf32, #tpu.memory_space<vmem>>) target(%dma_start3A_914 : memref<128x256xf32, #tpu.memory_space<hbm>>) target_semaphore(%dma_start3A_912 : memref<!tpu.dma_semaphore, #tpu.memory_space<semaphore_mem>>)
    %dma_wait3A_919 = arith.constant 0 : i32
    %dma_wait3A_920 = arith.constant 0 : i32
    %dma_wait3A_921 = arith.constant 0 : i32
    %dma_wait3A_922 = arith.constant 0 : i32
    %dma_wait3A_923 = tpu.memref_slice %arg10[%dma_wait3A_919, %dma_wait3A_921, %dma_wait3A_922] : memref<2x128x256xf32, #tpu.memory_space<vmem>> -> memref<1x128x256xf32, #tpu.memory_space<vmem>>
    %dma_wait3A_924 = tpu.memref_squeeze %dma_wait3A_923 : memref<1x128x256xf32, #tpu.memory_space<vmem>> -> memref<128x256xf32, #tpu.memory_space<vmem>>
    %dma_wait3A_925 = arith.constant 0 : i32
    %dma_wait3A_926 = tpu.memref_slice %arg8[%mul3A_902, %dma_wait3A_925] : memref<16384x256xf32, #tpu.memory_space<hbm>> -> memref<128x256xf32, #tpu.memory_space<hbm>>
    %dma_wait3A_927 = tpu.memref_slice %arg14[%dma_wait3A_920] : memref<2x!tpu.dma_semaphore, #tpu.memory_space<semaphore_mem>> -> memref<1x!tpu.dma_semaphore, #tpu.memory_space<semaphore_mem>>
    %dma_wait3A_928 = tpu.memref_squeeze %dma_wait3A_927 : memref<1x!tpu.dma_semaphore, #tpu.memory_space<semaphore_mem>> -> memref<!tpu.dma_semaphore, #tpu.memory_space<semaphore_mem>>
    %dma_wait3A_929 = arith.constant 0 : i32
    %dma_wait3A_930 = tpu.memref_slice %arg8[%mul3A_902, %dma_wait3A_929] : memref<16384x256xf32, #tpu.memory_space<hbm>> -> memref<128x256xf32, #tpu.memory_space<hbm>>
    %dma_wait3A_931 = arith.constant 0 : i32
    %dma_wait3A_932 = arith.constant 0 : i32
    %dma_wait3A_933 = tpu.memref_slice %arg10[%dma_wait3A_919, %dma_wait3A_931, %dma_wait3A_932] : memref<2x128x256xf32, #tpu.memory_space<vmem>> -> memref<1x128x256xf32, #tpu.memory_space<vmem>>
    %dma_wait3A_934 = tpu.memref_squeeze %dma_wait3A_933 : memref<1x128x256xf32, #tpu.memory_space<vmem>> -> memref<128x256xf32, #tpu.memory_space<vmem>>
    tpu.wait_dma2 semaphore(%dma_wait3A_928 : memref<!tpu.dma_semaphore, #tpu.memory_space<semaphore_mem>>) src(%dma_wait3A_934 : memref<128x256xf32, #tpu.memory_space<vmem>>) dst(%dma_wait3A_930 : memref<128x256xf32, #tpu.memory_space<hbm>>)
    %dma_wait3A_935 = arith.constant 1 : i32
    %dma_wait3A_936 = arith.constant 0 : i32
    %dma_wait3A_937 = arith.constant 1 : i32
    %dma_wait3A_938 = arith.constant 1 : i32
    %dma_wait3A_939 = arith.constant 0 : i32
    %dma_wait3A_940 = arith.constant 0 : i32
    %dma_wait3A_941 = tpu.memref_slice %arg10[%dma_wait3A_937, %dma_wait3A_939, %dma_wait3A_940] : memref<2x128x256xf32, #tpu.memory_space<vmem>> -> memref<1x128x256xf32, #tpu.memory_space<vmem>>
    %dma_wait3A_942 = tpu.memref_squeeze %dma_wait3A_941 : memref<1x128x256xf32, #tpu.memory_space<vmem>> -> memref<128x256xf32, #tpu.memory_space<vmem>>
    %dma_wait3A_943 = arith.constant 0 : i32
    %dma_wait3A_944 = arith.constant 0 : i32
    %dma_wait3A_945 = tpu.memref_slice %dma_wait3A_942[%dma_wait3A_943, %dma_wait3A_944] : memref<128x256xf32, #tpu.memory_space<vmem>> -> memref<128x128xf32, #tpu.memory_space<vmem>>
    %dma_wait3A_946 = arith.constant 0 : i32
    %dma_wait3A_947 = tpu.memref_slice %arg9[%dma_wait3A_935, %dma_wait3A_936, %dma_wait3A_946] : memref<2x3x128xi32, #tpu.memory_space<vmem>> -> memref<1x1x128xi32, #tpu.memory_space<vmem>>
    %dma_wait3A_948 = tpu.memref_squeeze %dma_wait3A_947 : memref<1x1x128xi32, #tpu.memory_space<vmem>> -> memref<128xi32, #tpu.memory_space<vmem>>
    %dma_wait3A_949 = arith.constant 0 : i32
    %dma_wait3A_950 = arith.constant 0 : i32
    %dma_wait3A_951 = tpu.memref_slice %arg5[%dma_wait3A_949, %dma_wait3A_950] : memref<448x128xf32, #tpu.memory_space<hbm>> -> memref<448x128xf32, #tpu.memory_space<hbm>>
    %dma_wait3A_952 = tpu.memref_slice %arg13[%dma_wait3A_938] : memref<2x!tpu.dma_semaphore, #tpu.memory_space<semaphore_mem>> -> memref<1x!tpu.dma_semaphore, #tpu.memory_space<semaphore_mem>>
    %dma_wait3A_953 = tpu.memref_squeeze %dma_wait3A_952 : memref<1x!tpu.dma_semaphore, #tpu.memory_space<semaphore_mem>> -> memref<!tpu.dma_semaphore, #tpu.memory_space<semaphore_mem>>
    tpu.wait_indirect_dma semaphore(%dma_wait3A_953 : memref<!tpu.dma_semaphore, #tpu.memory_space<semaphore_mem>>) src(%dma_wait3A_951 : memref<448x128xf32, #tpu.memory_space<hbm>>) dst(%dma_wait3A_945 : memref<128x128xf32, #tpu.memory_space<vmem>>)
    %dma_wait3A_954 = arith.constant 1 : i32
    %dma_wait3A_955 = arith.constant 1 : i32
    %dma_wait3A_956 = arith.constant 1 : i32
    %dma_wait3A_957 = arith.constant 1 : i32
    %dma_wait3A_958 = arith.constant 0 : i32
    %dma_wait3A_959 = arith.constant 0 : i32
    %dma_wait3A_960 = tpu.memref_slice %arg10[%dma_wait3A_956, %dma_wait3A_958, %dma_wait3A_959] : memref<2x128x256xf32, #tpu.memory_space<vmem>> -> memref<1x128x256xf32, #tpu.memory_space<vmem>>
    %dma_wait3A_961 = tpu.memref_squeeze %dma_wait3A_960 : memref<1x128x256xf32, #tpu.memory_space<vmem>> -> memref<128x256xf32, #tpu.memory_space<vmem>>
    %dma_wait3A_962 = arith.constant 0 : i32
    %dma_wait3A_963 = arith.constant 128 : i32
    %dma_wait3A_964 = tpu.memref_slice %dma_wait3A_961[%dma_wait3A_962, %dma_wait3A_963] : memref<128x256xf32, #tpu.memory_space<vmem>> -> memref<128x128xf32, #tpu.memory_space<vmem>>
    %dma_wait3A_965 = arith.constant 0 : i32
    %dma_wait3A_966 = tpu.memref_slice %arg9[%dma_wait3A_954, %dma_wait3A_955, %dma_wait3A_965] : memref<2x3x128xi32, #tpu.memory_space<vmem>> -> memref<1x1x128xi32, #tpu.memory_space<vmem>>
    %dma_wait3A_967 = tpu.memref_squeeze %dma_wait3A_966 : memref<1x1x128xi32, #tpu.memory_space<vmem>> -> memref<128xi32, #tpu.memory_space<vmem>>
    %dma_wait3A_968 = arith.constant 0 : i32
    %dma_wait3A_969 = arith.constant 0 : i32
    %dma_wait3A_970 = tpu.memref_slice %arg6[%dma_wait3A_968, %dma_wait3A_969] : memref<672x128xf32, #tpu.memory_space<hbm>> -> memref<672x128xf32, #tpu.memory_space<hbm>>
    %dma_wait3A_971 = tpu.memref_slice %arg13[%dma_wait3A_957] : memref<2x!tpu.dma_semaphore, #tpu.memory_space<semaphore_mem>> -> memref<1x!tpu.dma_semaphore, #tpu.memory_space<semaphore_mem>>
    %dma_wait3A_972 = tpu.memref_squeeze %dma_wait3A_971 : memref<1x!tpu.dma_semaphore, #tpu.memory_space<semaphore_mem>> -> memref<!tpu.dma_semaphore, #tpu.memory_space<semaphore_mem>>
    tpu.wait_indirect_dma semaphore(%dma_wait3A_972 : memref<!tpu.dma_semaphore, #tpu.memory_space<semaphore_mem>>) src(%dma_wait3A_970 : memref<672x128xf32, #tpu.memory_space<hbm>>) dst(%dma_wait3A_964 : memref<128x128xf32, #tpu.memory_space<vmem>>)
    %dma_wait3A_973 = arith.constant 1 : i32
    %dma_wait3A_974 = arith.constant 2 : i32
    %dma_wait3A_975 = arith.constant 1 : i32
    %dma_wait3A_976 = arith.constant 1 : i32
    %dma_wait3A_977 = arith.constant 0 : i32
    %dma_wait3A_978 = arith.constant 0 : i32
    %dma_wait3A_979 = tpu.memref_slice %arg11[%dma_wait3A_975, %dma_wait3A_977, %dma_wait3A_978] : memref<2x128x128xf32, #tpu.memory_space<vmem>> -> memref<1x128x128xf32, #tpu.memory_space<vmem>>
    %dma_wait3A_980 = tpu.memref_squeeze %dma_wait3A_979 : memref<1x128x128xf32, #tpu.memory_space<vmem>> -> memref<128x128xf32, #tpu.memory_space<vmem>>
    %dma_wait3A_981 = arith.constant 0 : i32
    %dma_wait3A_982 = tpu.memref_slice %arg9[%dma_wait3A_973, %dma_wait3A_974, %dma_wait3A_981] : memref<2x3x128xi32, #tpu.memory_space<vmem>> -> memref<1x1x128xi32, #tpu.memory_space<vmem>>
    %dma_wait3A_983 = tpu.memref_squeeze %dma_wait3A_982 : memref<1x1x128xi32, #tpu.memory_space<vmem>> -> memref<128xi32, #tpu.memory_space<vmem>>
    %dma_wait3A_984 = arith.constant 0 : i32
    %dma_wait3A_985 = arith.constant 0 : i32
    %dma_wait3A_986 = tpu.memref_slice %arg7[%dma_wait3A_984, %dma_wait3A_985] : memref<100000x128xf32, #tpu.memory_space<hbm>> -> memref<100000x128xf32, #tpu.memory_space<hbm>>
    %dma_wait3A_987 = tpu.memref_slice %arg13[%dma_wait3A_976] : memref<2x!tpu.dma_semaphore, #tpu.memory_space<semaphore_mem>> -> memref<1x!tpu.dma_semaphore, #tpu.memory_space<semaphore_mem>>
    %dma_wait3A_988 = tpu.memref_squeeze %dma_wait3A_987 : memref<1x!tpu.dma_semaphore, #tpu.memory_space<semaphore_mem>> -> memref<!tpu.dma_semaphore, #tpu.memory_space<semaphore_mem>>
    tpu.wait_indirect_dma semaphore(%dma_wait3A_988 : memref<!tpu.dma_semaphore, #tpu.memory_space<semaphore_mem>>) src(%dma_wait3A_986 : memref<100000x128xf32, #tpu.memory_space<hbm>>) dst(%dma_wait3A_980 : memref<128x128xf32, #tpu.memory_space<vmem>>)
    %scan3A_989 = arith.constant 0 : i32
    %scan3A_990 = arith.constant 0 : i32
    %scan3A_991 = arith.constant 128 : i32
    %scan3A_992 = arith.addi %scan3A_990, %scan3A_991 : i32
    %scan3A_993 = arith.constant 2 : i32
    %scan3A_994 = scf.for %scan3A_1034 = %scan3A_990 to %scan3A_992 step %scan3A_993 iter_args(%scan3A_1035 = %scan3A_989) -> (i32)  : i32 {
      %get3A = arith.constant 1 : i32
      %get3A_1036 = arith.index_cast %get3A : i32 to index
      %get3A_1037 = arith.index_cast %scan3A_1034 : i32 to index
      %get3A_1038 = arith.constant 0 : index
      %get3A_1039 = tpu.vector_load %arg11[%get3A_1036, %get3A_1037, %get3A_1038] {strides = array<i32>} : memref<2x128x128xf32, #tpu.memory_space<vmem>>, vector<1x1x16xf32>,
      %get3A_1040 = vector.shape_cast %get3A_1039 : vector<1x1x16xf32> to vector<16xf32>
      %swap3A = arith.constant 1 : i32
      %swap3A_1041 = arith.index_cast %swap3A : i32 to index
      %swap3A_1042 = arith.index_cast %scan3A_1034 : i32 to index
      %swap3A_1043 = arith.constant 192 : index
      %swap3A_1044 = tpu.vector_load %arg10[%swap3A_1041, %swap3A_1042, %swap3A_1043] {strides = array<i32>} : memref<2x128x256xf32, #tpu.memory_space<vmem>>, vector<1x1x16xf32>,
      %swap3A_1045 = vector.shape_cast %swap3A_1044 : vector<1x1x16xf32> to vector<16xf32>
      %swap3A_1046 = vector.shape_cast %get3A_1040 : vector<16xf32> to vector<1x1x16xf32>
      tpu.vector_store %arg10[%swap3A_1041, %swap3A_1042, %swap3A_1043], %swap3A_1046 {strides = array<i32>} : memref<2x128x256xf32, #tpu.memory_space<vmem>>, vector<1x1x16xf32>,
      %get3A_1047 = arith.constant 1 : i32
      %get3A_1048 = arith.index_cast %get3A_1047 : i32 to index
      %get3A_1049 = arith.index_cast %scan3A_1034 : i32 to index
      %get3A_1050 = arith.constant 16 : index
      %get3A_1051 = tpu.vector_load %arg11[%get3A_1048, %get3A_1049, %get3A_1050] {strides = array<i32>} : memref<2x128x128xf32, #tpu.memory_space<vmem>>, vector<1x1x16xf32>,
      %get3A_1052 = vector.shape_cast %get3A_1051 : vector<1x1x16xf32> to vector<16xf32>
      %swap3A_1053 = arith.constant 1 : i32
      %swap3A_1054 = arith.index_cast %swap3A_1053 : i32 to index
      %swap3A_1055 = arith.index_cast %scan3A_1034 : i32 to index
      %swap3A_1056 = arith.constant 208 : index
      %swap3A_1057 = tpu.vector_load %arg10[%swap3A_1054, %swap3A_1055, %swap3A_1056] {strides = array<i32>} : memref<2x128x256xf32, #tpu.memory_space<vmem>>, vector<1x1x16xf32>,
      %swap3A_1058 = vector.shape_cast %swap3A_1057 : vector<1x1x16xf32> to vector<16xf32>
      %swap3A_1059 = vector.shape_cast %get3A_1052 : vector<16xf32> to vector<1x1x16xf32>
      tpu.vector_store %arg10[%swap3A_1054, %swap3A_1055, %swap3A_1056], %swap3A_1059 {strides = array<i32>} : memref<2x128x256xf32, #tpu.memory_space<vmem>>, vector<1x1x16xf32>,
      %get3A_1060 = arith.constant 1 : i32
      %get3A_1061 = arith.index_cast %get3A_1060 : i32 to index
      %get3A_1062 = arith.index_cast %scan3A_1034 : i32 to index
      %get3A_1063 = arith.constant 32 : index
      %get3A_1064 = tpu.vector_load %arg11[%get3A_1061, %get3A_1062, %get3A_1063] {strides = array<i32>} : memref<2x128x128xf32, #tpu.memory_space<vmem>>, vector<1x1x16xf32>,
      %get3A_1065 = vector.shape_cast %get3A_1064 : vector<1x1x16xf32> to vector<16xf32>
      %swap3A_1066 = arith.constant 1 : i32
      %swap3A_1067 = arith.index_cast %swap3A_1066 : i32 to index
      %swap3A_1068 = arith.index_cast %scan3A_1034 : i32 to index
      %swap3A_1069 = arith.constant 224 : index
      %swap3A_1070 = tpu.vector_load %arg10[%swap3A_1067, %swap3A_1068, %swap3A_1069] {strides = array<i32>} : memref<2x128x256xf32, #tpu.memory_space<vmem>>, vector<1x1x16xf32>,
      %swap3A_1071 = vector.shape_cast %swap3A_1070 : vector<1x1x16xf32> to vector<16xf32>
      %swap3A_1072 = vector.shape_cast %get3A_1065 : vector<16xf32> to vector<1x1x16xf32>
      tpu.vector_store %arg10[%swap3A_1067, %swap3A_1068, %swap3A_1069], %swap3A_1072 {strides = array<i32>} : memref<2x128x256xf32, #tpu.memory_space<vmem>>, vector<1x1x16xf32>,
      %get3A_1073 = arith.constant 1 : i32
      %get3A_1074 = arith.index_cast %get3A_1073 : i32 to index
      %get3A_1075 = arith.index_cast %scan3A_1034 : i32 to index
      %get3A_1076 = arith.constant 48 : index
      %get3A_1077 = tpu.vector_load %arg11[%get3A_1074, %get3A_1075, %get3A_1076] {strides = array<i32>} : memref<2x128x128xf32, #tpu.memory_space<vmem>>, vector<1x1x16xf32>,
      %get3A_1078 = vector.shape_cast %get3A_1077 : vector<1x1x16xf32> to vector<16xf32>
      %swap3A_1079 = arith.constant 1 : i32
      %swap3A_1080 = arith.index_cast %swap3A_1079 : i32 to index
      %swap3A_1081 = arith.index_cast %scan3A_1034 : i32 to index
      %swap3A_1082 = arith.constant 240 : index
      %swap3A_1083 = tpu.vector_load %arg10[%swap3A_1080, %swap3A_1081, %swap3A_1082] {strides = array<i32>} : memref<2x128x256xf32, #tpu.memory_space<vmem>>, vector<1x1x16xf32>,
      %swap3A_1084 = vector.shape_cast %swap3A_1083 : vector<1x1x16xf32> to vector<16xf32>
      %swap3A_1085 = vector.shape_cast %get3A_1078 : vector<16xf32> to vector<1x1x16xf32>
      tpu.vector_store %arg10[%swap3A_1080, %swap3A_1081, %swap3A_1082], %swap3A_1085 {strides = array<i32>} : memref<2x128x256xf32, #tpu.memory_space<vmem>>, vector<1x1x16xf32>,
      %scan3A_1086 = arith.constant 0 : i32
      %scan3A_1087 = arith.constant 1 : i32
      %scan3A_1088 = arith.addi %scan3A_1034, %scan3A_1087 : i32
      %get3A_1089 = arith.constant 1 : i32
      %get3A_1090 = arith.index_cast %get3A_1089 : i32 to index
      %get3A_1091 = arith.index_cast %scan3A_1088 : i32 to index
      %get3A_1092 = arith.constant 0 : index
      %get3A_1093 = tpu.vector_load %arg11[%get3A_1090, %get3A_1091, %get3A_1092] {strides = array<i32>} : memref<2x128x128xf32, #tpu.memory_space<vmem>>, vector<1x1x16xf32>,
      %get3A_1094 = vector.shape_cast %get3A_1093 : vector<1x1x16xf32> to vector<16xf32>
      %swap3A_1095 = arith.constant 1 : i32
      %swap3A_1096 = arith.index_cast %swap3A_1095 : i32 to index
      %swap3A_1097 = arith.index_cast %scan3A_1088 : i32 to index
      %swap3A_1098 = arith.constant 192 : index
      %swap3A_1099 = tpu.vector_load %arg10[%swap3A_1096, %swap3A_1097, %swap3A_1098] {strides = array<i32>} : memref<2x128x256xf32, #tpu.memory_space<vmem>>, vector<1x1x16xf32>,
      %swap3A_1100 = vector.shape_cast %swap3A_1099 : vector<1x1x16xf32> to vector<16xf32>
      %swap3A_1101 = vector.shape_cast %get3A_1094 : vector<16xf32> to vector<1x1x16xf32>
      tpu.vector_store %arg10[%swap3A_1096, %swap3A_1097, %swap3A_1098], %swap3A_1101 {strides = array<i32>} : memref<2x128x256xf32, #tpu.memory_space<vmem>>, vector<1x1x16xf32>,
      %get3A_1102 = arith.constant 1 : i32
      %get3A_1103 = arith.index_cast %get3A_1102 : i32 to index
      %get3A_1104 = arith.index_cast %scan3A_1088 : i32 to index
      %get3A_1105 = arith.constant 16 : index
      %get3A_1106 = tpu.vector_load %arg11[%get3A_1103, %get3A_1104, %get3A_1105] {strides = array<i32>} : memref<2x128x128xf32, #tpu.memory_space<vmem>>, vector<1x1x16xf32>,
      %get3A_1107 = vector.shape_cast %get3A_1106 : vector<1x1x16xf32> to vector<16xf32>
      %swap3A_1108 = arith.constant 1 : i32
      %swap3A_1109 = arith.index_cast %swap3A_1108 : i32 to index
      %swap3A_1110 = arith.index_cast %scan3A_1088 : i32 to index
      %swap3A_1111 = arith.constant 208 : index
      %swap3A_1112 = tpu.vector_load %arg10[%swap3A_1109, %swap3A_1110, %swap3A_1111] {strides = array<i32>} : memref<2x128x256xf32, #tpu.memory_space<vmem>>, vector<1x1x16xf32>,
      %swap3A_1113 = vector.shape_cast %swap3A_1112 : vector<1x1x16xf32> to vector<16xf32>
      %swap3A_1114 = vector.shape_cast %get3A_1107 : vector<16xf32> to vector<1x1x16xf32>
      tpu.vector_store %arg10[%swap3A_1109, %swap3A_1110, %swap3A_1111], %swap3A_1114 {strides = array<i32>} : memref<2x128x256xf32, #tpu.memory_space<vmem>>, vector<1x1x16xf32>,
      %get3A_1115 = arith.constant 1 : i32
      %get3A_1116 = arith.index_cast %get3A_1115 : i32 to index
      %get3A_1117 = arith.index_cast %scan3A_1088 : i32 to index
      %get3A_1118 = arith.constant 32 : index
      %get3A_1119 = tpu.vector_load %arg11[%get3A_1116, %get3A_1117, %get3A_1118] {strides = array<i32>} : memref<2x128x128xf32, #tpu.memory_space<vmem>>, vector<1x1x16xf32>,
      %get3A_1120 = vector.shape_cast %get3A_1119 : vector<1x1x16xf32> to vector<16xf32>
      %swap3A_1121 = arith.constant 1 : i32
      %swap3A_1122 = arith.index_cast %swap3A_1121 : i32 to index
      %swap3A_1123 = arith.index_cast %scan3A_1088 : i32 to index
      %swap3A_1124 = arith.constant 224 : index
      %swap3A_1125 = tpu.vector_load %arg10[%swap3A_1122, %swap3A_1123, %swap3A_1124] {strides = array<i32>} : memref<2x128x256xf32, #tpu.memory_space<vmem>>, vector<1x1x16xf32>,
      %swap3A_1126 = vector.shape_cast %swap3A_1125 : vector<1x1x16xf32> to vector<16xf32>
      %swap3A_1127 = vector.shape_cast %get3A_1120 : vector<16xf32> to vector<1x1x16xf32>
      tpu.vector_store %arg10[%swap3A_1122, %swap3A_1123, %swap3A_1124], %swap3A_1127 {strides = array<i32>} : memref<2x128x256xf32, #tpu.memory_space<vmem>>, vector<1x1x16xf32>,
      %get3A_1128 = arith.constant 1 : i32
      %get3A_1129 = arith.index_cast %get3A_1128 : i32 to index
      %get3A_1130 = arith.index_cast %scan3A_1088 : i32 to index
      %get3A_1131 = arith.constant 48 : index
      %get3A_1132 = tpu.vector_load %arg11[%get3A_1129, %get3A_1130, %get3A_1131] {strides = array<i32>} : memref<2x128x128xf32, #tpu.memory_space<vmem>>, vector<1x1x16xf32>,
      %get3A_1133 = vector.shape_cast %get3A_1132 : vector<1x1x16xf32> to vector<16xf32>
      %swap3A_1134 = arith.constant 1 : i32
      %swap3A_1135 = arith.index_cast %swap3A_1134 : i32 to index
      %swap3A_1136 = arith.index_cast %scan3A_1088 : i32 to index
      %swap3A_1137 = arith.constant 240 : index
      %swap3A_1138 = tpu.vector_load %arg10[%swap3A_1135, %swap3A_1136, %swap3A_1137] {strides = array<i32>} : memref<2x128x256xf32, #tpu.memory_space<vmem>>, vector<1x1x16xf32>,
      %swap3A_1139 = vector.shape_cast %swap3A_1138 : vector<1x1x16xf32> to vector<16xf32>
      %swap3A_1140 = vector.shape_cast %get3A_1133 : vector<16xf32> to vector<1x1x16xf32>
      tpu.vector_store %arg10[%swap3A_1135, %swap3A_1136, %swap3A_1137], %swap3A_1140 {strides = array<i32>} : memref<2x128x256xf32, #tpu.memory_space<vmem>>, vector<1x1x16xf32>,
      %scan3A_1141 = arith.constant 0 : i32
      scf.yield %scan3A_1141 : i32
    }
    %scan3A_995 = arith.constant 128 : i32
    %mul3A_996 = arith.constant 4 : i32
    %mul3A_997 = arith.muli %add3A, %mul3A_996 : i32
    %add3A_998 = arith.constant 3 : i32
    %add3A_999 = arith.addi %mul3A_997, %add3A_998 : i32
    %mul3A_1000 = arith.constant 128 : i32
    %mul3A_1001 = arith.muli %add3A_999, %mul3A_1000 : i32
    %dma_start3A_1002 = arith.constant 1 : i32
    %dma_start3A_1003 = arith.constant 1 : i32
    %dma_start3A_1004 = arith.constant 0 : i32
    %dma_start3A_1005 = arith.constant 0 : i32
    %dma_start3A_1006 = tpu.memref_slice %arg10[%dma_start3A_1002, %dma_start3A_1004, %dma_start3A_1005] : memref<2x128x256xf32, #tpu.memory_space<vmem>> -> memref<1x128x256xf32, #tpu.memory_space<vmem>>
    %dma_start3A_1007 = tpu.memref_squeeze %dma_start3A_1006 : memref<1x128x256xf32, #tpu.memory_space<vmem>> -> memref<128x256xf32, #tpu.memory_space<vmem>>
    %dma_start3A_1008 = arith.constant 0 : i32
    %dma_start3A_1009 = tpu.memref_slice %arg8[%mul3A_1001, %dma_start3A_1008] : memref<16384x256xf32, #tpu.memory_space<hbm>> -> memref<128x256xf32, #tpu.memory_space<hbm>>
    %dma_start3A_1010 = tpu.memref_slice %arg14[%dma_start3A_1003] : memref<2x!tpu.dma_semaphore, #tpu.memory_space<semaphore_mem>> -> memref<1x!tpu.dma_semaphore, #tpu.memory_space<semaphore_mem>>
    %dma_start3A_1011 = tpu.memref_squeeze %dma_start3A_1010 : memref<1x!tpu.dma_semaphore, #tpu.memory_space<semaphore_mem>> -> memref<!tpu.dma_semaphore, #tpu.memory_space<semaphore_mem>>
    %dma_start3A_1012 = arith.constant 0 : i32
    %dma_start3A_1013 = tpu.memref_slice %arg8[%mul3A_1001, %dma_start3A_1012] : memref<16384x256xf32, #tpu.memory_space<hbm>> -> memref<128x256xf32, #tpu.memory_space<hbm>>
    %dma_start3A_1014 = arith.constant 0 : i32
    %dma_start3A_1015 = arith.constant 0 : i32
    %dma_start3A_1016 = tpu.memref_slice %arg10[%dma_start3A_1002, %dma_start3A_1014, %dma_start3A_1015] : memref<2x128x256xf32, #tpu.memory_space<vmem>> -> memref<1x128x256xf32, #tpu.memory_space<vmem>>
    %dma_start3A_1017 = tpu.memref_squeeze %dma_start3A_1016 : memref<1x128x256xf32, #tpu.memory_space<vmem>> -> memref<128x256xf32, #tpu.memory_space<vmem>>
    tpu.enqueue_dma source(%dma_start3A_1017 : memref<128x256xf32, #tpu.memory_space<vmem>>) target(%dma_start3A_1013 : memref<128x256xf32, #tpu.memory_space<hbm>>) target_semaphore(%dma_start3A_1011 : memref<!tpu.dma_semaphore, #tpu.memory_space<semaphore_mem>>)
    %dma_wait3A_1018 = arith.constant 1 : i32
    %dma_wait3A_1019 = arith.constant 1 : i32
    %dma_wait3A_1020 = arith.constant 0 : i32
    %dma_wait3A_1021 = arith.constant 0 : i32
    %dma_wait3A_1022 = tpu.memref_slice %arg10[%dma_wait3A_1018, %dma_wait3A_1020, %dma_wait3A_1021] : memref<2x128x256xf32, #tpu.memory_space<vmem>> -> memref<1x128x256xf32, #tpu.memory_space<vmem>>
    %dma_wait3A_1023 = tpu.memref_squeeze %dma_wait3A_1022 : memref<1x128x256xf32, #tpu.memory_space<vmem>> -> memref<128x256xf32, #tpu.memory_space<vmem>>
    %dma_wait3A_1024 = arith.constant 0 : i32
    %dma_wait3A_1025 = tpu.memref_slice %arg8[%mul3A_1001, %dma_wait3A_1024] : memref<16384x256xf32, #tpu.memory_space<hbm>> -> memref<128x256xf32, #tpu.memory_space<hbm>>
    %dma_wait3A_1026 = tpu.memref_slice %arg14[%dma_wait3A_1019] : memref<2x!tpu.dma_semaphore, #tpu.memory_space<semaphore_mem>> -> memref<1x!tpu.dma_semaphore, #tpu.memory_space<semaphore_mem>>
    %dma_wait3A_1027 = tpu.memref_squeeze %dma_wait3A_1026 : memref<1x!tpu.dma_semaphore, #tpu.memory_space<semaphore_mem>> -> memref<!tpu.dma_semaphore, #tpu.memory_space<semaphore_mem>>
    %dma_wait3A_1028 = arith.constant 0 : i32
    %dma_wait3A_1029 = tpu.memref_slice %arg8[%mul3A_1001, %dma_wait3A_1028] : memref<16384x256xf32, #tpu.memory_space<hbm>> -> memref<128x256xf32, #tpu.memory_space<hbm>>
    %dma_wait3A_1030 = arith.constant 0 : i32
    %dma_wait3A_1031 = arith.constant 0 : i32
    %dma_wait3A_1032 = tpu.memref_slice %arg10[%dma_wait3A_1018, %dma_wait3A_1030, %dma_wait3A_1031] : memref<2x128x256xf32, #tpu.memory_space<vmem>> -> memref<1x128x256xf32, #tpu.memory_space<vmem>>
    %dma_wait3A_1033 = tpu.memref_squeeze %dma_wait3A_1032 : memref<1x128x256xf32, #tpu.memory_space<vmem>> -> memref<128x256xf32, #tpu.memory_space<vmem>>
    tpu.wait_dma2 semaphore(%dma_wait3A_1027 : memref<!tpu.dma_semaphore, #tpu.memory_space<semaphore_mem>>) src(%dma_wait3A_1033 : memref<128x256xf32, #tpu.memory_space<vmem>>) dst(%dma_wait3A_1029 : memref<128x256xf32, #tpu.memory_space<hbm>>)
    return
  }
}

</mosaic_0001>

<sc_bundles>
// kernel: kernel.3.cloned.1.call-start
scs
__scs_entry_jumppad:
0x0: {  	(pc) =	sbr.rel $0x88, $3  }
0x1: {  	(tag) =	ssettag $0x0;
	lr =	simm.s32 $0x1  }
0x2: {  	[smem:$0x3F9C] =	sst lr;
	_ =	strace $0xD0000000  }
0x3: {  	_ = 	snop  }
0x4: {  	_ = 	snop  }
0x5: {  	_ = 	snop  }
0x6: {  	_ = 	snop  }
0x7: {  	_ = 	snop  }
__scs_overlays_trampoline_lowered:
0x8: {  	[smem:$0x3FAB] =	sst s0  }
0x9: {  	[smem:$0x3FAC] =	sst s1  }
0xa: {  	[smem:$0x3FAD] =	sst s2  }
0xb: {  	[smem:$0x3FAE] =	sst s3  }
0xc: {  	[smem:$0x3FAF] =	sst s4  }
0xd: {  	[smem:$0x3FB0] =	sst s5  }
0xe: {  	[smem:$0x3FB1] =	sst s6  }
0xf: {  	[smem:$0x3FB2] =	sst s7  }
0x10: {  	[smem:$0x3FB3] =	sst s8  }
0x11: {  	[smem:$0x3FB4] =	sst s9;
	s0 =	simm.s32 @!p0 $0x0  }
0x12: {  	s1 =	sld [smem:$0x3F9A];
	s0 =	simm.s32 @p0 $0x1  }
0x13: {  	[smem:$0x3FB5] =	sst s0;
	s0 =	simm.s32 @!p1 $0x0  }
0x14: {  	s2 =	sld [smem:$0x3F99];
	s0 =	simm.s32 @p1 $0x1  }
0x15: {  	[smem:$0x3FB6] =	sst s0;
	s0 =	simm.s32 @!p2 $0x0  }
0x16: {  	s3 =	sld [smem:$0x3FDB];
	s0 =	simm.s32 @p2 $0x1  }
0x17: {  	s4 =	simm.s32 $0x1BF5;
	[smem:$0x3FB8] =	sst s0  }
0x18: {  	s0 =	sld [smem:$0x3F9B];
	_ =	swait.ge [sflag:s4], $0x0  }
0x19: {  	s7 =	sld [smem:$0x3F9C]  }
0x1a: {  	s8 =	sadd.s32 $0xFFFFE003, lr  }
0x1b: {  	s9 =	sadd.s32 $0xFFFFFEF7, lr;
	s5 =	simm.s32 $0xFFFFFFFF;
	p2 =	slt.u32 s8, $0xFFFFF086  }
0x1c: {  	p1 =	slt.u32 s9, $0xF7A;
	s5 =	simm.s32 @!p2 $0x0  }
0x1d: {  	s5 =	simm.s32 @p1 $0x1;
	p0 =	seq.s32 s7, s2  }
0x1e: {  	s7 =	smul.u32 @!p0 $0xF7A, s2;
	p2 =	seq.s32 @!p0 s5, $0x0  }
0x1f: {  	s9 =	smul.u32 $0xF7A, s1;
	s8 =	simm.s32 @!p0 $0x1BF5;
	p2 =	por !p2, p0  }
0x20: {  	[sflag:s8] =	ssyncset.s32 @!p0 $0xFFFFF086;
	s6 =	sadd.s32 @!p0 s3, s7;
	s7 =	simm.s32 @!p0 $0x108  }
0x21: {  	s3 =	sadd.s32 s3, s9;
	s6 =	sadd.s32 @!p0 $0x88, s6;
	s7 =	simm.s32 @p2 $0x1082  }
0x22: {  	[simem:s7], [sflag:s8] =	dma.local @!p0 [hbm:s6], $0xF7A  }
0x23: {  	s9 =	sor.u32 $0xD0000000, s2;
	s6 =	simm.s32 $0x108;
	_ =	swait.ge @!p0 [sflag:s8], $0x0  }
0x24: {  	s3 =	sadd.s32 $0x88, s3;
	s6 =	simm.s32 @!p1 $0x1082;
	[sflag:s4] =	ssyncset.s32 $0xFFFFF086  }
0x25: {  	[simem:s6], [sflag:s4] =	dma.local [hbm:s3], $0xF7A  }
0x26: {  	[smem:$0x3F9C] =	sst s1;
	(tag) =	ssettag s2;
	_ =	strace s9  }
0x27: {  	s1 =	sld [smem:$0x3FAC]  }
0x28: {  	s2 =	sld [smem:$0x3FAD]  }
0x29: {  	s4 =	sld [smem:$0x3FAF]  }
0x2a: {  	p0 =	seq.s32 s5, $0x0;
	s5 =	sld [smem:$0x3FB0]  }
0x2b: {  	s6 =	sld [smem:$0x3FB1]  }
0x2c: {  	s7 =	sld [smem:$0x3FB2]  }
0x2d: {  	s3 =	simm.s32 $0x108;
	s8 =	sld [smem:$0x3FB3]  }
0x2e: {  	s3 =	simm.s32 @!p0 $0x1082;
	s9 =	sld [smem:$0x3FB4]  }
0x2f: {  	lr =	sadd.s32 s0, s3;
	s0 =	sld [smem:$0x3FAB]  }
0x30: {  	s3 =	sld [smem:$0x3FAE]  }
0x31: {  	[smem:$0x3FB7] =	sst s10  }
0x32: {  	s10 =	sld [smem:$0x3FB5];
	_ =	sdelay $0x3  }
0x33: {  	p0 =	seq.s32 s10, $0x1;
	s10 =	sld [smem:$0x3FB7];
	_ =	sdelay $0x3  }
0x34: {  	[smem:$0x3FB7] =	sst s10  }
0x35: {  	s10 =	sld [smem:$0x3FB6];
	_ =	sdelay $0x3  }
0x36: {  	p1 =	seq.s32 s10, $0x1;
	s10 =	sld [smem:$0x3FB7];
	_ =	sdelay $0x3  }
0x37: {  	[smem:$0x3FB7] =	sst s10  }
0x38: {  	s10 =	sld [smem:$0x3FB8]  }
0x39: {  	_ = 	snop;
	(pc) =	sbr.ind lr, $3  }
0x3a: {  	_ = 	snop  }
0x3b: {  	_ = 	snop  }
0x3c: {  	p2 =	seq.s32 s10, $0x1;
	s10 =	sld [smem:$0x3FB7]  }
0x3d: {  	_ =	shalt  }
0x3e: {  	_ =	shalt  }
0x3f: {  	_ =	shalt  }
0x40: {  	_ =	shalt  }
0x41: {  	_ =	shalt  }
0x42: {  	_ =	shalt  }
0x43: {  	_ =	shalt  }
0x44: {  	_ =	shalt  }
0x45: {  	_ =	shalt  }
0x46: {  	_ =	shalt  }
0x47: {  	_ =	shalt  }
0x48: {  	_ =	shalt  }
0x49: {  	_ =	shalt  }
0x4a: {  	_ =	shalt  }
0x4b: {  	_ =	shalt  }
0x4c: {  	_ =	shalt  }
0x4d: {  	_ =	shalt  }
0x4e: {  	_ =	shalt  }
0x4f: {  	_ =	shalt  }
0x50: {  	_ =	shalt  }
0x51: {  	_ =	shalt  }
0x52: {  	_ =	shalt  }
0x53: {  	_ =	shalt  }
0x54: {  	_ =	shalt  }
0x55: {  	_ =	shalt  }
0x56: {  	_ =	shalt  }
0x57: {  	_ =	shalt  }
0x58: {  	_ =	shalt  }
0x59: {  	_ =	shalt  }
0x5a: {  	_ =	shalt  }
0x5b: {  	_ =	shalt  }
0x5c: {  	_ =	shalt  }
0x5d: {  	_ =	shalt  }
0x5e: {  	_ =	shalt  }
0x5f: {  	_ =	shalt  }
0x60: {  	_ =	shalt  }
0x61: {  	_ =	shalt  }
0x62: {  	_ =	shalt  }
0x63: {  	_ =	shalt  }
0x64: {  	_ =	shalt  }
0x65: {  	_ =	shalt  }
0x66: {  	_ =	shalt  }
0x67: {  	_ =	shalt  }
0x68: {  	_ =	shalt  }
0x69: {  	_ =	shalt  }
0x6a: {  	_ =	shalt  }
0x6b: {  	_ =	shalt  }
0x6c: {  	_ =	shalt  }
0x6d: {  	_ =	shalt  }
0x6e: {  	_ =	shalt  }
0x6f: {  	_ =	shalt  }
0x70: {  	_ =	shalt  }
0x71: {  	_ =	shalt  }
0x72: {  	_ =	shalt  }
0x73: {  	_ =	shalt  }
0x74: {  	_ =	shalt  }
0x75: {  	_ =	shalt  }
0x76: {  	_ =	shalt  }
0x77: {  	_ =	shalt  }
0x78: {  	_ =	shalt  }
0x79: {  	_ =	shalt  }
0x7a: {  	_ =	shalt  }
0x7b: {  	_ =	shalt  }
0x7c: {  	_ =	shalt  }
0x7d: {  	_ =	shalt  }
0x7e: {  	_ =	shalt  }
0x7f: {  	_ =	shalt  }
0x80: {  	_ =	shalt  }
0x81: {  	_ =	shalt  }
0x82: {  	_ =	shalt  }
0x83: {  	_ =	shalt  }
0x84: {  	_ =	shalt  }
0x85: {  	_ =	shalt  }
0x86: {  	_ =	shalt  }
0x87: {  	_ =	shalt  }
.Lfunc_end0:
.L_simem_size_0:
called_computation_lowered:
.L_overlay_start_0:
0x88: {  	s2 =	sld [smem:$0x3FD9]  }
0x89: {  	s3 =	sld [smem:$0x3FFE];
	_ =	sdelay $0x1  }
0x8a: {  	s1 =	srdreg.scid  }
0x8b: {  	s0 =	sand.u32 $0x1, s1  }
0x8c: {  	s17 =	sshll.u32 s0, $0xA;
	s2 =	sadd.s32 s3, s2  }
0x8d: {  	s2 =	sadd.s32 s2, s17  }
0x8e: {  	[smem:$0x3FC3] =	sst s2  }
0x8f: {  	_ = 	snop  }
0x90: {  	s2 =	sld [smem:$0x3FD0];
	(tm) =	ssettm $0x1  }
0x91: {  	s18 =	sld [smem:$0x3FFB];
	_ =	sdelay $0x3  }
0x92: {  	_ =	strace s18  }
0x93: {  	s3 =	sld [smem:$0x3FFC];
	_ =	sdelay $0x3  }
0x94: {  	_ =	strace s3  }
0x95: {  	s3 =	sld [smem:$0x3FFD];
	_ =	sdelay $0x3  }
0x96: {  	_ =	strace s3  }
0x97: {  	_ =	strace $0x8FFFFFFF  }
0x98: {  	s19 =	sld [smem:$0x3FDB];
	_ =	sdelay $0x1  }
0x99: {  	s4 =	simm.s32 $_scs_section_size  }
0x9a: {  	s5 =	simm.s32 $_size__tile_overlayer_lowered;
	s6 =	simm.s32 $_tile_overlayer_lowered  }
0x9b: {  	s22 =	simm.s32 $0x1BFF;
	s21 =	sshll.u32 s6, $0x1;
	s3 =	sadd.s32 s4, s19  }
0x9c: {  	s7 =	simm.s32 $0x0;
	s20 =	sshll.u32 s5, $0x1;
	s5 =	sadd.s32 s21, s3  }
0x9d: {  	[timem:s7], [sflag:s22] =	dma.local [hbm:s5], s20  }
0x9e: {  	_ =	swait.ge [sflag:s22], s20  }
0x9f: {  	s4 =	ssub.s32 $0x0, s20;
	[sflag:s22] =	ssyncset.done $0x0  }
0xa0: {  	[sflag:s22] =	ssyncadd.s32 s4;
	_ =	sdelay $0x1  }
0xa1: {  	s23 =	simm.s32 $0x1B8B  }
0xa2: {  	_ =	swait.ge [sflag:s23], $0x1  }
0xa3: {  	[sflag:s23] =	ssyncset.done $0x0  }
0xa4: {  	s25 =	simm.s32 $0x1B8E;
	s24 =	sld [smem:$0x3FFE];
	[sflag:s23] =	ssyncadd.s32 $0xFFFFFFFF  }
0xa5: {  	s26 =	simm.s32 $execute0_lowered;
	[smem:$0x3FD2] =	sst s25  }
0xa6: {  	s5 =	sshll.u32 s26, $0x1;
	_ =	strace $0x80000046;
	[dreg:$0x1] =	wrdreg $0xFFFFFFFF  }
0xa7: {  	s28 =	simm.s32 $_size_execute0_lowered;
	s3 =	sadd.s32 s3, s5;
	[dreg:$0x0] =	wrdreg $0x0  }
0xa8: {  	s5 =	sshll.u32 s28, $0x1;
	[dreg:$0x2] =	wrdreg s3  }
0xa9: {  	[dreg:$0x3] =	wrdreg s5  }
0xaa: {  	[dreg:$0x4] =	wrdreg $0xC0  }
0xab: {  	_ =	task [dreg:s7], $0x5FFFF  }
0xac: {  	[dreg:$0x1] =	wrdreg $0xFFFFFFFF  }
0xad: {  	[dreg:$0x0] =	wrdreg $0x60  }
0xae: {  	[dreg:$0x2] =	wrdreg s24  }
0xaf: {  	[dreg:$0x3] =	wrdreg s2  }
0xb0: {  	[dreg:$0x4] =	wrdreg $0x9  }
0xb1: {  	_ =	task.clear_ibuf [dreg:s7], $0x5FFFF;
	_ =	strace $0x90000046  }
0xb2: {  	s29 =	simm.s32 $0x9;
	_ =	strace $0x80000048  }
0xb3: {  	_ =	swait.ge [sflag:s29], $0x1  }
0xb4: {  	[sflag:s29] =	ssyncadd.s32 $0xFFFFFFFF  }
0xb5: {  	_ =	strace $0x90000048  }
0xb6: {  	_ =	sfence  }
0xb7: {  	s30 =	sld [smem:$0x0];
	_ =	sdelay $0x2  }
0xb8: {  	s31 =	sshll.u32 s1, $0xD;
	s1 =	sshrl.u32 s1, $0x2  }
0xb9: {  	s3 =	sand.u32 $0x4000, s31;
	s1 =	sadd.s32 s1, s30  }
0xba: {  	s0 =	sor.u32 s3, s0;
	s1 =	sshll.u32 s1, $0x11  }
0xbb: {  	s0 =	sor.u32 s1, s0  }
0xbc: {  	s0 =	sadd.s32 $0x8F2B, s0  }
0xbd: {  	[sflag:s0] =	ssyncadd.remote.s32 $0x1  }
0xbe: {  	_ =	sfence.sel $0xFFFF  }
0xbf: {  	[dreg:$0x0] =	wrdreg $0xFFFFFFFF;
	(pc) =	sbr.abs _section_cstart, $3  }
0xc0: {  	[dreg:$0x1] =	wrdreg $0xFFFFFFFF  }
0xc1: {  	_ =	task.clear_ibuf [dreg:s7], $0x2FFFF;
	_ =	strace $0x9FFFFFFF  }
0xc2: {  	(tm) =	ssettm $0x7FFFFFFF  }
0xc3: {  	_ =	shalt  }
tec
execute0_lowered:
.L_overlay_start_1:
0x0: {  	(tag) =	ssettag $0x1  }
0x1: {  	s0 =	rddreg [dreg:$0x0]  }
0x2: {  	s2 =	rddreg [dreg:$0x1]  }
0x3: {  	s1 =	simm.s32 $0x0;
	s9 =	srdreg.scid;
	s30 =	simm.s32 $0xD000  }
0x4: {  	s31 =	simm.s32 $0xE000;
	[smem:$0x7FF] =	sst s1;
	s6 =	sadd.s32 $0x18CE00, s0  }
0x5: {  	s10 =	stileid.u32;
	s7 =	sadd.s32 $0x18C600, s0;
	s3 =	sadd.s32 $0x18AA00, s0  }
0x6: {  	s8 =	sadd.s32 $0xE00, s0;
	s4 =	sadd.s32 $0x188000, s0;
	s5 =	sadd.s32 $0x18D600, s0  }
0x7: {  	s13 =	sand.u32 $0x1, s9;
	s14 =	sshll.u32 s10, $0x1;
	s10 =	sshll.u32 s10, $0xA  }
0x8: {  	_ =	strace $0x80000047;
	s9 =	sor.u32 s13, s14;
	s11 =	sshll.u32 s13, $0x9  }
0x9: {  	s0 =	ssub.s32 $0x2, s13;
	s12 =	sshll.u32 s9, $0x2;
	s11 =	sor.u32 s11, s10  }
0xa: {  	s13 =	sshrl.u32 s0, $0x1;
	s19 =	sshllo.u32 s9, $0x2;
	s9 =	sshll.u32 s9, $0xE  }
0xb: {  	s11 =	sshrl.u32 s11, $0x3;
	s14 =	sor.u32 $0x1, s12;
	s0 =	ssub.s32 s0, s13  }
0xc: {  	s12 =	sor.u32 $0x2, s12;
	s20 =	sshll.u32 s19, $0x7;
	s9 =	sadd.s32 s2, s9  }
0xd: {  	s29 =	sshll.u32 s19, $0xC;
	s19 =	simm.s32 $0x3;
	s15 =	sadd.s32 s6, s11  }
0xe: {  	s16 =	sshll.u32 s14, $0x7;
	s18 =	sshll.u32 s12, $0x7;
	[dreg:$0xc] =	wrdreg s9  }
0xf: {  	s26 =	sshll.u32 s14, $0xC;
	s28 =	sshll.u32 s12, $0xC;
	s0 =	smax.u32 s0, $0x1  }
0x10: {  	s12 =	simm.s32 $0x2;
	s9 =	simm.s32 $0x6;
	[dreg:$0x3] =	wrdreg s15  }
0x11: {  	s15 =	sadd.s32 s7, s11;
	s13 =	sand.u32 $0x280, s16;
	[dreg:$0x13] =	wrdreg s0  }
0x12: {  	s11 =	sadd.s32 s8, s11;
	[dreg:$0x4] =	wrdreg s15;
	s17 =	sor.u32 s10, s13  }
0x13: {  	s0 =	simm.s32 $0xF000;
	[dreg:$0x5] =	wrdreg s11;
	s11 =	sshrl.u32 s17, $0x3  }
0x14: {  	s13 =	sand.u32 $0x300, s18;
	s15 =	simm.s32 $0xC800;
	s16 =	sadd.s32 s6, s11  }
0x15: {  	s18 =	simm.s32 $0xF800;
	s17 =	sadd.s32 s7, s11;
	[dreg:$0x6] =	wrdreg s16  }
0x16: {  	s13 =	sor.u32 s10, s13;
	s11 =	sadd.s32 s8, s11;
	[dreg:$0x7] =	wrdreg s17  }
0x17: {  	s13 =	sshrl.u32 s13, $0x3;
	s16 =	sand.u32 $0x380, s20;
	[dreg:$0x8] =	wrdreg s11  }
0x18: {  	s21 =	sadd.s32 s6, s13;
	s22 =	sadd.s32 s7, s13;
	s23 =	sadd.s32 s8, s13  }
0x19: {  	s13 =	simm.s32 $0x8400;
	s17 =	simm.s32 $0xE800;
	[dreg:$0x9] =	wrdreg s21  }
0x1a: {  	s20 =	simm.s32 $0x0;
	s10 =	sor.u32 s10, s16;
	[dreg:$0xa] =	wrdreg s22  }
0x1b: {  	[dreg:$0xb] =	wrdreg s23;
	s23 =	simm.s32 $0x80;
	s10 =	sshrl.u32 s10, $0x3  }
0x1c: {  	s22 =	simm.s32 $0x300;
	s16 =	simm.s32 $0xD800;
	s6 =	sadd.s32 s6, s10  }
0x1d: {  	s24 =	sadd.s32 s7, s10;
	s25 =	sadd.s32 s8, s10;
	[dreg:$0xd] =	wrdreg s6  }
0x1e: {  	s7 =	simm.s32 $0x5;
	s8 =	simm.s32 $0x4;
	[dreg:$0xe] =	wrdreg s24  }
0x1f: {  	[dreg:$0xf] =	wrdreg s25;
	s6 =	sadd.s32 s2, s26;
	s24 =	simm.s32 $0x100  }
0x20: {  	v2 =	vlaneseq.u32;
	s25 =	simm.s32 $0x1;
	[dreg:$0x10] =	wrdreg s6;
	s6 =	sadd.s32 s2, s28  }
0x21: {  	vm0 =	vmmov $0xff;
	v1 =	vshrl.u32 v2, $0x3;
	s26 =	simm.s32 $0x400;
	s2 =	sadd.s32 s2, s29;
	[dreg:$0x11] =	wrdreg s6  }
0x22: {  	v0 =	vand.u32 $0x7, v2;
	v2 =	vor.u32 $0x8, v2;
	v1 =	vmul.u32 $0x8, v1;
	[dreg:$0x12] =	wrdreg s2;
	s2 =	simm.s32 $0x10000;
	s6 =	simm.s32 $0x14400  }
.LBB2_1:
0x23: {  	s10 =	rddreg [dreg:$0x3]  }
0x24: {  	[tilespmem:s1], [sflag:$0x1] =	stream.linear.gather [hbm4b:s10+s1], $0x80, $0x38;
	[tilespmem:$0x18400] =	vst v63  }
0x25: {  	s14 =	rddreg [dreg:$0x4]  }
0x26: {  	[tilespmem:s23], [sflag:$0x1] =	stream.linear.gather [hbm4b:s14+s1], $0x80, $0x38;
	[tilespmem:$0x18400] =	vst v63  }
0x27: {  	s21 =	rddreg [dreg:$0x5]  }
0x28: {  	[tilespmem:s24], [sflag:$0x1] =	stream.linear.gather [hbm4b:s21+s1], $0x80, $0x38;
	[tilespmem:$0x18400] =	vst v63  }
0x29: {  	_ =	swait.ge [sflag:s25], $0x80  }
0x2a: {  	[sflag:s25] =	ssyncset.done $0x0  }
0x2b: {  	[sflag:s25] =	ssyncadd.s32 $0xFFFFFF80  }
0x2c: {  	_ =	swait.ge [sflag:s25], $0x80  }
0x2d: {  	[sflag:s25] =	ssyncset.done $0x0  }
0x2e: {  	[sflag:s25] =	ssyncadd.s32 $0xFFFFFF80  }
0x2f: {  	_ =	swait.ge [sflag:s25], $0x80  }
0x30: {  	[sflag:s25] =	ssyncset.done $0x0  }
0x31: {  	[sflag:s25] =	ssyncadd.s32 $0xFFFFFF80  }
0x32: {  	v3 =	vld [tilespmem:$0x0];
	_ =	sdelay $0x4  }
0x33: {  	v4 =	vperm.xlane v3, v0;
	_ =	sdelay $0x1  }
0x34: {  	v3 =	vperm.xlane v3, v2;
	v4 =	vadd.s32 v1, v4;
	_ =	sdelay $0x1  }
0x35: {  	v3 =	vadd.s32 v1, v3;
	_ =	sdelay $0x2  }
0x36: {  	[tilespmem:s26], [sflag:$0x3] =	stream.indirect_vreg.gather [hbm4b:s3+s1], $0x80, v4, vm0, $0xb8;
	[tilespmem:$0x18400] =	vst v63  }
0x37: {  	s29 =	simm.s32 $0xC00  }
0x38: {  	[tilespmem:s29], [sflag:$0x3] =	stream.indirect_vreg.gather [hbm4b:s3+s1], $0x80, v3, vm0, $0xb8;
	[tilespmem:$0x18400] =	vst v63  }
0x39: {  	v3 =	vld [tilespmem:$0x10];
	_ =	sdelay $0x4  }
0x3a: {  	v33 =	vperm.xlane v3, v0;
	_ =	sdelay $0x1  }
0x3b: {  	v3 =	vperm.xlane v3, v2;
	v4 =	vadd.s32 v1, v33;
	_ =	sdelay $0x1  }
0x3c: {  	v3 =	vadd.s32 v1, v3;
	_ =	sdelay $0x1  }
0x3d: {  	s11 =	simm.s32 $0x1400  }
0x3e: {  	[tilespmem:s11], [sflag:$0x3] =	stream.indirect_vreg.gather [hbm4b:s3+s1], $0x80, v4, vm0, $0xb8;
	[tilespmem:$0x18400] =	vst v63  }
0x3f: {  	s14 =	simm.s32 $0x1C00  }
0x40: {  	[tilespmem:s14], [sflag:$0x3] =	stream.indirect_vreg.gather [hbm4b:s3+s1], $0x80, v3, vm0, $0xb8;
	[tilespmem:$0x18400] =	vst v63  }
0x41: {  	v3 =	vld [tilespmem:$0x20];
	_ =	sdelay $0x4  }
0x42: {  	v34 =	vperm.xlane v3, v0;
	_ =	sdelay $0x1  }
0x43: {  	v3 =	vperm.xlane v3, v2;
	v4 =	vadd.s32 v1, v34;
	_ =	sdelay $0x1  }
0x44: {  	v3 =	vadd.s32 v1, v3;
	_ =	sdelay $0x1  }
0x45: {  	s21 =	simm.s32 $0x2400  }
0x46: {  	[tilespmem:s21], [sflag:$0x3] =	stream.indirect_vreg.gather [hbm4b:s3+s1], $0x80, v4, vm0, $0xb8;
	[tilespmem:$0x18400] =	vst v63  }
0x47: {  	s29 =	simm.s32 $0x2C00  }
0x48: {  	[tilespmem:s29], [sflag:$0x3] =	stream.indirect_vreg.gather [hbm4b:s3+s1], $0x80, v3, vm0, $0xb8;
	[tilespmem:$0x18400] =	vst v63  }
0x49: {  	v3 =	vld [tilespmem:$0x30];
	_ =	sdelay $0x4  }
0x4a: {  	v35 =	vperm.xlane v3, v0;
	_ =	sdelay $0x1  }
0x4b: {  	v3 =	vperm.xlane v3, v2;
	v4 =	vadd.s32 v1, v35;
	_ =	sdelay $0x1  }
0x4c: {  	v3 =	vadd.s32 v1, v3;
	_ =	sdelay $0x1  }
0x4d: {  	s11 =	simm.s32 $0x3400  }
0x4e: {  	[tilespmem:s11], [sflag:$0x3] =	stream.indirect_vreg.gather [hbm4b:s3+s1], $0x80, v4, vm0, $0xb8;
	[tilespmem:$0x18400] =	vst v63  }
0x4f: {  	s14 =	simm.s32 $0x3C00  }
0x50: {  	[tilespmem:s14], [sflag:$0x3] =	stream.indirect_vreg.gather [hbm4b:s3+s1], $0x80, v3, vm0, $0xb8;
	[tilespmem:$0x18400] =	vst v63  }
0x51: {  	v3 =	vld [tilespmem:$0x40];
	_ =	sdelay $0x4  }
0x52: {  	v36 =	vperm.xlane v3, v0;
	_ =	sdelay $0x1  }
0x53: {  	v3 =	vperm.xlane v3, v2;
	v4 =	vadd.s32 v1, v36;
	_ =	sdelay $0x1  }
0x54: {  	v3 =	vadd.s32 v1, v3;
	_ =	sdelay $0x1  }
0x55: {  	s21 =	simm.s32 $0x4400  }
0x56: {  	[tilespmem:s21], [sflag:$0x3] =	stream.indirect_vreg.gather [hbm4b:s3+s1], $0x80, v4, vm0, $0xb8;
	[tilespmem:$0x18400] =	vst v63  }
0x57: {  	s29 =	simm.s32 $0x4C00  }
0x58: {  	[tilespmem:s29], [sflag:$0x3] =	stream.indirect_vreg.gather [hbm4b:s3+s1], $0x80, v3, vm0, $0xb8;
	[tilespmem:$0x18400] =	vst v63  }
0x59: {  	v3 =	vld [tilespmem:$0x50];
	_ =	sdelay $0x4  }
0x5a: {  	v37 =	vperm.xlane v3, v0;
	_ =	sdelay $0x1  }
0x5b: {  	v3 =	vperm.xlane v3, v2;
	v4 =	vadd.s32 v1, v37;
	_ =	sdelay $0x1  }
0x5c: {  	v3 =	vadd.s32 v1, v3;
	_ =	sdelay $0x1  }
0x5d: {  	s11 =	simm.s32 $0x5400  }
0x5e: {  	[tilespmem:s11], [sflag:$0x3] =	stream.indirect_vreg.gather [hbm4b:s3+s1], $0x80, v4, vm0, $0xb8;
	[tilespmem:$0x18400] =	vst v63  }
0x5f: {  	s14 =	simm.s32 $0x5C00  }
0x60: {  	[tilespmem:s14], [sflag:$0x3] =	stream.indirect_vreg.gather [hbm4b:s3+s1], $0x80, v3, vm0, $0xb8;
	[tilespmem:$0x18400] =	vst v63  }
0x61: {  	v3 =	vld [tilespmem:$0x60];
	_ =	sdelay $0x4  }
0x62: {  	v38 =	vperm.xlane v3, v0;
	_ =	sdelay $0x1  }
0x63: {  	v3 =	vperm.xlane v3, v2;
	v4 =	vadd.s32 v1, v38;
	_ =	sdelay $0x1  }
0x64: {  	v3 =	vadd.s32 v1, v3;
	_ =	sdelay $0x1  }
0x65: {  	s21 =	simm.s32 $0x6400  }
0x66: {  	[tilespmem:s21], [sflag:$0x3] =	stream.indirect_vreg.gather [hbm4b:s3+s1], $0x80, v4, vm0, $0xb8;
	[tilespmem:$0x18400] =	vst v63  }
0x67: {  	s29 =	simm.s32 $0x6C00  }
0x68: {  	[tilespmem:s29], [sflag:$0x3] =	stream.indirect_vreg.gather [hbm4b:s3+s1], $0x80, v3, vm0, $0xb8;
	[tilespmem:$0x18400] =	vst v63  }
0x69: {  	v3 =	vld [tilespmem:$0x70];
	_ =	sdelay $0x4  }
0x6a: {  	v39 =	vperm.xlane v3, v0;
	_ =	sdelay $0x1  }
0x6b: {  	v3 =	vperm.xlane v3, v2;
	v4 =	vadd.s32 v1, v39;
	_ =	sdelay $0x1  }
0x6c: {  	v3 =	vadd.s32 v1, v3;
	_ =	sdelay $0x1  }
0x6d: {  	s11 =	simm.s32 $0x7400  }
0x6e: {  	[tilespmem:s11], [sflag:$0x3] =	stream.indirect_vreg.gather [hbm4b:s3+s1], $0x80, v4, vm0, $0xb8;
	[tilespmem:$0x18400] =	vst v63  }
0x6f: {  	s14 =	simm.s32 $0x7C00  }
0x70: {  	[tilespmem:s14], [sflag:$0x3] =	stream.indirect_vreg.gather [hbm4b:s3+s1], $0x80, v3, vm0, $0xb8;
	[tilespmem:$0x18400] =	vst v63  }
0x71: {  	v3 =	vld [tilespmem:$0x80];
	_ =	sdelay $0x4  }
0x72: {  	v40 =	vperm.xlane v3, v0;
	_ =	sdelay $0x1  }
0x73: {  	v3 =	vperm.xlane v3, v2;
	v4 =	vadd.s32 v1, v40;
	_ =	sdelay $0x1  }
0x74: {  	v3 =	vadd.s32 v1, v3;
	_ =	sdelay $0x1  }
0x75: {  	s21 =	simm.s32 $0x800  }
0x76: {  	[tilespmem:s21], [sflag:$0x3] =	stream.indirect_vreg.gather [hbm4b:s4+s1], $0x80, v4, vm0, $0xb8;
	[tilespmem:$0x18400] =	vst v63  }
0x77: {  	s29 =	simm.s32 $0x1000  }
0x78: {  	[tilespmem:s29], [sflag:$0x3] =	stream.indirect_vreg.gather [hbm4b:s4+s1], $0x80, v3, vm0, $0xb8;
	[tilespmem:$0x18400] =	vst v63  }
0x79: {  	v3 =	vld [tilespmem:$0x90];
	_ =	sdelay $0x4  }
0x7a: {  	v41 =	vperm.xlane v3, v0;
	_ =	sdelay $0x1  }
0x7b: {  	v3 =	vperm.xlane v3, v2;
	v4 =	vadd.s32 v1, v41;
	_ =	sdelay $0x1  }
0x7c: {  	v3 =	vadd.s32 v1, v3;
	_ =	sdelay $0x1  }
0x7d: {  	s11 =	simm.s32 $0x1800  }
0x7e: {  	[tilespmem:s11], [sflag:$0x3] =	stream.indirect_vreg.gather [hbm4b:s4+s1], $0x80, v4, vm0, $0xb8;
	[tilespmem:$0x18400] =	vst v63  }
0x7f: {  	s14 =	simm.s32 $0x2000  }
0x80: {  	[tilespmem:s14], [sflag:$0x3] =	stream.indirect_vreg.gather [hbm4b:s4+s1], $0x80, v3, vm0, $0xb8;
	[tilespmem:$0x18400] =	vst v63  }
0x81: {  	v3 =	vld [tilespmem:$0xA0];
	_ =	sdelay $0x4  }
0x82: {  	v42 =	vperm.xlane v3, v0;
	_ =	sdelay $0x1  }
0x83: {  	v3 =	vperm.xlane v3, v2;
	v4 =	vadd.s32 v1, v42;
	_ =	sdelay $0x1  }
0x84: {  	v3 =	vadd.s32 v1, v3;
	_ =	sdelay $0x1  }
0x85: {  	s21 =	simm.s32 $0x2800  }
0x86: {  	[tilespmem:s21], [sflag:$0x3] =	stream.indirect_vreg.gather [hbm4b:s4+s1], $0x80, v4, vm0, $0xb8;
	[tilespmem:$0x18400] =	vst v63  }
0x87: {  	s29 =	simm.s32 $0x3000  }
0x88: {  	[tilespmem:s29], [sflag:$0x3] =	stream.indirect_vreg.gather [hbm4b:s4+s1], $0x80, v3, vm0, $0xb8;
	[tilespmem:$0x18400] =	vst v63  }
0x89: {  	v3 =	vld [tilespmem:$0xB0];
	_ =	sdelay $0x4  }
0x8a: {  	v43 =	vperm.xlane v3, v0;
	_ =	sdelay $0x1  }
0x8b: {  	v3 =	vperm.xlane v3, v2;
	v4 =	vadd.s32 v1, v43;
	_ =	sdelay $0x1  }
0x8c: {  	v3 =	vadd.s32 v1, v3;
	_ =	sdelay $0x1  }
0x8d: {  	s11 =	simm.s32 $0x3800  }
0x8e: {  	[tilespmem:s11], [sflag:$0x3] =	stream.indirect_vreg.gather [hbm4b:s4+s1], $0x80, v4, vm0, $0xb8;
	[tilespmem:$0x18400] =	vst v63  }
0x8f: {  	s14 =	simm.s32 $0x4000  }
0x90: {  	[tilespmem:s14], [sflag:$0x3] =	stream.indirect_vreg.gather [hbm4b:s4+s1], $0x80, v3, vm0, $0xb8;
	[tilespmem:$0x18400] =	vst v63  }
0x91: {  	v3 =	vld [tilespmem:$0xC0];
	_ =	sdelay $0x4  }
0x92: {  	v44 =	vperm.xlane v3, v0;
	_ =	sdelay $0x1  }
0x93: {  	v3 =	vperm.xlane v3, v2;
	v4 =	vadd.s32 v1, v44;
	_ =	sdelay $0x1  }
0x94: {  	v3 =	vadd.s32 v1, v3;
	_ =	sdelay $0x1  }
0x95: {  	s21 =	simm.s32 $0x4800  }
0x96: {  	[tilespmem:s21], [sflag:$0x3] =	stream.indirect_vreg.gather [hbm4b:s4+s1], $0x80, v4, vm0, $0xb8;
	[tilespmem:$0x18400] =	vst v63  }
0x97: {  	s29 =	simm.s32 $0x5000  }
0x98: {  	[tilespmem:s29], [sflag:$0x3] =	stream.indirect_vreg.gather [hbm4b:s4+s1], $0x80, v3, vm0, $0xb8;
	[tilespmem:$0x18400] =	vst v63  }
0x99: {  	v3 =	vld [tilespmem:$0xD0];
	_ =	sdelay $0x4  }
0x9a: {  	v45 =	vperm.xlane v3, v0;
	_ =	sdelay $0x1  }
0x9b: {  	v3 =	vperm.xlane v3, v2;
	v4 =	vadd.s32 v1, v45;
	_ =	sdelay $0x1  }
0x9c: {  	v3 =	vadd.s32 v1, v3;
	_ =	sdelay $0x1  }
0x9d: {  	s11 =	simm.s32 $0x5800  }
0x9e: {  	[tilespmem:s11], [sflag:$0x3] =	stream.indirect_vreg.gather [hbm4b:s4+s1], $0x80, v4, vm0, $0xb8;
	[tilespmem:$0x18400] =	vst v63  }
0x9f: {  	s14 =	simm.s32 $0x6000  }
0xa0: {  	[tilespmem:s14], [sflag:$0x3] =	stream.indirect_vreg.gather [hbm4b:s4+s1], $0x80, v3, vm0, $0xb8;
	[tilespmem:$0x18400] =	vst v63  }
0xa1: {  	v3 =	vld [tilespmem:$0xE0];
	_ =	sdelay $0x4  }
0xa2: {  	v46 =	vperm.xlane v3, v0;
	_ =	sdelay $0x1  }
0xa3: {  	v3 =	vperm.xlane v3, v2;
	v4 =	vadd.s32 v1, v46;
	_ =	sdelay $0x1  }
0xa4: {  	v3 =	vadd.s32 v1, v3;
	_ =	sdelay $0x1  }
0xa5: {  	s21 =	simm.s32 $0x6800  }
0xa6: {  	[tilespmem:s21], [sflag:$0x3] =	stream.indirect_vreg.gather [hbm4b:s4+s1], $0x80, v4, vm0, $0xb8;
	[tilespmem:$0x18400] =	vst v63  }
0xa7: {  	s29 =	simm.s32 $0x7000  }
0xa8: {  	[tilespmem:s29], [sflag:$0x3] =	stream.indirect_vreg.gather [hbm4b:s4+s1], $0x80, v3, vm0, $0xb8;
	[tilespmem:$0x18400] =	vst v63  }
0xa9: {  	v3 =	vld [tilespmem:$0xF0];
	_ =	sdelay $0x4  }
0xaa: {  	v47 =	vperm.xlane v3, v0;
	_ =	sdelay $0x1  }
0xab: {  	v3 =	vperm.xlane v3, v2;
	v4 =	vadd.s32 v1, v47;
	_ =	sdelay $0x1  }
0xac: {  	v3 =	vadd.s32 v1, v3;
	_ =	sdelay $0x1  }
0xad: {  	s11 =	simm.s32 $0x7800  }
0xae: {  	[tilespmem:s11], [sflag:$0x3] =	stream.indirect_vreg.gather [hbm4b:s4+s1], $0x80, v4, vm0, $0xb8;
	[tilespmem:$0x18400] =	vst v63  }
0xaf: {  	s14 =	simm.s32 $0x8000  }
0xb0: {  	[tilespmem:s14], [sflag:$0x3] =	stream.indirect_vreg.gather [hbm4b:s4+s1], $0x80, v3, vm0, $0xb8;
	[tilespmem:$0x18400] =	vst v63  }
0xb1: {  	s21 =	simm.s32 $0x10400  }
0xb2: {  	[tilespmem:s21], [sflag:$0x3] =	stream.indirect.gather [hbm4b:s5+s23], $0x80, s24, s23, $0xb8;
	[tilespmem:$0x18400] =	vst v63  }
0xb3: {  	s29 =	rddreg [dreg:$0x6];
	s11 =	simm.s32 $0x200  }
0xb4: {  	[tilespmem:s11], [sflag:$0x2] =	stream.linear.gather [hbm4b:s29+s1], $0x80, $0x38;
	[tilespmem:$0x18400] =	vst v63  }
0xb5: {  	s14 =	simm.s32 $0x280;
	s11 =	rddreg [dreg:$0x7]  }
0xb6: {  	[tilespmem:s14], [sflag:$0x2] =	stream.linear.gather [hbm4b:s11+s1], $0x80, $0x38;
	[tilespmem:$0x18400] =	vst v63  }
0xb7: {  	s21 =	rddreg [dreg:$0x8]  }
0xb8: {  	[tilespmem:s22], [sflag:$0x2] =	stream.linear.gather [hbm4b:s21+s1], $0x80, $0x38;
	[tilespmem:$0x18400] =	vst v63  }
0xb9: {  	_ =	swait.ge [sflag:s12], $0x80  }
0xba: {  	[sflag:s12] =	ssyncset.done $0x0  }
0xbb: {  	[sflag:s12] =	ssyncadd.s32 $0xFFFFFF80  }
0xbc: {  	_ =	swait.ge [sflag:s12], $0x80  }
0xbd: {  	[sflag:s12] =	ssyncset.done $0x0  }
0xbe: {  	[sflag:s12] =	ssyncadd.s32 $0xFFFFFF80  }
0xbf: {  	_ =	swait.ge [sflag:s12], $0x80  }
0xc0: {  	[sflag:s12] =	ssyncset.done $0x0  }
0xc1: {  	[sflag:s12] =	ssyncadd.s32 $0xFFFFFF80  }
0xc2: {  	v3 =	vld [tilespmem:$0x200];
	_ =	sdelay $0x4  }
0xc3: {  	v48 =	vperm.xlane v3, v0;
	_ =	sdelay $0x1  }
0xc4: {  	v3 =	vperm.xlane v3, v2;
	v4 =	vadd.s32 v1, v48;
	_ =	sdelay $0x1  }
0xc5: {  	v3 =	vadd.s32 v1, v3;
	_ =	sdelay $0x2  }
0xc6: {  	[tilespmem:s13], [sflag:$0x4] =	stream.indirect_vreg.gather [hbm4b:s3+s1], $0x80, v4, vm0, $0xb8;
	[tilespmem:$0x18400] =	vst v63  }
0xc7: {  	s29 =	simm.s32 $0x8C00  }
0xc8: {  	[tilespmem:s29], [sflag:$0x4] =	stream.indirect_vreg.gather [hbm4b:s3+s1], $0x80, v3, vm0, $0xb8;
	[tilespmem:$0x18400] =	vst v63  }
0xc9: {  	v3 =	vld [tilespmem:$0x210];
	_ =	sdelay $0x4  }
0xca: {  	v49 =	vperm.xlane v3, v0;
	_ =	sdelay $0x1  }
0xcb: {  	v3 =	vperm.xlane v3, v2;
	v4 =	vadd.s32 v1, v49;
	_ =	sdelay $0x1  }
0xcc: {  	v3 =	vadd.s32 v1, v3;
	_ =	sdelay $0x1  }
0xcd: {  	s11 =	simm.s32 $0x9400  }
0xce: {  	[tilespmem:s11], [sflag:$0x4] =	stream.indirect_vreg.gather [hbm4b:s3+s1], $0x80, v4, vm0, $0xb8;
	[tilespmem:$0x18400] =	vst v63  }
0xcf: {  	s14 =	simm.s32 $0x9C00  }
0xd0: {  	[tilespmem:s14], [sflag:$0x4] =	stream.indirect_vreg.gather [hbm4b:s3+s1], $0x80, v3, vm0, $0xb8;
	[tilespmem:$0x18400] =	vst v63  }
0xd1: {  	v3 =	vld [tilespmem:$0x220];
	_ =	sdelay $0x4  }
0xd2: {  	v50 =	vperm.xlane v3, v0;
	_ =	sdelay $0x1  }
0xd3: {  	v3 =	vperm.xlane v3, v2;
	v4 =	vadd.s32 v1, v50;
	_ =	sdelay $0x1  }
0xd4: {  	v3 =	vadd.s32 v1, v3;
	_ =	sdelay $0x1  }
0xd5: {  	s21 =	simm.s32 $0xA400  }
0xd6: {  	[tilespmem:s21], [sflag:$0x4] =	stream.indirect_vreg.gather [hbm4b:s3+s1], $0x80, v4, vm0, $0xb8;
	[tilespmem:$0x18400] =	vst v63  }
0xd7: {  	s29 =	simm.s32 $0xAC00  }
0xd8: {  	[tilespmem:s29], [sflag:$0x4] =	stream.indirect_vreg.gather [hbm4b:s3+s1], $0x80, v3, vm0, $0xb8;
	[tilespmem:$0x18400] =	vst v63  }
0xd9: {  	v3 =	vld [tilespmem:$0x230];
	_ =	sdelay $0x4  }
0xda: {  	v51 =	vperm.xlane v3, v0;
	_ =	sdelay $0x1  }
0xdb: {  	v3 =	vperm.xlane v3, v2;
	v4 =	vadd.s32 v1, v51;
	_ =	sdelay $0x1  }
0xdc: {  	v3 =	vadd.s32 v1, v3;
	_ =	sdelay $0x1  }
0xdd: {  	s11 =	simm.s32 $0xB400  }
0xde: {  	[tilespmem:s11], [sflag:$0x4] =	stream.indirect_vreg.gather [hbm4b:s3+s1], $0x80, v4, vm0, $0xb8;
	[tilespmem:$0x18400] =	vst v63  }
0xdf: {  	s14 =	simm.s32 $0xBC00  }
0xe0: {  	[tilespmem:s14], [sflag:$0x4] =	stream.indirect_vreg.gather [hbm4b:s3+s1], $0x80, v3, vm0, $0xb8;
	[tilespmem:$0x18400] =	vst v63  }
0xe1: {  	v3 =	vld [tilespmem:$0x240];
	_ =	sdelay $0x4  }
0xe2: {  	v52 =	vperm.xlane v3, v0;
	_ =	sdelay $0x1  }
0xe3: {  	v3 =	vperm.xlane v3, v2;
	v4 =	vadd.s32 v1, v52;
	_ =	sdelay $0x1  }
0xe4: {  	v3 =	vadd.s32 v1, v3;
	_ =	sdelay $0x1  }
0xe5: {  	s21 =	simm.s32 $0xC400  }
0xe6: {  	[tilespmem:s21], [sflag:$0x4] =	stream.indirect_vreg.gather [hbm4b:s3+s1], $0x80, v4, vm0, $0xb8;
	[tilespmem:$0x18400] =	vst v63  }
0xe7: {  	s29 =	simm.s32 $0xCC00  }
0xe8: {  	[tilespmem:s29], [sflag:$0x4] =	stream.indirect_vreg.gather [hbm4b:s3+s1], $0x80, v3, vm0, $0xb8;
	[tilespmem:$0x18400] =	vst v63  }
0xe9: {  	v3 =	vld [tilespmem:$0x250];
	_ =	sdelay $0x4  }
0xea: {  	v53 =	vperm.xlane v3, v0;
	_ =	sdelay $0x1  }
0xeb: {  	v3 =	vperm.xlane v3, v2;
	v4 =	vadd.s32 v1, v53;
	_ =	sdelay $0x1  }
0xec: {  	v3 =	vadd.s32 v1, v3;
	_ =	sdelay $0x1  }
0xed: {  	s11 =	simm.s32 $0xD400  }
0xee: {  	[tilespmem:s11], [sflag:$0x4] =	stream.indirect_vreg.gather [hbm4b:s3+s1], $0x80, v4, vm0, $0xb8;
	[tilespmem:$0x18400] =	vst v63  }
0xef: {  	s14 =	simm.s32 $0xDC00  }
0xf0: {  	[tilespmem:s14], [sflag:$0x4] =	stream.indirect_vreg.gather [hbm4b:s3+s1], $0x80, v3, vm0, $0xb8;
	[tilespmem:$0x18400] =	vst v63  }
0xf1: {  	v3 =	vld [tilespmem:$0x260];
	_ =	sdelay $0x4  }
0xf2: {  	v54 =	vperm.xlane v3, v0;
	_ =	sdelay $0x1  }
0xf3: {  	v3 =	vperm.xlane v3, v2;
	v4 =	vadd.s32 v1, v54;
	_ =	sdelay $0x1  }
0xf4: {  	v3 =	vadd.s32 v1, v3;
	_ =	sdelay $0x1  }
0xf5: {  	s21 =	simm.s32 $0xE400  }
0xf6: {  	[tilespmem:s21], [sflag:$0x4] =	stream.indirect_vreg.gather [hbm4b:s3+s1], $0x80, v4, vm0, $0xb8;
	[tilespmem:$0x18400] =	vst v63  }
0xf7: {  	s29 =	simm.s32 $0xEC00  }
0xf8: {  	[tilespmem:s29], [sflag:$0x4] =	stream.indirect_vreg.gather [hbm4b:s3+s1], $0x80, v3, vm0, $0xb8;
	[tilespmem:$0x18400] =	vst v63  }
0xf9: {  	v3 =	vld [tilespmem:$0x270];
	_ =	sdelay $0x4  }
0xfa: {  	v55 =	vperm.xlane v3, v0;
	_ =	sdelay $0x1  }
0xfb: {  	v3 =	vperm.xlane v3, v2;
	v4 =	vadd.s32 v1, v55;
	_ =	sdelay $0x1  }
0xfc: {  	v3 =	vadd.s32 v1, v3;
	_ =	sdelay $0x1  }
0xfd: {  	s11 =	simm.s32 $0xF400  }
0xfe: {  	[tilespmem:s11], [sflag:$0x4] =	stream.indirect_vreg.gather [hbm4b:s3+s1], $0x80, v4, vm0, $0xb8;
	[tilespmem:$0x18400] =	vst v63  }
0xff: {  	s14 =	simm.s32 $0xFC00  }
0x100: {  	[tilespmem:s14], [sflag:$0x4] =	stream.indirect_vreg.gather [hbm4b:s3+s1], $0x80, v3, vm0, $0xb8;
	[tilespmem:$0x18400] =	vst v63  }
0x101: {  	v3 =	vld [tilespmem:$0x280];
	_ =	sdelay $0x4  }
0x102: {  	v56 =	vperm.xlane v3, v0;
	_ =	sdelay $0x1  }
0x103: {  	v3 =	vperm.xlane v3, v2;
	v4 =	vadd.s32 v1, v56;
	_ =	sdelay $0x1  }
0x104: {  	v3 =	vadd.s32 v1, v3;
	_ =	sdelay $0x1  }
0x105: {  	s21 =	simm.s32 $0x8800  }
0x106: {  	[tilespmem:s21], [sflag:$0x4] =	stream.indirect_vreg.gather [hbm4b:s4+s1], $0x80, v4, vm0, $0xb8;
	[tilespmem:$0x18400] =	vst v63  }
0x107: {  	s29 =	simm.s32 $0x9000  }
0x108: {  	[tilespmem:s29], [sflag:$0x4] =	stream.indirect_vreg.gather [hbm4b:s4+s1], $0x80, v3, vm0, $0xb8;
	[tilespmem:$0x18400] =	vst v63  }
0x109: {  	v3 =	vld [tilespmem:$0x290];
	_ =	sdelay $0x4  }
0x10a: {  	v57 =	vperm.xlane v3, v0;
	_ =	sdelay $0x1  }
0x10b: {  	v3 =	vperm.xlane v3, v2;
	v4 =	vadd.s32 v1, v57;
	_ =	sdelay $0x1  }
0x10c: {  	v3 =	vadd.s32 v1, v3;
	_ =	sdelay $0x1  }
0x10d: {  	s11 =	simm.s32 $0x9800  }
0x10e: {  	[tilespmem:s11], [sflag:$0x4] =	stream.indirect_vreg.gather [hbm4b:s4+s1], $0x80, v4, vm0, $0xb8;
	[tilespmem:$0x18400] =	vst v63  }
0x10f: {  	s14 =	simm.s32 $0xA000  }
0x110: {  	[tilespmem:s14], [sflag:$0x4] =	stream.indirect_vreg.gather [hbm4b:s4+s1], $0x80, v3, vm0, $0xb8;
	[tilespmem:$0x18400] =	vst v63  }
0x111: {  	v3 =	vld [tilespmem:$0x2A0];
	_ =	sdelay $0x4  }
0x112: {  	v58 =	vperm.xlane v3, v0;
	_ =	sdelay $0x1  }
0x113: {  	v3 =	vperm.xlane v3, v2;
	v4 =	vadd.s32 v1, v58;
	_ =	sdelay $0x1  }
0x114: {  	v3 =	vadd.s32 v1, v3;
	_ =	sdelay $0x1  }
0x115: {  	s21 =	simm.s32 $0xA800  }
0x116: {  	[tilespmem:s21], [sflag:$0x4] =	stream.indirect_vreg.gather [hbm4b:s4+s1], $0x80, v4, vm0, $0xb8;
	[tilespmem:$0x18400] =	vst v63  }
0x117: {  	s29 =	simm.s32 $0xB000  }
0x118: {  	[tilespmem:s29], [sflag:$0x4] =	stream.indirect_vreg.gather [hbm4b:s4+s1], $0x80, v3, vm0, $0xb8;
	[tilespmem:$0x18400] =	vst v63  }
0x119: {  	v3 =	vld [tilespmem:$0x2B0];
	_ =	sdelay $0x4  }
0x11a: {  	v59 =	vperm.xlane v3, v0;
	_ =	sdelay $0x1  }
0x11b: {  	v3 =	vperm.xlane v3, v2;
	v4 =	vadd.s32 v1, v59;
	_ =	sdelay $0x1  }
0x11c: {  	v3 =	vadd.s32 v1, v3;
	_ =	sdelay $0x1  }
0x11d: {  	s11 =	simm.s32 $0xB800  }
0x11e: {  	[tilespmem:s11], [sflag:$0x4] =	stream.indirect_vreg.gather [hbm4b:s4+s1], $0x80, v4, vm0, $0xb8;
	[tilespmem:$0x18400] =	vst v63  }
0x11f: {  	s14 =	simm.s32 $0xC000  }
0x120: {  	[tilespmem:s14], [sflag:$0x4] =	stream.indirect_vreg.gather [hbm4b:s4+s1], $0x80, v3, vm0, $0xb8;
	[tilespmem:$0x18400] =	vst v63  }
0x121: {  	v3 =	vld [tilespmem:$0x2C0];
	_ =	sdelay $0x4  }
0x122: {  	v60 =	vperm.xlane v3, v0;
	_ =	sdelay $0x1  }
0x123: {  	v3 =	vperm.xlane v3, v2;
	v4 =	vadd.s32 v1, v60;
	_ =	sdelay $0x1  }
0x124: {  	v3 =	vadd.s32 v1, v3;
	_ =	sdelay $0x2  }
0x125: {  	[tilespmem:s15], [sflag:$0x4] =	stream.indirect_vreg.gather [hbm4b:s4+s1], $0x80, v4, vm0, $0xb8;
	[tilespmem:$0x18400] =	vst v63  }
0x126: {  	_ = 	snop  }
0x127: {  	[tilespmem:s30], [sflag:$0x4] =	stream.indirect_vreg.gather [hbm4b:s4+s1], $0x80, v3, vm0, $0xb8;
	[tilespmem:$0x18400] =	vst v63  }
0x128: {  	v3 =	vld [tilespmem:$0x2D0];
	_ =	sdelay $0x4  }
0x129: {  	v61 =	vperm.xlane v3, v0;
	_ =	sdelay $0x1  }
0x12a: {  	v3 =	vperm.xlane v3, v2;
	v4 =	vadd.s32 v1, v61;
	_ =	sdelay $0x1  }
0x12b: {  	v3 =	vadd.s32 v1, v3;
	_ =	sdelay $0x2  }
0x12c: {  	[tilespmem:s16], [sflag:$0x4] =	stream.indirect_vreg.gather [hbm4b:s4+s1], $0x80, v4, vm0, $0xb8;
	[tilespmem:$0x18400] =	vst v63  }
0x12d: {  	_ = 	snop  }
0x12e: {  	[tilespmem:s31], [sflag:$0x4] =	stream.indirect_vreg.gather [hbm4b:s4+s1], $0x80, v3, vm0, $0xb8;
	[tilespmem:$0x18400] =	vst v63  }
0x12f: {  	v3 =	vld [tilespmem:$0x2E0];
	_ =	sdelay $0x4  }
0x130: {  	v62 =	vperm.xlane v3, v0;
	_ =	sdelay $0x1  }
0x131: {  	v3 =	vperm.xlane v3, v2;
	v4 =	vadd.s32 v1, v62;
	_ =	sdelay $0x1  }
0x132: {  	v3 =	vadd.s32 v1, v3;
	_ =	sdelay $0x2  }
0x133: {  	[tilespmem:s17], [sflag:$0x4] =	stream.indirect_vreg.gather [hbm4b:s4+s1], $0x80, v4, vm0, $0xb8;
	[tilespmem:$0x18400] =	vst v63  }
0x134: {  	_ = 	snop  }
0x135: {  	[tilespmem:s0], [sflag:$0x4] =	stream.indirect_vreg.gather [hbm4b:s4+s1], $0x80, v3, vm0, $0xb8;
	[tilespmem:$0x18400] =	vst v63  }
0x136: {  	v3 =	vld [tilespmem:$0x2F0];
	_ =	sdelay $0x4  }
0x137: {  	v63 =	vperm.xlane v3, v0;
	_ =	sdelay $0x1  }
0x138: {  	v3 =	vperm.xlane v3, v2;
	v4 =	vadd.s32 v1, v63;
	_ =	sdelay $0x1  }
0x139: {  	v3 =	vadd.s32 v1, v3;
	_ =	sdelay $0x2  }
0x13a: {  	[tilespmem:s18], [sflag:$0x4] =	stream.indirect_vreg.gather [hbm4b:s4+s1], $0x80, v4, vm0, $0xb8;
	[tilespmem:$0x18400] =	vst v63  }
0x13b: {  	_ = 	snop  }
0x13c: {  	[tilespmem:s2], [sflag:$0x4] =	stream.indirect_vreg.gather [hbm4b:s4+s1], $0x80, v3, vm0, $0xb8;
	[tilespmem:$0x18400] =	vst v63  }
0x13d: {  	_ = 	snop  }
0x13e: {  	[tilespmem:s6], [sflag:$0x4] =	stream.indirect.gather [hbm4b:s5+s23], $0x80, s22, s23, $0xb8;
	[tilespmem:$0x18400] =	vst v63  }
0x13f: {  	_ =	swait.ge [sflag:s19], $0x4000  }
0x140: {  	[sflag:s19] =	ssyncset.done $0x0  }
0x141: {  	[sflag:s19] =	ssyncadd.s32 $0xFFFFC000  }
0x142: {  	_ =	swait.ge [sflag:s19], $0x4000  }
0x143: {  	[sflag:s19] =	ssyncset.done $0x0  }
0x144: {  	[sflag:s19] =	ssyncadd.s32 $0xFFFFC000  }
0x145: {  	_ =	swait.ge [sflag:s19], $0x4000  }
0x146: {  	[sflag:s19] =	ssyncset.done $0x0  }
0x147: {  	s21 =	rddreg [dreg:$0x9];
	[sflag:s19] =	ssyncadd.s32 $0xFFFFC000  }
0x148: {  	[tilespmem:s1], [sflag:$0x1] =	stream.linear.gather [hbm4b:s21+s1], $0x80, $0x38;
	[tilespmem:$0x18400] =	vst v63  }
0x149: {  	s29 =	rddreg [dreg:$0xa]  }
0x14a: {  	[tilespmem:s23], [sflag:$0x1] =	stream.linear.gather [hbm4b:s29+s1], $0x80, $0x38;
	[tilespmem:$0x18400] =	vst v63  }
0x14b: {  	s10 =	simm.s32 $0x10480;
	s11 =	rddreg [dreg:$0xb]  }
0x14c: {  	[tilespmem:s24], [sflag:$0x1] =	stream.linear.gather [hbm4b:s11+s1], $0x80, $0x38;
	[tilespmem:$0x18400] =	vst v63  }
0x14d: {  	v3 =	vld [tilespmem:s10+$0xFFFFFF80];
	_ =	sdelay $0x1  }
0x14e: {  	s14 =	sand.u32 $0x7800, s1  }
0x14f: {  	s21 =	sand.u32 $0x300, s1;
	s11 =	sor.u32 $0x400, s14  }
0x150: {  	s21 =	sor.u32 s21, s11  }
0x151: {  	[tilespmem:s21+$0x440] =	vst v3  }
0x152: {  	v3 =	vld [tilespmem:s10+$0xFFFFFF90];
	_ =	sdelay $0x4  }
0x153: {  	[tilespmem:s21+$0x450] =	vst v3  }
0x154: {  	v3 =	vld [tilespmem:s10+$0xFFFFFFA0];
	_ =	sdelay $0x4  }
0x155: {  	[tilespmem:s21+$0x460] =	vst v3  }
0x156: {  	v3 =	vld [tilespmem:s10+$0xFFFFFFB0];
	_ =	sdelay $0x4  }
0x157: {  	[tilespmem:s21+$0x470] =	vst v3  }
0x158: {  	v3 =	vld [tilespmem:s10+$0x0];
	_ =	sdelay $0x1  }
0x159: {  	s29 =	simm.s32 $0x80  }
0x15a: {  	s21 =	sand.u32 $0x380, s29  }
0x15b: {  	s11 =	sor.u32 s21, s11  }
0x15c: {  	[tilespmem:s11+$0x440] =	vst v3  }
0x15d: {  	v3 =	vld [tilespmem:s10+$0x10];
	_ =	sdelay $0x4  }
0x15e: {  	[tilespmem:s11+$0x450] =	vst v3  }
0x15f: {  	v3 =	vld [tilespmem:s10+$0x20];
	_ =	sdelay $0x4  }
0x160: {  	[tilespmem:s11+$0x460] =	vst v3  }
0x161: {  	v3 =	vld [tilespmem:s10+$0x30];
	_ =	sdelay $0x3  }
0x162: {  	s28 =	simm.s32 $0x0  }
0x163: {  	s21 =	simm.s32 $0x10580;
	s10 =	simm.s32 $0x0;
	[tilespmem:s11+$0x470] =	vst v3;
	s11 =	simm.s32 $0x0  }
.LBB2_2:
0x164: {  	v3 =	vld [tilespmem:s21+$0xFFFFFF80];
	s10 =	sadd.s32 $0x2, s10  }
0x165: {  	s11 =	sadd.s32 $0x200, s11;
	p0 =	slt.u32 s10, $0x7E  }
0x166: {  	s28 =	sadd.s32 $0x100, s28;
	s14 =	sand.u32 $0x7800, s11  }
0x167: {  	s29 =	sand.u32 $0x300, s28;
	s14 =	sor.u32 $0x400, s14  }
0x168: {  	s29 =	sor.u32 s29, s14  }
0x169: {  	[tilespmem:s29+$0x440] =	vst v3  }
0x16a: {  	v3 =	vld [tilespmem:s21+$0xFFFFFF90];
	_ =	sdelay $0x4  }
0x16b: {  	[tilespmem:s29+$0x450] =	vst v3  }
0x16c: {  	v3 =	vld [tilespmem:s21+$0xFFFFFFA0];
	_ =	sdelay $0x4  }
0x16d: {  	[tilespmem:s29+$0x460] =	vst v3  }
0x16e: {  	v3 =	vld [tilespmem:s21+$0xFFFFFFB0];
	_ =	sdelay $0x4  }
0x16f: {  	[tilespmem:s29+$0x470] =	vst v3  }
0x170: {  	v3 =	vld [tilespmem:s21+$0x0];
	_ =	sdelay $0x1  }
0x171: {  	s29 =	sadd.s32 $0x80, s28  }
0x172: {  	s29 =	sand.u32 $0x380, s29  }
0x173: {  	s14 =	sor.u32 s29, s14  }
0x174: {  	[tilespmem:s14+$0x440] =	vst v3  }
0x175: {  	v3 =	vld [tilespmem:s21+$0x10];
	_ =	sdelay $0x4  }
0x176: {  	[tilespmem:s14+$0x450] =	vst v3  }
0x177: {  	v3 =	vld [tilespmem:s21+$0x20];
	_ =	sdelay $0x4  }
0x178: {  	[tilespmem:s14+$0x460] =	vst v3  }
0x179: {  	v3 =	vld [tilespmem:s21+$0x30]  }
.Ltmp0:
0x17a: {  	(pc) =	sbr.rel @p0 .LBB2_2-.Ltmp0, $2  }
0x17b: {  	_ =	sdelay $0x2  }
0x17c: {  	s21 =	sadd.s32 $0x100, s21;
	[tilespmem:s14+$0x470] =	vst v3  }
0x17d: {  	s10 =	simm.s32 $0x0;
	s11 =	rddreg [dreg:$0xc]  }
0x17e: {  	[hbm4b:s11+s10] =	stream.linear.scatter [tilespmem:s26], [sflag:$0x5], $0x8000, $0x38;
	[tilespmem:$0x18400] =	vst v63  }
0x17f: {  	_ =	swait.ge [sflag:s7], $0x8000  }
0x180: {  	[sflag:s7] =	ssyncset.done $0x0  }
0x181: {  	[sflag:s7] =	ssyncadd.s32 $0xFFFF8000  }
0x182: {  	_ =	swait.ge [sflag:s25], $0x80  }
0x183: {  	[sflag:s25] =	ssyncset.done $0x0  }
0x184: {  	[sflag:s25] =	ssyncadd.s32 $0xFFFFFF80  }
0x185: {  	_ =	swait.ge [sflag:s25], $0x80  }
0x186: {  	[sflag:s25] =	ssyncset.done $0x0  }
0x187: {  	[sflag:s25] =	ssyncadd.s32 $0xFFFFFF80  }
0x188: {  	_ =	swait.ge [sflag:s25], $0x80  }
0x189: {  	[sflag:s25] =	ssyncset.done $0x0  }
0x18a: {  	[sflag:s25] =	ssyncadd.s32 $0xFFFFFF80  }
0x18b: {  	v3 =	vld [tilespmem:$0x0];
	_ =	sdelay $0x4  }
0x18c: {  	v4 =	vperm.xlane v3, v0;
	_ =	sdelay $0x1  }
0x18d: {  	v3 =	vperm.xlane v3, v2;
	v4 =	vadd.s32 v1, v4;
	_ =	sdelay $0x1  }
0x18e: {  	v3 =	vadd.s32 v1, v3;
	_ =	sdelay $0x2  }
0x18f: {  	[tilespmem:s26], [sflag:$0x3] =	stream.indirect_vreg.gather [hbm4b:s3+s10], $0x80, v4, vm0, $0xb8;
	[tilespmem:$0x18400] =	vst v63  }
0x190: {  	s29 =	simm.s32 $0xC00  }
0x191: {  	[tilespmem:s29], [sflag:$0x3] =	stream.indirect_vreg.gather [hbm4b:s3+s10], $0x80, v3, vm0, $0xb8;
	[tilespmem:$0x18400] =	vst v63  }
0x192: {  	v3 =	vld [tilespmem:$0x10];
	_ =	sdelay $0x4  }
0x193: {  	v49 =	vperm.xlane v3, v0;
	_ =	sdelay $0x1  }
0x194: {  	v3 =	vperm.xlane v3, v2;
	v4 =	vadd.s32 v1, v49;
	_ =	sdelay $0x1  }
0x195: {  	v3 =	vadd.s32 v1, v3;
	_ =	sdelay $0x1  }
0x196: {  	s14 =	simm.s32 $0x1400  }
0x197: {  	[tilespmem:s14], [sflag:$0x3] =	stream.indirect_vreg.gather [hbm4b:s3+s10], $0x80, v4, vm0, $0xb8;
	[tilespmem:$0x18400] =	vst v63  }
0x198: {  	s21 =	simm.s32 $0x1C00  }
0x199: {  	[tilespmem:s21], [sflag:$0x3] =	stream.indirect_vreg.gather [hbm4b:s3+s10], $0x80, v3, vm0, $0xb8;
	[tilespmem:$0x18400] =	vst v63  }
0x19a: {  	v3 =	vld [tilespmem:$0x20];
	_ =	sdelay $0x4  }
0x19b: {  	v50 =	vperm.xlane v3, v0;
	_ =	sdelay $0x1  }
0x19c: {  	v3 =	vperm.xlane v3, v2;
	v4 =	vadd.s32 v1, v50;
	_ =	sdelay $0x1  }
0x19d: {  	v3 =	vadd.s32 v1, v3;
	_ =	sdelay $0x1  }
0x19e: {  	s29 =	simm.s32 $0x2400  }
0x19f: {  	[tilespmem:s29], [sflag:$0x3] =	stream.indirect_vreg.gather [hbm4b:s3+s10], $0x80, v4, vm0, $0xb8;
	[tilespmem:$0x18400] =	vst v63  }
0x1a0: {  	s14 =	simm.s32 $0x2C00  }
0x1a1: {  	[tilespmem:s14], [sflag:$0x3] =	stream.indirect_vreg.gather [hbm4b:s3+s10], $0x80, v3, vm0, $0xb8;
	[tilespmem:$0x18400] =	vst v63  }
0x1a2: {  	v3 =	vld [tilespmem:$0x30];
	_ =	sdelay $0x4  }
0x1a3: {  	v51 =	vperm.xlane v3, v0;
	_ =	sdelay $0x1  }
0x1a4: {  	v3 =	vperm.xlane v3, v2;
	v4 =	vadd.s32 v1, v51;
	_ =	sdelay $0x1  }
0x1a5: {  	v3 =	vadd.s32 v1, v3;
	_ =	sdelay $0x1  }
0x1a6: {  	s21 =	simm.s32 $0x3400  }
0x1a7: {  	[tilespmem:s21], [sflag:$0x3] =	stream.indirect_vreg.gather [hbm4b:s3+s10], $0x80, v4, vm0, $0xb8;
	[tilespmem:$0x18400] =	vst v63  }
0x1a8: {  	s29 =	simm.s32 $0x3C00  }
0x1a9: {  	[tilespmem:s29], [sflag:$0x3] =	stream.indirect_vreg.gather [hbm4b:s3+s10], $0x80, v3, vm0, $0xb8;
	[tilespmem:$0x18400] =	vst v63  }
0x1aa: {  	v3 =	vld [tilespmem:$0x40];
	_ =	sdelay $0x4  }
0x1ab: {  	v52 =	vperm.xlane v3, v0;
	_ =	sdelay $0x1  }
0x1ac: {  	v3 =	vperm.xlane v3, v2;
	v4 =	vadd.s32 v1, v52;
	_ =	sdelay $0x1  }
0x1ad: {  	v3 =	vadd.s32 v1, v3;
	_ =	sdelay $0x1  }
0x1ae: {  	s14 =	simm.s32 $0x4400  }
0x1af: {  	[tilespmem:s14], [sflag:$0x3] =	stream.indirect_vreg.gather [hbm4b:s3+s10], $0x80, v4, vm0, $0xb8;
	[tilespmem:$0x18400] =	vst v63  }
0x1b0: {  	s21 =	simm.s32 $0x4C00  }
0x1b1: {  	[tilespmem:s21], [sflag:$0x3] =	stream.indirect_vreg.gather [hbm4b:s3+s10], $0x80, v3, vm0, $0xb8;
	[tilespmem:$0x18400] =	vst v63  }
0x1b2: {  	v3 =	vld [tilespmem:$0x50];
	_ =	sdelay $0x4  }
0x1b3: {  	v53 =	vperm.xlane v3, v0;
	_ =	sdelay $0x1  }
0x1b4: {  	v3 =	vperm.xlane v3, v2;
	v4 =	vadd.s32 v1, v53;
	_ =	sdelay $0x1  }
0x1b5: {  	v3 =	vadd.s32 v1, v3;
	_ =	sdelay $0x1  }
0x1b6: {  	s29 =	simm.s32 $0x5400  }
0x1b7: {  	[tilespmem:s29], [sflag:$0x3] =	stream.indirect_vreg.gather [hbm4b:s3+s10], $0x80, v4, vm0, $0xb8;
	[tilespmem:$0x18400] =	vst v63  }
0x1b8: {  	s14 =	simm.s32 $0x5C00  }
0x1b9: {  	[tilespmem:s14], [sflag:$0x3] =	stream.indirect_vreg.gather [hbm4b:s3+s10], $0x80, v3, vm0, $0xb8;
	[tilespmem:$0x18400] =	vst v63  }
0x1ba: {  	v3 =	vld [tilespmem:$0x60];
	_ =	sdelay $0x4  }
0x1bb: {  	v54 =	vperm.xlane v3, v0;
	_ =	sdelay $0x1  }
0x1bc: {  	v3 =	vperm.xlane v3, v2;
	v4 =	vadd.s32 v1, v54;
	_ =	sdelay $0x1  }
0x1bd: {  	v3 =	vadd.s32 v1, v3;
	_ =	sdelay $0x1  }
0x1be: {  	s21 =	simm.s32 $0x6400  }
0x1bf: {  	[tilespmem:s21], [sflag:$0x3] =	stream.indirect_vreg.gather [hbm4b:s3+s10], $0x80, v4, vm0, $0xb8;
	[tilespmem:$0x18400] =	vst v63  }
0x1c0: {  	s29 =	simm.s32 $0x6C00  }
0x1c1: {  	[tilespmem:s29], [sflag:$0x3] =	stream.indirect_vreg.gather [hbm4b:s3+s10], $0x80, v3, vm0, $0xb8;
	[tilespmem:$0x18400] =	vst v63  }
0x1c2: {  	v3 =	vld [tilespmem:$0x70];
	_ =	sdelay $0x4  }
0x1c3: {  	v55 =	vperm.xlane v3, v0;
	_ =	sdelay $0x1  }
0x1c4: {  	v3 =	vperm.xlane v3, v2;
	v4 =	vadd.s32 v1, v55;
	_ =	sdelay $0x1  }
0x1c5: {  	v3 =	vadd.s32 v1, v3;
	_ =	sdelay $0x1  }
0x1c6: {  	s14 =	simm.s32 $0x7400  }
0x1c7: {  	[tilespmem:s14], [sflag:$0x3] =	stream.indirect_vreg.gather [hbm4b:s3+s10], $0x80, v4, vm0, $0xb8;
	[tilespmem:$0x18400] =	vst v63  }
0x1c8: {  	s21 =	simm.s32 $0x7C00  }
0x1c9: {  	[tilespmem:s21], [sflag:$0x3] =	stream.indirect_vreg.gather [hbm4b:s3+s10], $0x80, v3, vm0, $0xb8;
	[tilespmem:$0x18400] =	vst v63  }
0x1ca: {  	v3 =	vld [tilespmem:$0x80];
	_ =	sdelay $0x4  }
0x1cb: {  	v56 =	vperm.xlane v3, v0;
	_ =	sdelay $0x1  }
0x1cc: {  	v3 =	vperm.xlane v3, v2;
	v4 =	vadd.s32 v1, v56;
	_ =	sdelay $0x1  }
0x1cd: {  	v3 =	vadd.s32 v1, v3;
	_ =	sdelay $0x1  }
0x1ce: {  	s29 =	simm.s32 $0x800  }
0x1cf: {  	[tilespmem:s29], [sflag:$0x3] =	stream.indirect_vreg.gather [hbm4b:s4+s10], $0x80, v4, vm0, $0xb8;
	[tilespmem:$0x18400] =	vst v63  }
0x1d0: {  	s14 =	simm.s32 $0x1000  }
0x1d1: {  	[tilespmem:s14], [sflag:$0x3] =	stream.indirect_vreg.gather [hbm4b:s4+s10], $0x80, v3, vm0, $0xb8;
	[tilespmem:$0x18400] =	vst v63  }
0x1d2: {  	v3 =	vld [tilespmem:$0x90];
	_ =	sdelay $0x4  }
0x1d3: {  	v57 =	vperm.xlane v3, v0;
	_ =	sdelay $0x1  }
0x1d4: {  	v3 =	vperm.xlane v3, v2;
	v4 =	vadd.s32 v1, v57;
	_ =	sdelay $0x1  }
0x1d5: {  	v3 =	vadd.s32 v1, v3;
	_ =	sdelay $0x1  }
0x1d6: {  	s21 =	simm.s32 $0x1800  }
0x1d7: {  	[tilespmem:s21], [sflag:$0x3] =	stream.indirect_vreg.gather [hbm4b:s4+s10], $0x80, v4, vm0, $0xb8;
	[tilespmem:$0x18400] =	vst v63  }
0x1d8: {  	s29 =	simm.s32 $0x2000  }
0x1d9: {  	[tilespmem:s29], [sflag:$0x3] =	stream.indirect_vreg.gather [hbm4b:s4+s10], $0x80, v3, vm0, $0xb8;
	[tilespmem:$0x18400] =	vst v63  }
0x1da: {  	v3 =	vld [tilespmem:$0xA0];
	_ =	sdelay $0x4  }
0x1db: {  	v58 =	vperm.xlane v3, v0;
	_ =	sdelay $0x1  }
0x1dc: {  	v3 =	vperm.xlane v3, v2;
	v4 =	vadd.s32 v1, v58;
	_ =	sdelay $0x1  }
0x1dd: {  	v3 =	vadd.s32 v1, v3;
	_ =	sdelay $0x1  }
0x1de: {  	s14 =	simm.s32 $0x2800  }
0x1df: {  	[tilespmem:s14], [sflag:$0x3] =	stream.indirect_vreg.gather [hbm4b:s4+s10], $0x80, v4, vm0, $0xb8;
	[tilespmem:$0x18400] =	vst v63  }
0x1e0: {  	s21 =	simm.s32 $0x3000  }
0x1e1: {  	[tilespmem:s21], [sflag:$0x3] =	stream.indirect_vreg.gather [hbm4b:s4+s10], $0x80, v3, vm0, $0xb8;
	[tilespmem:$0x18400] =	vst v63  }
0x1e2: {  	v3 =	vld [tilespmem:$0xB0];
	_ =	sdelay $0x4  }
0x1e3: {  	v59 =	vperm.xlane v3, v0;
	_ =	sdelay $0x1  }
0x1e4: {  	v3 =	vperm.xlane v3, v2;
	v4 =	vadd.s32 v1, v59;
	_ =	sdelay $0x1  }
0x1e5: {  	v3 =	vadd.s32 v1, v3;
	_ =	sdelay $0x1  }
0x1e6: {  	s29 =	simm.s32 $0x3800  }
0x1e7: {  	[tilespmem:s29], [sflag:$0x3] =	stream.indirect_vreg.gather [hbm4b:s4+s10], $0x80, v4, vm0, $0xb8;
	[tilespmem:$0x18400] =	vst v63  }
0x1e8: {  	s14 =	simm.s32 $0x4000  }
0x1e9: {  	[tilespmem:s14], [sflag:$0x3] =	stream.indirect_vreg.gather [hbm4b:s4+s10], $0x80, v3, vm0, $0xb8;
	[tilespmem:$0x18400] =	vst v63  }
0x1ea: {  	v3 =	vld [tilespmem:$0xC0];
	_ =	sdelay $0x4  }
0x1eb: {  	v60 =	vperm.xlane v3, v0;
	_ =	sdelay $0x1  }
0x1ec: {  	v3 =	vperm.xlane v3, v2;
	v4 =	vadd.s32 v1, v60;
	_ =	sdelay $0x1  }
0x1ed: {  	v3 =	vadd.s32 v1, v3;
	_ =	sdelay $0x1  }
0x1ee: {  	s21 =	simm.s32 $0x4800  }
0x1ef: {  	[tilespmem:s21], [sflag:$0x3] =	stream.indirect_vreg.gather [hbm4b:s4+s10], $0x80, v4, vm0, $0xb8;
	[tilespmem:$0x18400] =	vst v63  }
0x1f0: {  	s29 =	simm.s32 $0x5000  }
0x1f1: {  	[tilespmem:s29], [sflag:$0x3] =	stream.indirect_vreg.gather [hbm4b:s4+s10], $0x80, v3, vm0, $0xb8;
	[tilespmem:$0x18400] =	vst v63  }
0x1f2: {  	v3 =	vld [tilespmem:$0xD0];
	_ =	sdelay $0x4  }
0x1f3: {  	v61 =	vperm.xlane v3, v0;
	_ =	sdelay $0x1  }
0x1f4: {  	v3 =	vperm.xlane v3, v2;
	v4 =	vadd.s32 v1, v61;
	_ =	sdelay $0x1  }
0x1f5: {  	v3 =	vadd.s32 v1, v3;
	_ =	sdelay $0x1  }
0x1f6: {  	s14 =	simm.s32 $0x5800  }
0x1f7: {  	[tilespmem:s14], [sflag:$0x3] =	stream.indirect_vreg.gather [hbm4b:s4+s10], $0x80, v4, vm0, $0xb8;
	[tilespmem:$0x18400] =	vst v63  }
0x1f8: {  	s21 =	simm.s32 $0x6000  }
0x1f9: {  	[tilespmem:s21], [sflag:$0x3] =	stream.indirect_vreg.gather [hbm4b:s4+s10], $0x80, v3, vm0, $0xb8;
	[tilespmem:$0x18400] =	vst v63  }
0x1fa: {  	v3 =	vld [tilespmem:$0xE0];
	_ =	sdelay $0x4  }
0x1fb: {  	v62 =	vperm.xlane v3, v0;
	_ =	sdelay $0x1  }
0x1fc: {  	v3 =	vperm.xlane v3, v2;
	v4 =	vadd.s32 v1, v62;
	_ =	sdelay $0x1  }
0x1fd: {  	v3 =	vadd.s32 v1, v3;
	_ =	sdelay $0x1  }
0x1fe: {  	s29 =	simm.s32 $0x6800  }
0x1ff: {  	[tilespmem:s29], [sflag:$0x3] =	stream.indirect_vreg.gather [hbm4b:s4+s10], $0x80, v4, vm0, $0xb8;
	[tilespmem:$0x18400] =	vst v63  }
0x200: {  	s14 =	simm.s32 $0x7000  }
0x201: {  	[tilespmem:s14], [sflag:$0x3] =	stream.indirect_vreg.gather [hbm4b:s4+s10], $0x80, v3, vm0, $0xb8;
	[tilespmem:$0x18400] =	vst v63  }
0x202: {  	v3 =	vld [tilespmem:$0xF0];
	_ =	sdelay $0x4  }
0x203: {  	v63 =	vperm.xlane v3, v0;
	_ =	sdelay $0x1  }
0x204: {  	v3 =	vperm.xlane v3, v2;
	v4 =	vadd.s32 v1, v63;
	_ =	sdelay $0x1  }
0x205: {  	v3 =	vadd.s32 v1, v3;
	_ =	sdelay $0x1  }
0x206: {  	s21 =	simm.s32 $0x7800  }
0x207: {  	[tilespmem:s21], [sflag:$0x3] =	stream.indirect_vreg.gather [hbm4b:s4+s10], $0x80, v4, vm0, $0xb8;
	[tilespmem:$0x18400] =	vst v63  }
0x208: {  	s29 =	simm.s32 $0x8000  }
0x209: {  	[tilespmem:s29], [sflag:$0x3] =	stream.indirect_vreg.gather [hbm4b:s4+s10], $0x80, v3, vm0, $0xb8;
	[tilespmem:$0x18400] =	vst v63  }
0x20a: {  	s14 =	simm.s32 $0x10400;
	s21 =	simm.s32 $0x80  }
0x20b: {  	[tilespmem:s14], [sflag:$0x3] =	stream.indirect.gather [hbm4b:s5+s21], $0x80, s24, s21, $0xb8;
	[tilespmem:$0x18400] =	vst v63  }
0x20c: {  	_ =	swait.ge [sflag:s8], $0x4000  }
0x20d: {  	[sflag:s8] =	ssyncset.done $0x0  }
0x20e: {  	[sflag:s8] =	ssyncadd.s32 $0xFFFFC000  }
0x20f: {  	_ =	swait.ge [sflag:s8], $0x4000  }
0x210: {  	[sflag:s8] =	ssyncset.done $0x0  }
0x211: {  	[sflag:s8] =	ssyncadd.s32 $0xFFFFC000  }
0x212: {  	_ =	swait.ge [sflag:s8], $0x4000  }
0x213: {  	[sflag:s8] =	ssyncset.done $0x0  }
0x214: {  	s14 =	simm.s32 $0x200;
	s29 =	rddreg [dreg:$0xd];
	[sflag:s8] =	ssyncadd.s32 $0xFFFFC000  }
0x215: {  	[tilespmem:s14], [sflag:$0x2] =	stream.linear.gather [hbm4b:s29+s10], $0x80, $0x38;
	[tilespmem:$0x18400] =	vst v63  }
0x216: {  	s14 =	rddreg [dreg:$0xe];
	s29 =	simm.s32 $0x280  }
0x217: {  	[tilespmem:s29], [sflag:$0x2] =	stream.linear.gather [hbm4b:s14+s10], $0x80, $0x38;
	[tilespmem:$0x18400] =	vst v63  }
0x218: {  	s11 =	simm.s32 $0x144B0;
	s14 =	rddreg [dreg:$0xf]  }
0x219: {  	[tilespmem:s22], [sflag:$0x2] =	stream.linear.gather [hbm4b:s14+s10], $0x80, $0x38;
	[tilespmem:$0x18400] =	vst v63  }
0x21a: {  	v3 =	vld [tilespmem:s11+$0xFFFFFF50];
	_ =	sdelay $0x1  }
0x21b: {  	s28 =	sand.u32 $0x7800, s10;
	s29 =	simm.s32 $0x0  }
0x21c: {  	s28 =	sor.u32 $0x400, s28;
	s14 =	sand.u32 $0x300, s29  }
0x21d: {  	s14 =	sor.u32 s14, s28  }
0x21e: {  	[tilespmem:s14+$0x8440] =	vst v3  }
0x21f: {  	v3 =	vld [tilespmem:s11+$0xFFFFFF60];
	_ =	sdelay $0x4  }
0x220: {  	[tilespmem:s14+$0x8450] =	vst v3  }
0x221: {  	v3 =	vld [tilespmem:s11+$0xFFFFFF70];
	_ =	sdelay $0x4  }
0x222: {  	[tilespmem:s14+$0x8460] =	vst v3  }
0x223: {  	v3 =	vld [tilespmem:s11+$0xFFFFFF80];
	_ =	sdelay $0x4  }
0x224: {  	[tilespmem:s14+$0x8470] =	vst v3  }
0x225: {  	v3 =	vld [tilespmem:s11+$0xFFFFFFD0];
	_ =	sdelay $0x2  }
0x226: {  	s29 =	sand.u32 $0x380, s21  }
0x227: {  	s14 =	sor.u32 s29, s28  }
0x228: {  	[tilespmem:s14+$0x8440] =	vst v3  }
0x229: {  	v3 =	vld [tilespmem:s11+$0xFFFFFFE0];
	_ =	sdelay $0x4  }
0x22a: {  	[tilespmem:s14+$0x8450] =	vst v3  }
0x22b: {  	v3 =	vld [tilespmem:s11+$0xFFFFFFF0];
	_ =	sdelay $0x4  }
0x22c: {  	[tilespmem:s14+$0x8460] =	vst v3  }
0x22d: {  	v3 =	vld [tilespmem:s11+$0x0];
	_ =	sdelay $0x4  }
0x22e: {  	s28 =	simm.s32 $0x145B0;
	s11 =	simm.s32 $0x0;
	[tilespmem:s14+$0x8470] =	vst v3  }
.LBB2_4:
0x22f: {  	v3 =	vld [tilespmem:s28+$0xFFFFFF50];
	s11 =	sadd.s32 $0x2, s11  }
0x230: {  	s10 =	sadd.s32 $0x200, s10;
	s21 =	sadd.s32 $0x100, s21;
	p0 =	slt.u32 s11, $0x7E  }
0x231: {  	s14 =	sadd.s32 $0xFFFFFF80, s21;
	s29 =	sand.u32 $0x7800, s10  }
0x232: {  	s14 =	sand.u32 $0x300, s14;
	s29 =	sor.u32 $0x400, s29  }
0x233: {  	s14 =	sor.u32 s14, s29  }
0x234: {  	[tilespmem:s14+$0x8440] =	vst v3  }
0x235: {  	v3 =	vld [tilespmem:s28+$0xFFFFFF60];
	_ =	sdelay $0x4  }
0x236: {  	[tilespmem:s14+$0x8450] =	vst v3  }
0x237: {  	v3 =	vld [tilespmem:s28+$0xFFFFFF70];
	_ =	sdelay $0x4  }
0x238: {  	[tilespmem:s14+$0x8460] =	vst v3  }
0x239: {  	v3 =	vld [tilespmem:s28+$0xFFFFFF80];
	_ =	sdelay $0x4  }
0x23a: {  	[tilespmem:s14+$0x8470] =	vst v3  }
0x23b: {  	v3 =	vld [tilespmem:s28+$0xFFFFFFD0];
	_ =	sdelay $0x2  }
0x23c: {  	s14 =	sand.u32 $0x380, s21  }
0x23d: {  	s14 =	sor.u32 s14, s29  }
0x23e: {  	[tilespmem:s14+$0x8440] =	vst v3  }
0x23f: {  	v3 =	vld [tilespmem:s28+$0xFFFFFFE0];
	_ =	sdelay $0x4  }
0x240: {  	[tilespmem:s14+$0x8450] =	vst v3  }
0x241: {  	v3 =	vld [tilespmem:s28+$0xFFFFFFF0];
	_ =	sdelay $0x4  }
0x242: {  	[tilespmem:s14+$0x8460] =	vst v3  }
0x243: {  	v3 =	vld [tilespmem:s28+$0x0]  }
.Ltmp1:
0x244: {  	(pc) =	sbr.rel @p0 .LBB2_4-.Ltmp1, $2  }
0x245: {  	_ =	sdelay $0x2  }
0x246: {  	s28 =	sadd.s32 $0x100, s28;
	[tilespmem:s14+$0x8470] =	vst v3  }
0x247: {  	s10 =	simm.s32 $0x0;
	s11 =	rddreg [dreg:$0x10]  }
0x248: {  	[hbm4b:s11+s10] =	stream.linear.scatter [tilespmem:s13], [sflag:$0x6], $0x8000, $0x38;
	[tilespmem:$0x18400] =	vst v63  }
0x249: {  	_ =	swait.ge [sflag:s9], $0x8000  }
0x24a: {  	[sflag:s9] =	ssyncset.done $0x0  }
0x24b: {  	[sflag:s9] =	ssyncadd.s32 $0xFFFF8000  }
0x24c: {  	_ =	swait.ge [sflag:s12], $0x80  }
0x24d: {  	[sflag:s12] =	ssyncset.done $0x0  }
0x24e: {  	[sflag:s12] =	ssyncadd.s32 $0xFFFFFF80  }
0x24f: {  	_ =	swait.ge [sflag:s12], $0x80  }
0x250: {  	[sflag:s12] =	ssyncset.done $0x0  }
0x251: {  	[sflag:s12] =	ssyncadd.s32 $0xFFFFFF80  }
0x252: {  	_ =	swait.ge [sflag:s12], $0x80  }
0x253: {  	[sflag:s12] =	ssyncset.done $0x0  }
0x254: {  	[sflag:s12] =	ssyncadd.s32 $0xFFFFFF80  }
0x255: {  	v3 =	vld [tilespmem:$0x200];
	_ =	sdelay $0x4  }
0x256: {  	v4 =	vperm.xlane v3, v0;
	_ =	sdelay $0x1  }
0x257: {  	v3 =	vperm.xlane v3, v2;
	v4 =	vadd.s32 v1, v4;
	_ =	sdelay $0x1  }
0x258: {  	v3 =	vadd.s32 v1, v3;
	_ =	sdelay $0x2  }
0x259: {  	[tilespmem:s13], [sflag:$0x4] =	stream.indirect_vreg.gather [hbm4b:s3+s10], $0x80, v4, vm0, $0xb8;
	[tilespmem:$0x18400] =	vst v63  }
0x25a: {  	s14 =	simm.s32 $0x8C00  }
0x25b: {  	[tilespmem:s14], [sflag:$0x4] =	stream.indirect_vreg.gather [hbm4b:s3+s10], $0x80, v3, vm0, $0xb8;
	[tilespmem:$0x18400] =	vst v63  }
0x25c: {  	v3 =	vld [tilespmem:$0x210];
	_ =	sdelay $0x4  }
0x25d: {  	v49 =	vperm.xlane v3, v0;
	_ =	sdelay $0x1  }
0x25e: {  	v3 =	vperm.xlane v3, v2;
	v4 =	vadd.s32 v1, v49;
	_ =	sdelay $0x1  }
0x25f: {  	v3 =	vadd.s32 v1, v3;
	_ =	sdelay $0x1  }
0x260: {  	s21 =	simm.s32 $0x9400  }
0x261: {  	[tilespmem:s21], [sflag:$0x4] =	stream.indirect_vreg.gather [hbm4b:s3+s10], $0x80, v4, vm0, $0xb8;
	[tilespmem:$0x18400] =	vst v63  }
0x262: {  	s29 =	simm.s32 $0x9C00  }
0x263: {  	[tilespmem:s29], [sflag:$0x4] =	stream.indirect_vreg.gather [hbm4b:s3+s10], $0x80, v3, vm0, $0xb8;
	[tilespmem:$0x18400] =	vst v63  }
0x264: {  	v3 =	vld [tilespmem:$0x220];
	_ =	sdelay $0x4  }
0x265: {  	v50 =	vperm.xlane v3, v0;
	_ =	sdelay $0x1  }
0x266: {  	v3 =	vperm.xlane v3, v2;
	v4 =	vadd.s32 v1, v50;
	_ =	sdelay $0x1  }
0x267: {  	v3 =	vadd.s32 v1, v3;
	_ =	sdelay $0x1  }
0x268: {  	s14 =	simm.s32 $0xA400  }
0x269: {  	[tilespmem:s14], [sflag:$0x4] =	stream.indirect_vreg.gather [hbm4b:s3+s10], $0x80, v4, vm0, $0xb8;
	[tilespmem:$0x18400] =	vst v63  }
0x26a: {  	s21 =	simm.s32 $0xAC00  }
0x26b: {  	[tilespmem:s21], [sflag:$0x4] =	stream.indirect_vreg.gather [hbm4b:s3+s10], $0x80, v3, vm0, $0xb8;
	[tilespmem:$0x18400] =	vst v63  }
0x26c: {  	v3 =	vld [tilespmem:$0x230];
	_ =	sdelay $0x4  }
0x26d: {  	v51 =	vperm.xlane v3, v0;
	_ =	sdelay $0x1  }
0x26e: {  	v3 =	vperm.xlane v3, v2;
	v4 =	vadd.s32 v1, v51;
	_ =	sdelay $0x1  }
0x26f: {  	v3 =	vadd.s32 v1, v3;
	_ =	sdelay $0x1  }
0x270: {  	s29 =	simm.s32 $0xB400  }
0x271: {  	[tilespmem:s29], [sflag:$0x4] =	stream.indirect_vreg.gather [hbm4b:s3+s10], $0x80, v4, vm0, $0xb8;
	[tilespmem:$0x18400] =	vst v63  }
0x272: {  	s14 =	simm.s32 $0xBC00  }
0x273: {  	[tilespmem:s14], [sflag:$0x4] =	stream.indirect_vreg.gather [hbm4b:s3+s10], $0x80, v3, vm0, $0xb8;
	[tilespmem:$0x18400] =	vst v63  }
0x274: {  	v3 =	vld [tilespmem:$0x240];
	_ =	sdelay $0x4  }
0x275: {  	v52 =	vperm.xlane v3, v0;
	_ =	sdelay $0x1  }
0x276: {  	v3 =	vperm.xlane v3, v2;
	v4 =	vadd.s32 v1, v52;
	_ =	sdelay $0x1  }
0x277: {  	v3 =	vadd.s32 v1, v3;
	_ =	sdelay $0x1  }
0x278: {  	s21 =	simm.s32 $0xC400  }
0x279: {  	[tilespmem:s21], [sflag:$0x4] =	stream.indirect_vreg.gather [hbm4b:s3+s10], $0x80, v4, vm0, $0xb8;
	[tilespmem:$0x18400] =	vst v63  }
0x27a: {  	s29 =	simm.s32 $0xCC00  }
0x27b: {  	[tilespmem:s29], [sflag:$0x4] =	stream.indirect_vreg.gather [hbm4b:s3+s10], $0x80, v3, vm0, $0xb8;
	[tilespmem:$0x18400] =	vst v63  }
0x27c: {  	v3 =	vld [tilespmem:$0x250];
	_ =	sdelay $0x4  }
0x27d: {  	v53 =	vperm.xlane v3, v0;
	_ =	sdelay $0x1  }
0x27e: {  	v3 =	vperm.xlane v3, v2;
	v4 =	vadd.s32 v1, v53;
	_ =	sdelay $0x1  }
0x27f: {  	v3 =	vadd.s32 v1, v3;
	_ =	sdelay $0x1  }
0x280: {  	s14 =	simm.s32 $0xD400  }
0x281: {  	[tilespmem:s14], [sflag:$0x4] =	stream.indirect_vreg.gather [hbm4b:s3+s10], $0x80, v4, vm0, $0xb8;
	[tilespmem:$0x18400] =	vst v63  }
0x282: {  	s21 =	simm.s32 $0xDC00  }
0x283: {  	[tilespmem:s21], [sflag:$0x4] =	stream.indirect_vreg.gather [hbm4b:s3+s10], $0x80, v3, vm0, $0xb8;
	[tilespmem:$0x18400] =	vst v63  }
0x284: {  	v3 =	vld [tilespmem:$0x260];
	_ =	sdelay $0x4  }
0x285: {  	v54 =	vperm.xlane v3, v0;
	_ =	sdelay $0x1  }
0x286: {  	v3 =	vperm.xlane v3, v2;
	v4 =	vadd.s32 v1, v54;
	_ =	sdelay $0x1  }
0x287: {  	v3 =	vadd.s32 v1, v3;
	_ =	sdelay $0x1  }
0x288: {  	s29 =	simm.s32 $0xE400  }
0x289: {  	[tilespmem:s29], [sflag:$0x4] =	stream.indirect_vreg.gather [hbm4b:s3+s10], $0x80, v4, vm0, $0xb8;
	[tilespmem:$0x18400] =	vst v63  }
0x28a: {  	s14 =	simm.s32 $0xEC00  }
0x28b: {  	[tilespmem:s14], [sflag:$0x4] =	stream.indirect_vreg.gather [hbm4b:s3+s10], $0x80, v3, vm0, $0xb8;
	[tilespmem:$0x18400] =	vst v63  }
0x28c: {  	v3 =	vld [tilespmem:$0x270];
	_ =	sdelay $0x4  }
0x28d: {  	v55 =	vperm.xlane v3, v0;
	_ =	sdelay $0x1  }
0x28e: {  	v3 =	vperm.xlane v3, v2;
	v4 =	vadd.s32 v1, v55;
	_ =	sdelay $0x1  }
0x28f: {  	v3 =	vadd.s32 v1, v3;
	_ =	sdelay $0x1  }
0x290: {  	s21 =	simm.s32 $0xF400  }
0x291: {  	[tilespmem:s21], [sflag:$0x4] =	stream.indirect_vreg.gather [hbm4b:s3+s10], $0x80, v4, vm0, $0xb8;
	[tilespmem:$0x18400] =	vst v63  }
0x292: {  	s29 =	simm.s32 $0xFC00  }
0x293: {  	[tilespmem:s29], [sflag:$0x4] =	stream.indirect_vreg.gather [hbm4b:s3+s10], $0x80, v3, vm0, $0xb8;
	[tilespmem:$0x18400] =	vst v63  }
0x294: {  	v3 =	vld [tilespmem:$0x280];
	_ =	sdelay $0x4  }
0x295: {  	v56 =	vperm.xlane v3, v0;
	_ =	sdelay $0x1  }
0x296: {  	v3 =	vperm.xlane v3, v2;
	v4 =	vadd.s32 v1, v56;
	_ =	sdelay $0x1  }
0x297: {  	v3 =	vadd.s32 v1, v3;
	_ =	sdelay $0x1  }
0x298: {  	s14 =	simm.s32 $0x8800  }
0x299: {  	[tilespmem:s14], [sflag:$0x4] =	stream.indirect_vreg.gather [hbm4b:s4+s10], $0x80, v4, vm0, $0xb8;
	[tilespmem:$0x18400] =	vst v63  }
0x29a: {  	s21 =	simm.s32 $0x9000  }
0x29b: {  	[tilespmem:s21], [sflag:$0x4] =	stream.indirect_vreg.gather [hbm4b:s4+s10], $0x80, v3, vm0, $0xb8;
	[tilespmem:$0x18400] =	vst v63  }
0x29c: {  	v3 =	vld [tilespmem:$0x290];
	_ =	sdelay $0x4  }
0x29d: {  	v57 =	vperm.xlane v3, v0;
	_ =	sdelay $0x1  }
0x29e: {  	v3 =	vperm.xlane v3, v2;
	v4 =	vadd.s32 v1, v57;
	_ =	sdelay $0x1  }
0x29f: {  	v3 =	vadd.s32 v1, v3;
	_ =	sdelay $0x1  }
0x2a0: {  	s29 =	simm.s32 $0x9800  }
0x2a1: {  	[tilespmem:s29], [sflag:$0x4] =	stream.indirect_vreg.gather [hbm4b:s4+s10], $0x80, v4, vm0, $0xb8;
	[tilespmem:$0x18400] =	vst v63  }
0x2a2: {  	s14 =	simm.s32 $0xA000  }
0x2a3: {  	[tilespmem:s14], [sflag:$0x4] =	stream.indirect_vreg.gather [hbm4b:s4+s10], $0x80, v3, vm0, $0xb8;
	[tilespmem:$0x18400] =	vst v63  }
0x2a4: {  	v3 =	vld [tilespmem:$0x2A0];
	_ =	sdelay $0x4  }
0x2a5: {  	v58 =	vperm.xlane v3, v0;
	_ =	sdelay $0x1  }
0x2a6: {  	v3 =	vperm.xlane v3, v2;
	v4 =	vadd.s32 v1, v58;
	_ =	sdelay $0x1  }
0x2a7: {  	v3 =	vadd.s32 v1, v3;
	_ =	sdelay $0x1  }
0x2a8: {  	s21 =	simm.s32 $0xA800  }
0x2a9: {  	[tilespmem:s21], [sflag:$0x4] =	stream.indirect_vreg.gather [hbm4b:s4+s10], $0x80, v4, vm0, $0xb8;
	[tilespmem:$0x18400] =	vst v63  }
0x2aa: {  	s29 =	simm.s32 $0xB000  }
0x2ab: {  	[tilespmem:s29], [sflag:$0x4] =	stream.indirect_vreg.gather [hbm4b:s4+s10], $0x80, v3, vm0, $0xb8;
	[tilespmem:$0x18400] =	vst v63  }
0x2ac: {  	v3 =	vld [tilespmem:$0x2B0];
	_ =	sdelay $0x4  }
0x2ad: {  	v59 =	vperm.xlane v3, v0;
	_ =	sdelay $0x1  }
0x2ae: {  	v3 =	vperm.xlane v3, v2;
	v4 =	vadd.s32 v1, v59;
	_ =	sdelay $0x1  }
0x2af: {  	v3 =	vadd.s32 v1, v3;
	_ =	sdelay $0x1  }
0x2b0: {  	s14 =	simm.s32 $0xB800  }
0x2b1: {  	[tilespmem:s14], [sflag:$0x4] =	stream.indirect_vreg.gather [hbm4b:s4+s10], $0x80, v4, vm0, $0xb8;
	[tilespmem:$0x18400] =	vst v63  }
0x2b2: {  	s21 =	simm.s32 $0xC000  }
0x2b3: {  	[tilespmem:s21], [sflag:$0x4] =	stream.indirect_vreg.gather [hbm4b:s4+s10], $0x80, v3, vm0, $0xb8;
	[tilespmem:$0x18400] =	vst v63  }
0x2b4: {  	v3 =	vld [tilespmem:$0x2C0];
	_ =	sdelay $0x4  }
0x2b5: {  	v60 =	vperm.xlane v3, v0;
	_ =	sdelay $0x1  }
0x2b6: {  	v3 =	vperm.xlane v3, v2;
	v4 =	vadd.s32 v1, v60;
	_ =	sdelay $0x1  }
0x2b7: {  	v3 =	vadd.s32 v1, v3;
	_ =	sdelay $0x2  }
0x2b8: {  	[tilespmem:s15], [sflag:$0x4] =	stream.indirect_vreg.gather [hbm4b:s4+s10], $0x80, v4, vm0, $0xb8;
	[tilespmem:$0x18400] =	vst v63  }
0x2b9: {  	_ = 	snop  }
0x2ba: {  	[tilespmem:s30], [sflag:$0x4] =	stream.indirect_vreg.gather [hbm4b:s4+s10], $0x80, v3, vm0, $0xb8;
	[tilespmem:$0x18400] =	vst v63  }
0x2bb: {  	v3 =	vld [tilespmem:$0x2D0];
	_ =	sdelay $0x4  }
0x2bc: {  	v61 =	vperm.xlane v3, v0;
	_ =	sdelay $0x1  }
0x2bd: {  	v3 =	vperm.xlane v3, v2;
	v4 =	vadd.s32 v1, v61;
	_ =	sdelay $0x1  }
0x2be: {  	v3 =	vadd.s32 v1, v3;
	_ =	sdelay $0x2  }
0x2bf: {  	[tilespmem:s16], [sflag:$0x4] =	stream.indirect_vreg.gather [hbm4b:s4+s10], $0x80, v4, vm0, $0xb8;
	[tilespmem:$0x18400] =	vst v63  }
0x2c0: {  	_ = 	snop  }
0x2c1: {  	[tilespmem:s31], [sflag:$0x4] =	stream.indirect_vreg.gather [hbm4b:s4+s10], $0x80, v3, vm0, $0xb8;
	[tilespmem:$0x18400] =	vst v63  }
0x2c2: {  	v3 =	vld [tilespmem:$0x2E0];
	_ =	sdelay $0x4  }
0x2c3: {  	v62 =	vperm.xlane v3, v0;
	_ =	sdelay $0x1  }
0x2c4: {  	v3 =	vperm.xlane v3, v2;
	v4 =	vadd.s32 v1, v62;
	_ =	sdelay $0x1  }
0x2c5: {  	v3 =	vadd.s32 v1, v3;
	_ =	sdelay $0x2  }
0x2c6: {  	[tilespmem:s17], [sflag:$0x4] =	stream.indirect_vreg.gather [hbm4b:s4+s10], $0x80, v4, vm0, $0xb8;
	[tilespmem:$0x18400] =	vst v63  }
0x2c7: {  	_ = 	snop  }
0x2c8: {  	[tilespmem:s0], [sflag:$0x4] =	stream.indirect_vreg.gather [hbm4b:s4+s10], $0x80, v3, vm0, $0xb8;
	[tilespmem:$0x18400] =	vst v63  }
0x2c9: {  	v3 =	vld [tilespmem:$0x2F0];
	_ =	sdelay $0x4  }
0x2ca: {  	v63 =	vperm.xlane v3, v0;
	_ =	sdelay $0x1  }
0x2cb: {  	v3 =	vperm.xlane v3, v2;
	v4 =	vadd.s32 v1, v63;
	_ =	sdelay $0x1  }
0x2cc: {  	v3 =	vadd.s32 v1, v3;
	_ =	sdelay $0x2  }
0x2cd: {  	[tilespmem:s18], [sflag:$0x4] =	stream.indirect_vreg.gather [hbm4b:s4+s10], $0x80, v4, vm0, $0xb8;
	[tilespmem:$0x18400] =	vst v63  }
0x2ce: {  	_ = 	snop  }
0x2cf: {  	[tilespmem:s2], [sflag:$0x4] =	stream.indirect_vreg.gather [hbm4b:s4+s10], $0x80, v3, vm0, $0xb8;
	[tilespmem:$0x18400] =	vst v63  }
0x2d0: {  	_ = 	snop  }
0x2d1: {  	[tilespmem:s6], [sflag:$0x4] =	stream.indirect.gather [hbm4b:s5+s23], $0x80, s22, s23, $0xb8;
	[tilespmem:$0x18400] =	vst v63  }
0x2d2: {  	_ =	swait.ge [sflag:s19], $0x4000  }
0x2d3: {  	[sflag:s19] =	ssyncset.done $0x0  }
0x2d4: {  	[sflag:s19] =	ssyncadd.s32 $0xFFFFC000  }
0x2d5: {  	_ =	swait.ge [sflag:s19], $0x4000  }
0x2d6: {  	[sflag:s19] =	ssyncset.done $0x0  }
0x2d7: {  	[sflag:s19] =	ssyncadd.s32 $0xFFFFC000  }
0x2d8: {  	_ =	swait.ge [sflag:s19], $0x4000  }
0x2d9: {  	[sflag:s19] =	ssyncset.done $0x0  }
0x2da: {  	s11 =	simm.s32 $0x10480;
	[sflag:s19] =	ssyncadd.s32 $0xFFFFC000  }
0x2db: {  	v3 =	vld [tilespmem:s11+$0xFFFFFF80];
	_ =	sdelay $0x1  }
0x2dc: {  	s14 =	sand.u32 $0x7800, s10  }
0x2dd: {  	s14 =	sor.u32 $0x400, s14;
	s21 =	sand.u32 $0x300, s10  }
0x2de: {  	s21 =	sor.u32 s21, s14  }
0x2df: {  	[tilespmem:s21+$0x440] =	vst v3  }
0x2e0: {  	v3 =	vld [tilespmem:s11+$0xFFFFFF90];
	_ =	sdelay $0x4  }
0x2e1: {  	[tilespmem:s21+$0x450] =	vst v3  }
0x2e2: {  	v3 =	vld [tilespmem:s11+$0xFFFFFFA0];
	_ =	sdelay $0x4  }
0x2e3: {  	[tilespmem:s21+$0x460] =	vst v3  }
0x2e4: {  	v3 =	vld [tilespmem:s11+$0xFFFFFFB0];
	_ =	sdelay $0x4  }
0x2e5: {  	[tilespmem:s21+$0x470] =	vst v3  }
0x2e6: {  	v3 =	vld [tilespmem:s11+$0x0];
	_ =	sdelay $0x1  }
0x2e7: {  	s29 =	simm.s32 $0x80  }
0x2e8: {  	s21 =	sand.u32 $0x380, s29  }
0x2e9: {  	s14 =	sor.u32 s21, s14  }
0x2ea: {  	[tilespmem:s14+$0x440] =	vst v3  }
0x2eb: {  	v3 =	vld [tilespmem:s11+$0x10];
	_ =	sdelay $0x4  }
0x2ec: {  	[tilespmem:s14+$0x450] =	vst v3  }
0x2ed: {  	v3 =	vld [tilespmem:s11+$0x20];
	_ =	sdelay $0x4  }
0x2ee: {  	[tilespmem:s14+$0x460] =	vst v3  }
0x2ef: {  	v3 =	vld [tilespmem:s11+$0x30];
	_ =	sdelay $0x4  }
0x2f0: {  	s28 =	simm.s32 $0x0;
	s21 =	simm.s32 $0x0;
	s11 =	simm.s32 $0x10580;
	[tilespmem:s14+$0x470] =	vst v3  }
.LBB2_6:
0x2f1: {  	v3 =	vld [tilespmem:s11+$0xFFFFFF80];
	s21 =	sadd.s32 $0x2, s21  }
0x2f2: {  	s10 =	sadd.s32 $0x200, s10;
	p0 =	slt.u32 s21, $0x7E  }
0x2f3: {  	s28 =	sadd.s32 $0x100, s28;
	s14 =	sand.u32 $0x7800, s10  }
0x2f4: {  	s29 =	sand.u32 $0x300, s28;
	s14 =	sor.u32 $0x400, s14  }
0x2f5: {  	s29 =	sor.u32 s29, s14  }
0x2f6: {  	[tilespmem:s29+$0x440] =	vst v3  }
0x2f7: {  	v3 =	vld [tilespmem:s11+$0xFFFFFF90];
	_ =	sdelay $0x4  }
0x2f8: {  	[tilespmem:s29+$0x450] =	vst v3  }
0x2f9: {  	v3 =	vld [tilespmem:s11+$0xFFFFFFA0];
	_ =	sdelay $0x4  }
0x2fa: {  	[tilespmem:s29+$0x460] =	vst v3  }
0x2fb: {  	v3 =	vld [tilespmem:s11+$0xFFFFFFB0];
	_ =	sdelay $0x4  }
0x2fc: {  	[tilespmem:s29+$0x470] =	vst v3  }
0x2fd: {  	v3 =	vld [tilespmem:s11+$0x0];
	_ =	sdelay $0x1  }
0x2fe: {  	s29 =	sadd.s32 $0x80, s28  }
0x2ff: {  	s29 =	sand.u32 $0x380, s29  }
0x300: {  	s14 =	sor.u32 s29, s14  }
0x301: {  	[tilespmem:s14+$0x440] =	vst v3  }
0x302: {  	v3 =	vld [tilespmem:s11+$0x10];
	_ =	sdelay $0x4  }
0x303: {  	[tilespmem:s14+$0x450] =	vst v3  }
0x304: {  	v3 =	vld [tilespmem:s11+$0x20];
	_ =	sdelay $0x4  }
0x305: {  	[tilespmem:s14+$0x460] =	vst v3  }
0x306: {  	v3 =	vld [tilespmem:s11+$0x30]  }
.Ltmp2:
0x307: {  	(pc) =	sbr.rel @p0 .LBB2_6-.Ltmp2, $2  }
0x308: {  	_ =	sdelay $0x2  }
0x309: {  	s11 =	sadd.s32 $0x100, s11;
	[tilespmem:s14+$0x470] =	vst v3  }
0x30a: {  	s10 =	simm.s32 $0x0;
	s11 =	rddreg [dreg:$0x11]  }
0x30b: {  	[hbm4b:s11+s10] =	stream.linear.scatter [tilespmem:s26], [sflag:$0x5], $0x8000, $0x38;
	[tilespmem:$0x18400] =	vst v63  }
0x30c: {  	_ =	swait.ge [sflag:s7], $0x8000  }
0x30d: {  	[sflag:s7] =	ssyncset.done $0x0  }
0x30e: {  	[sflag:s7] =	ssyncadd.s32 $0xFFFF8000  }
0x30f: {  	_ =	swait.ge [sflag:s8], $0x4000  }
0x310: {  	[sflag:s8] =	ssyncset.done $0x0  }
0x311: {  	[sflag:s8] =	ssyncadd.s32 $0xFFFFC000  }
0x312: {  	_ =	swait.ge [sflag:s8], $0x4000  }
0x313: {  	[sflag:s8] =	ssyncset.done $0x0  }
0x314: {  	[sflag:s8] =	ssyncadd.s32 $0xFFFFC000  }
0x315: {  	_ =	swait.ge [sflag:s8], $0x4000  }
0x316: {  	[sflag:s8] =	ssyncset.done $0x0  }
0x317: {  	s11 =	simm.s32 $0x144B0;
	[sflag:s8] =	ssyncadd.s32 $0xFFFFC000  }
0x318: {  	v3 =	vld [tilespmem:s11+$0xFFFFFF50];
	_ =	sdelay $0x1  }
0x319: {  	s14 =	simm.s32 $0x0;
	s21 =	sand.u32 $0x7800, s10  }
0x31a: {  	s14 =	sand.u32 $0x300, s14;
	s28 =	sor.u32 $0x400, s21  }
0x31b: {  	s14 =	sor.u32 s14, s28  }
0x31c: {  	[tilespmem:s14+$0x8440] =	vst v3  }
0x31d: {  	v3 =	vld [tilespmem:s11+$0xFFFFFF60];
	_ =	sdelay $0x4  }
0x31e: {  	[tilespmem:s14+$0x8450] =	vst v3  }
0x31f: {  	v3 =	vld [tilespmem:s11+$0xFFFFFF70];
	_ =	sdelay $0x4  }
0x320: {  	[tilespmem:s14+$0x8460] =	vst v3  }
0x321: {  	v3 =	vld [tilespmem:s11+$0xFFFFFF80];
	_ =	sdelay $0x4  }
0x322: {  	[tilespmem:s14+$0x8470] =	vst v3  }
0x323: {  	v3 =	vld [tilespmem:s11+$0xFFFFFFD0];
	_ =	sdelay $0x1  }
0x324: {  	s21 =	simm.s32 $0x80  }
0x325: {  	s29 =	sand.u32 $0x380, s21  }
0x326: {  	s14 =	sor.u32 s29, s28  }
0x327: {  	[tilespmem:s14+$0x8440] =	vst v3  }
0x328: {  	v3 =	vld [tilespmem:s11+$0xFFFFFFE0];
	_ =	sdelay $0x4  }
0x329: {  	[tilespmem:s14+$0x8450] =	vst v3  }
0x32a: {  	v3 =	vld [tilespmem:s11+$0xFFFFFFF0];
	_ =	sdelay $0x4  }
0x32b: {  	[tilespmem:s14+$0x8460] =	vst v3  }
0x32c: {  	v3 =	vld [tilespmem:s11+$0x0];
	_ =	sdelay $0x4  }
0x32d: {  	s28 =	simm.s32 $0x145B0;
	s11 =	simm.s32 $0x0;
	[tilespmem:s14+$0x8470] =	vst v3  }
.LBB2_8:
0x32e: {  	v3 =	vld [tilespmem:s28+$0xFFFFFF50];
	s11 =	sadd.s32 $0x2, s11  }
0x32f: {  	s10 =	sadd.s32 $0x200, s10;
	s21 =	sadd.s32 $0x100, s21;
	p0 =	slt.u32 s11, $0x7E  }
0x330: {  	s14 =	sadd.s32 $0xFFFFFF80, s21;
	s29 =	sand.u32 $0x7800, s10  }
0x331: {  	s14 =	sand.u32 $0x300, s14;
	s29 =	sor.u32 $0x400, s29  }
0x332: {  	s14 =	sor.u32 s14, s29  }
0x333: {  	[tilespmem:s14+$0x8440] =	vst v3  }
0x334: {  	v3 =	vld [tilespmem:s28+$0xFFFFFF60];
	_ =	sdelay $0x4  }
0x335: {  	[tilespmem:s14+$0x8450] =	vst v3  }
0x336: {  	v3 =	vld [tilespmem:s28+$0xFFFFFF70];
	_ =	sdelay $0x4  }
0x337: {  	[tilespmem:s14+$0x8460] =	vst v3  }
0x338: {  	v3 =	vld [tilespmem:s28+$0xFFFFFF80];
	_ =	sdelay $0x4  }
0x339: {  	[tilespmem:s14+$0x8470] =	vst v3  }
0x33a: {  	v3 =	vld [tilespmem:s28+$0xFFFFFFD0];
	_ =	sdelay $0x2  }
0x33b: {  	s14 =	sand.u32 $0x380, s21  }
0x33c: {  	s14 =	sor.u32 s14, s29  }
0x33d: {  	[tilespmem:s14+$0x8440] =	vst v3  }
0x33e: {  	v3 =	vld [tilespmem:s28+$0xFFFFFFE0];
	_ =	sdelay $0x4  }
0x33f: {  	[tilespmem:s14+$0x8450] =	vst v3  }
0x340: {  	v3 =	vld [tilespmem:s28+$0xFFFFFFF0];
	_ =	sdelay $0x4  }
0x341: {  	[tilespmem:s14+$0x8460] =	vst v3  }
0x342: {  	v3 =	vld [tilespmem:s28+$0x0]  }
.Ltmp3:
0x343: {  	(pc) =	sbr.rel @p0 .LBB2_8-.Ltmp3, $2  }
0x344: {  	_ =	sdelay $0x2  }
0x345: {  	s28 =	sadd.s32 $0x100, s28;
	[tilespmem:s14+$0x8470] =	vst v3  }
0x346: {  	s10 =	rddreg [dreg:$0x12]  }
0x347: {  	[hbm4b:s10+s1] =	stream.linear.scatter [tilespmem:s13], [sflag:$0x6], $0x8000, $0x38;
	[tilespmem:$0x18400] =	vst v63  }
0x348: {  	_ =	swait.ge [sflag:s9], $0x8000  }
0x349: {  	s20 =	sadd.s32 $0x1, s20;
	s29 =	rddreg [dreg:$0x13]  }
0x34a: {  	p0 =	sne.s32 s20, s29  }
.Ltmp4:
0x34b: {  	_ = 	snop;
	(pc) =	sbr.rel @p0 .LBB2_1-.Ltmp4, $3  }
0x34c: {  	_ =	sdelay $0x1  }
0x34d: {  	[sflag:s9] =	ssyncset.done $0x0  }
0x34e: {  	[sflag:s9] =	ssyncadd.s32 $0xFFFF8000  }
0x34f: {  	_ =	sfence.sel $0x180000  }
0x350: {  	[bflag:$0x0] =	sbarrier.arrive $0xFFFF  }
0x351: {  	_ =	strace $0x90000047  }
0x352: {  	s0 =	stileid.u32;
	[bflag:$0x2] =	sbarrier.arrive $0xFFFF  }
0x353: {  	p0 =	sne.s32 s0, $0x0;
	s0 =	rddreg [dreg:$0x2]  }
0x354: {  	s0 =	sadd.s32 @!p0 $0x100000, s0  }
0x355: {  	[sflag:s0] =	ssyncadd.tile.s32 @!p0 $0x1;
	_ =	shalt  }
.Lfunc_end2:
_tile_overlayer_lowered:
.L_overlay_start_2:
0x356: {  	(tag) =	ssettag $0x2  }
0x357: {  	s0 =	rddreg [dreg:$0x0];
	s2 =	stileid.u32  }
0x358: {  	s1 =	rddreg [dreg:$0x1];
	p0 =	sne.s32 s2, $0x0  }
0x359: {  	s3 =	rddreg [dreg:$0x2];
	[bflag:$0x3] =	sbarrier.arrive $0xFFFF;
	s2 =	simm.s32 @!p0 $0x1C07  }
0x35a: {  	[timem:s3], [sflag:s2] =	dma.local @!p0 [hbm:s0], s1  }
0x35b: {  	s0 =	simm.s32 @!p0 $0x7  }
0x35c: {  	_ =	swait.ge @!p0 [sflag:s0], s1  }
0x35d: {  	s1 =	ssub.s32 @!p0 $0x0, s1;
	[sflag:s0] =	ssyncset.done @!p0 $0x0  }
0x35e: {  	[sflag:s0] =	ssyncadd.s32 @!p0 s1  }
0x35f: {  	[bflag:$0x3] =	sbarrier.arrive $0xFFFF  }
0x360: {  	_ =	shalt  }

</sc_bundles>
